<compile_context>
chip_gen: v7x
topology: tpu7x:2x2x1
jax: 0.10.2.dev20260603
libtpu: 0.0.44.dev20260713+nightly
codegen_flags: <defaults>
</compile_context>

<pallas_src>
import functools

import jax
import jax.numpy as jnp
from jax import lax
from jax.experimental import pallas as pl
from jax.experimental.pallas import tpu as pltpu
from jax.experimental.pallas import tpu_sc as plsc

N = 16384
B = 8
DIM = 512
H = 8
DH = DIM // H
SEG = N // B
SCALE = DH ** -0.5

_NW = 32
_RPW = N // _NW
_CHUNK = 64
_NCH = _RPW // _CHUNK
_NV = DIM // 16


def _sc_mean_body(xa_hbm, out_hbm, buf0, buf1, sem0, sem1):
    wid = lax.axis_index("s") * 2 + lax.axis_index("c")
    base = wid * _RPW
    bufs = (buf0, buf1)
    sems = (sem0, sem1)
    copies = [pltpu.async_copy(xa_hbm.at[pl.ds(base, _CHUNK)], buf0, sem0)]
    acc = tuple(jnp.zeros((16,), jnp.float32) for _ in range(_NV))
    for ci in range(_NCH):
        if ci + 1 < _NCH:
            copies.append(pltpu.async_copy(
                xa_hbm.at[pl.ds(base + (ci + 1) * _CHUNK, _CHUNK)],
                bufs[(ci + 1) % 2], sems[(ci + 1) % 2]))
        copies[ci].wait()
        buf = bufs[ci % 2]

        def rowf(r, a, buf=buf):
            return tuple(a[j] + buf[r, pl.ds(j * 16, 16)] for j in range(_NV))

        acc = lax.fori_loop(0, _CHUNK, rowf, acc)
    for j in range(_NV):
        buf0[0, pl.ds(j * 16, 16)] = acc[j]
    pltpu.sync_copy(buf0.at[0], out_hbm.at[wid])


@functools.partial(
    pl.kernel,
    out_type=jax.ShapeDtypeStruct((_NW, DIM), jnp.float32),
    mesh=plsc.VectorSubcoreMesh(core_axis_name="c", subcore_axis_name="s"),
    scratch_types=[
        pltpu.VMEM((_CHUNK, DIM), jnp.float32),
        pltpu.VMEM((_CHUNK, DIM), jnp.float32),
        pltpu.SemaphoreType.DMA,
        pltpu.SemaphoreType.DMA,
    ],
)
def _sc_mean(xa_hbm, out_hbm, buf0, buf1, sem0, sem1):
    _sc_mean_body(xa_hbm, out_hbm, buf0, buf1, sem0, sem1)


def _dot_t(a, b):
    return lax.dot_general(a, b, (((1,), (1,)), ((), ())),
                           preferred_element_type=jnp.float32)


def _attn_body(part_ref, xb_ref, wq_ref, wk_ref, wv_ref, wp_ref, bp_ref,
               wr1_ref, br1_ref, wr2_ref, br2_ref, gamma_ref, wo_ref, d_ref):
    cls = jnp.sum(part_ref[...], axis=(0, 1)).reshape(1, DIM) * (1.0 / SEG)
    q = _dot_t(cls, wq_ref[...])
    row = lax.broadcasted_iota(jnp.int32, (H, DIM), 0)
    col = lax.broadcasted_iota(jnp.int32, (H, DIM), 1)
    maskf = (col // DH == row).astype(jnp.float32)
    g = lax.dot_general(maskf * q, wk_ref[...], (((1,), (0,)), ((), ())),
                        preferred_element_type=jnp.float32)
    xb = xb_ref[...]
    logits = _dot_t(xb, g) * SCALE
    m = jnp.max(logits, axis=0, keepdims=True)
    w = jnp.exp(logits - m)
    z = jnp.sum(w, axis=0)
    s = lax.dot_general(w, xb, (((0,), (0,)), ((), ())),
                        preferred_element_type=jnp.float32)
    s = s / z.reshape(H, 1)
    full_t = _dot_t(s, wv_ref[...])
    out_flat = jnp.sum(full_t * maskf, axis=0, keepdims=True)
    out_cls = _dot_t(out_flat, wp_ref[...]) + bp_ref[...]
    h1 = jnp.maximum(_dot_t(out_cls, wr1_ref[...]) + br1_ref[...], 0.0)
    cls_proj = _dot_t(h1, wr2_ref[...]) + br2_ref[...]
    e = _dot_t(gamma_ref[0, 0] * cls_proj, wo_ref[...])
    d_ref[...] = e.reshape(1, 1, DIM)


def _mm_body(xa_ref, wo_ref, bo_ref, o_ref):
    o_ref[...] = _dot_t(xa_ref[...], wo_ref[...]) + bo_ref[...]


def _add_body(y_ref, e_ref, o_ref):
    o_ref[...] = y_ref[...] + e_ref[...].reshape(1, DIM)


_ROWS = 2048


@jax.jit
def kernel(x_a, x_b, offset, Wq, Wk, Wv, Wp, bp, Wr1, br1, Wr2, br2,
           gamma, Wo, bo):
    del offset
    full = lambda r, c: pl.BlockSpec((r, c), lambda i: (0, 0))
    bp2 = bp.reshape(1, DIM)
    br1_2 = br1.reshape(1, DIM)
    br2_2 = br2.reshape(1, DIM)
    bo2 = bo.reshape(1, DIM)
    gamma2 = gamma.reshape(1, 1)

    partials = _sc_mean(x_a).reshape(B, _NW // B, DIM)

    d = pl.pallas_call(
        _attn_body,
        grid=(B,),
        in_specs=[
            pl.BlockSpec((1, _NW // B, DIM), lambda b: (b, 0, 0)),
            pl.BlockSpec((SEG, DIM), lambda b: (b, 0)),
            full(DIM, DIM), full(DIM, DIM), full(DIM, DIM), full(DIM, DIM),
            full(1, DIM),
            full(DIM, DIM), full(1, DIM),
            full(DIM, DIM), full(1, DIM),
            full(1, 1),
            full(DIM, DIM),
        ],
        out_specs=pl.BlockSpec((1, 1, DIM), lambda b: (b, 0, 0)),
        out_shape=jax.ShapeDtypeStruct((B, 1, DIM), jnp.float32),
    )(partials, x_b, Wq, Wk, Wv, Wp, bp2, Wr1, br1_2, Wr2, br2_2, gamma2, Wo)

    y = pl.pallas_call(
        _mm_body,
        grid=(N // _ROWS,),
        in_specs=[
            pl.BlockSpec((_ROWS, DIM), lambda i: (i, 0)),
            full(DIM, DIM),
            full(1, DIM),
        ],
        out_specs=pl.BlockSpec((_ROWS, DIM), lambda i: (i, 0)),
        out_shape=jax.ShapeDtypeStruct((N, DIM), jnp.float32),
    )(x_a, Wo, bo2)

    x_out = pl.pallas_call(
        _add_body,
        grid=(N // _ROWS,),
        in_specs=[
            pl.BlockSpec((_ROWS, DIM), lambda i: (i, 0)),
            pl.BlockSpec((1, 1, DIM), lambda i: (i // (SEG // _ROWS), 0, 0)),
        ],
        out_specs=pl.BlockSpec((_ROWS, DIM), lambda i: (i, 0)),
        out_shape=jax.ShapeDtypeStruct((N, DIM), jnp.float32),
    )(y, d)
    return x_out

# --- scband reference (transcript-rebuilt; emitter-appended) ---
"""Pipeline reference for scband-cross-vi-tpoint-fusion-49194555408656 (READ-ONLY COPY).

The authoritative reference and input builder live on the scoring server;
editing this copy changes nothing except your own understanding.
"""

import jax, jax.numpy as jnp
import numpy as np

N = 16384
B = 8
DIM = 512
H = 8
DH = DIM // H


def setup_inputs(seed: int = 0) -> dict:
    key = jax.random.key(seed)
    ks = [jax.random.fold_in(key, i) for i in range(16)]
    x_a = jax.random.normal(ks[0], (N, DIM), dtype=jnp.float32)
    x_b = jax.random.normal(ks[1], (N, DIM), dtype=jnp.float32)
    # cumulative counts; equal splits so offset[-1] == N (valid ragged batch)
    offset = (jnp.arange(1, B + 1) * (N // B)).astype(jnp.int32)
    s = 0.02
    Wq = jax.random.normal(ks[2], (DIM, DIM), dtype=jnp.float32) * s
    Wk = jax.random.normal(ks[3], (DIM, DIM), dtype=jnp.float32) * s
    Wv = jax.random.normal(ks[4], (DIM, DIM), dtype=jnp.float32) * s
    Wp = jax.random.normal(ks[5], (DIM, DIM), dtype=jnp.float32) * s
    bp = jnp.zeros((DIM,), dtype=jnp.float32)
    Wr1 = jax.random.normal(ks[6], (DIM, DIM), dtype=jnp.float32) * s
    br1 = jnp.zeros((DIM,), dtype=jnp.float32)
    Wr2 = jax.random.normal(ks[7], (DIM, DIM), dtype=jnp.float32) * s
    br2 = jnp.zeros((DIM,), dtype=jnp.float32)
    gamma = jnp.zeros((1,), dtype=jnp.float32) + 0.1
    Wo = jax.random.normal(ks[8], (DIM, DIM), dtype=jnp.float32) * s
    bo = jnp.zeros((DIM,), dtype=jnp.float32)
    return {"x_a": x_a, "x_b": x_b, "offset": offset, "Wq": Wq, "Wk": Wk, "Wv": Wv,
            "Wp": Wp, "bp": bp, "Wr1": Wr1, "br1": br1, "Wr2": Wr2, "br2": br2,
            "gamma": gamma, "Wo": Wo, "bo": bo}


def reference(x_a, x_b, offset, Wq, Wk, Wv, Wp, bp, Wr1, br1, Wr2, br2, gamma, Wo, bo):
    n = x_a.shape[0]
    b = offset.shape[0]
    scale = DH ** (-0.5)
    # segment id for each token from cumulative offsets
    seg = jnp.searchsorted(offset, jnp.arange(n), side="right")
    counts = jnp.diff(offset, prepend=jnp.zeros((1,), dtype=offset.dtype)).astype(jnp.float32)
    # per-sample CLS tokens via segment mean
    cls_a = jax.ops.segment_sum(x_a, seg, num_segments=b) / counts[:, None]
    # projections (qkv_bias=False)
    q = cls_a @ Wq.T                      # (B, DIM)
    k = (x_b @ Wk.T).reshape(n, H, DH)    # (N, H, DH)
    v = (x_b @ Wv.T).reshape(n, H, DH)    # (N, H, DH)
    qh = q.reshape(b, H, DH)
    # ragged cross-attention: query = cls_a, keys/values = tokens of branch B
    logits = jnp.einsum("nhd,nhd->nh", k, qh[seg]) * scale   # (N, H)
    m = jax.ops.segment_max(logits, seg, num_segments=b)
    w = jnp.exp(logits - m[seg])
    z = jax.ops.segment_sum(w, seg, num_segments=b)
    p = w / z[seg]                                            # softmax within segment
    out_h = jax.ops.segment_sum(p[:, :, None] * v, seg, num_segments=b)  # (B, H, DH)
    out_cls = out_h.reshape(b, DIM) @ Wp.T + bp
    # reproj MLP + broadcast back to points
    cls_proj = jax.nn.relu(out_cls @ Wr1.T + br1) @ Wr2.T + br2
    fused = x_a + gamma * cls_proj[seg]
    x_out = fused @ Wo.T + bo
    return x_out

if __name__ == "__main__":
    import jax
    _d = setup_inputs()
    print(jax.jit(kernel)(*tuple(_d.values())))

</pallas_src>

<mosaic_0001>
#map = affine_map<(d0, d1) -> (0, 0)>
module attributes {stable_mosaic.version = 14 : i64} {
  func.func @_sc_mean(%arg0: i32, %arg1: i32, %arg2: memref<16384x512xf32, #tpu.memory_space<hbm>>, %arg3: memref<32x512xf32, #tpu.memory_space<hbm>>, %arg4: memref<64x512xf32, #tpu.memory_space<vmem>>, %arg5: memref<64x512xf32, #tpu.memory_space<vmem>>, %arg6: memref<!tpu.dma_semaphore, #tpu.memory_space<semaphore_mem>>, %arg7: memref<!tpu.dma_semaphore, #tpu.memory_space<semaphore_mem>>) attributes {dimension_semantics = [#tpu.dimension_semantics<core_parallel>, #tpu.dimension_semantics<subcore_parallel>], iteration_bounds = array<i64: 2, 16>, scalar_prefetch = 0 : i64, scratch_operands = 4 : i64, tpu.core_type = #tpu.core_type<sc_vector_subcore>, window_params = [{transform_indices = #map}, {transform_indices = #map}]} {
    %mul3A = arith.constant 2 : i32
    %mul3A_0 = arith.muli %arg1, %mul3A : i32
    %add3A = arith.addi %mul3A_0, %arg0 : i32
    %mul3A_1 = arith.constant 512 : i32
    %mul3A_2 = arith.muli %add3A, %mul3A_1 : i32
    %dma_start3A = arith.constant 0 : i32
    %dma_start3A_3 = tpu.memref_slice %arg2[%mul3A_2, %dma_start3A] : memref<16384x512xf32, #tpu.memory_space<hbm>> -> memref<64x512xf32, #tpu.memory_space<hbm>>
    %dma_start3A_4 = arith.constant 0 : i32
    %dma_start3A_5 = tpu.memref_slice %arg2[%mul3A_2, %dma_start3A_4] : memref<16384x512xf32, #tpu.memory_space<hbm>> -> memref<64x512xf32, #tpu.memory_space<hbm>>
    tpu.enqueue_dma source(%dma_start3A_5 : memref<64x512xf32, #tpu.memory_space<hbm>>) target(%arg4 : memref<64x512xf32, #tpu.memory_space<vmem>>) target_semaphore(%arg6 : memref<!tpu.dma_semaphore, #tpu.memory_space<semaphore_mem>>)
    %broadcast_in_dim3A = arith.constant 0.000000e+00 : f32
    %broadcast_in_dim3A_6 = vector.broadcast %broadcast_in_dim3A : f32 to vector<16xf32>
    %broadcast_in_dim3A_7 = arith.constant 0.000000e+00 : f32
    %broadcast_in_dim3A_8 = vector.broadcast %broadcast_in_dim3A_7 : f32 to vector<16xf32>
    %broadcast_in_dim3A_9 = arith.constant 0.000000e+00 : f32
    %broadcast_in_dim3A_10 = vector.broadcast %broadcast_in_dim3A_9 : f32 to vector<16xf32>
    %broadcast_in_dim3A_11 = arith.constant 0.000000e+00 : f32
    %broadcast_in_dim3A_12 = vector.broadcast %broadcast_in_dim3A_11 : f32 to vector<16xf32>
    %broadcast_in_dim3A_13 = arith.constant 0.000000e+00 : f32
    %broadcast_in_dim3A_14 = vector.broadcast %broadcast_in_dim3A_13 : f32 to vector<16xf32>
    %broadcast_in_dim3A_15 = arith.constant 0.000000e+00 : f32
    %broadcast_in_dim3A_16 = vector.broadcast %broadcast_in_dim3A_15 : f32 to vector<16xf32>
    %broadcast_in_dim3A_17 = arith.constant 0.000000e+00 : f32
    %broadcast_in_dim3A_18 = vector.broadcast %broadcast_in_dim3A_17 : f32 to vector<16xf32>
    %broadcast_in_dim3A_19 = arith.constant 0.000000e+00 : f32
    %broadcast_in_dim3A_20 = vector.broadcast %broadcast_in_dim3A_19 : f32 to vector<16xf32>
    %broadcast_in_dim3A_21 = arith.constant 0.000000e+00 : f32
    %broadcast_in_dim3A_22 = vector.broadcast %broadcast_in_dim3A_21 : f32 to vector<16xf32>
    %broadcast_in_dim3A_23 = arith.constant 0.000000e+00 : f32
    %broadcast_in_dim3A_24 = vector.broadcast %broadcast_in_dim3A_23 : f32 to vector<16xf32>
    %broadcast_in_dim3A_25 = arith.constant 0.000000e+00 : f32
    %broadcast_in_dim3A_26 = vector.broadcast %broadcast_in_dim3A_25 : f32 to vector<16xf32>
    %broadcast_in_dim3A_27 = arith.constant 0.000000e+00 : f32
    %broadcast_in_dim3A_28 = vector.broadcast %broadcast_in_dim3A_27 : f32 to vector<16xf32>
    %broadcast_in_dim3A_29 = arith.constant 0.000000e+00 : f32
    %broadcast_in_dim3A_30 = vector.broadcast %broadcast_in_dim3A_29 : f32 to vector<16xf32>
    %broadcast_in_dim3A_31 = arith.constant 0.000000e+00 : f32
    %broadcast_in_dim3A_32 = vector.broadcast %broadcast_in_dim3A_31 : f32 to vector<16xf32>
    %broadcast_in_dim3A_33 = arith.constant 0.000000e+00 : f32
    %broadcast_in_dim3A_34 = vector.broadcast %broadcast_in_dim3A_33 : f32 to vector<16xf32>
    %broadcast_in_dim3A_35 = arith.constant 0.000000e+00 : f32
    %broadcast_in_dim3A_36 = vector.broadcast %broadcast_in_dim3A_35 : f32 to vector<16xf32>
    %broadcast_in_dim3A_37 = arith.constant 0.000000e+00 : f32
    %broadcast_in_dim3A_38 = vector.broadcast %broadcast_in_dim3A_37 : f32 to vector<16xf32>
    %broadcast_in_dim3A_39 = arith.constant 0.000000e+00 : f32
    %broadcast_in_dim3A_40 = vector.broadcast %broadcast_in_dim3A_39 : f32 to vector<16xf32>
    %broadcast_in_dim3A_41 = arith.constant 0.000000e+00 : f32
    %broadcast_in_dim3A_42 = vector.broadcast %broadcast_in_dim3A_41 : f32 to vector<16xf32>
    %broadcast_in_dim3A_43 = arith.constant 0.000000e+00 : f32
    %broadcast_in_dim3A_44 = vector.broadcast %broadcast_in_dim3A_43 : f32 to vector<16xf32>
    %broadcast_in_dim3A_45 = arith.constant 0.000000e+00 : f32
    %broadcast_in_dim3A_46 = vector.broadcast %broadcast_in_dim3A_45 : f32 to vector<16xf32>
    %broadcast_in_dim3A_47 = arith.constant 0.000000e+00 : f32
    %broadcast_in_dim3A_48 = vector.broadcast %broadcast_in_dim3A_47 : f32 to vector<16xf32>
    %broadcast_in_dim3A_49 = arith.constant 0.000000e+00 : f32
    %broadcast_in_dim3A_50 = vector.broadcast %broadcast_in_dim3A_49 : f32 to vector<16xf32>
    %broadcast_in_dim3A_51 = arith.constant 0.000000e+00 : f32
    %broadcast_in_dim3A_52 = vector.broadcast %broadcast_in_dim3A_51 : f32 to vector<16xf32>
    %broadcast_in_dim3A_53 = arith.constant 0.000000e+00 : f32
    %broadcast_in_dim3A_54 = vector.broadcast %broadcast_in_dim3A_53 : f32 to vector<16xf32>
    %broadcast_in_dim3A_55 = arith.constant 0.000000e+00 : f32
    %broadcast_in_dim3A_56 = vector.broadcast %broadcast_in_dim3A_55 : f32 to vector<16xf32>
    %broadcast_in_dim3A_57 = arith.constant 0.000000e+00 : f32
    %broadcast_in_dim3A_58 = vector.broadcast %broadcast_in_dim3A_57 : f32 to vector<16xf32>
    %broadcast_in_dim3A_59 = arith.constant 0.000000e+00 : f32
    %broadcast_in_dim3A_60 = vector.broadcast %broadcast_in_dim3A_59 : f32 to vector<16xf32>
    %broadcast_in_dim3A_61 = arith.constant 0.000000e+00 : f32
    %broadcast_in_dim3A_62 = vector.broadcast %broadcast_in_dim3A_61 : f32 to vector<16xf32>
    %broadcast_in_dim3A_63 = arith.constant 0.000000e+00 : f32
    %broadcast_in_dim3A_64 = vector.broadcast %broadcast_in_dim3A_63 : f32 to vector<16xf32>
    %broadcast_in_dim3A_65 = arith.constant 0.000000e+00 : f32
    %broadcast_in_dim3A_66 = vector.broadcast %broadcast_in_dim3A_65 : f32 to vector<16xf32>
    %broadcast_in_dim3A_67 = arith.constant 0.000000e+00 : f32
    %broadcast_in_dim3A_68 = vector.broadcast %broadcast_in_dim3A_67 : f32 to vector<16xf32>
    %add3A_69 = arith.constant 64 : i32
    %add3A_70 = arith.addi %mul3A_2, %add3A_69 : i32
    %dma_start3A_71 = arith.constant 0 : i32
    %dma_start3A_72 = tpu.memref_slice %arg2[%add3A_70, %dma_start3A_71] : memref<16384x512xf32, #tpu.memory_space<hbm>> -> memref<64x512xf32, #tpu.memory_space<hbm>>
    %dma_start3A_73 = arith.constant 0 : i32
    %dma_start3A_74 = tpu.memref_slice %arg2[%add3A_70, %dma_start3A_73] : memref<16384x512xf32, #tpu.memory_space<hbm>> -> memref<64x512xf32, #tpu.memory_space<hbm>>
    tpu.enqueue_dma source(%dma_start3A_74 : memref<64x512xf32, #tpu.memory_space<hbm>>) target(%arg5 : memref<64x512xf32, #tpu.memory_space<vmem>>) target_semaphore(%arg7 : memref<!tpu.dma_semaphore, #tpu.memory_space<semaphore_mem>>)
    %dma_wait3A = arith.constant 0 : i32
    %dma_wait3A_75 = tpu.memref_slice %arg2[%mul3A_2, %dma_wait3A] : memref<16384x512xf32, #tpu.memory_space<hbm>> -> memref<64x512xf32, #tpu.memory_space<hbm>>
    %dma_wait3A_76 = arith.constant 0 : i32
    %dma_wait3A_77 = tpu.memref_slice %arg2[%mul3A_2, %dma_wait3A_76] : memref<16384x512xf32, #tpu.memory_space<hbm>> -> memref<64x512xf32, #tpu.memory_space<hbm>>
    tpu.wait_dma2 semaphore(%arg6 : memref<!tpu.dma_semaphore, #tpu.memory_space<semaphore_mem>>) src(%dma_wait3A_77 : memref<64x512xf32, #tpu.memory_space<hbm>>) dst(%arg4 : memref<64x512xf32, #tpu.memory_space<vmem>>)
    %scan3A = arith.constant 0 : i32
    %scan3A_78 = arith.constant 64 : i32
    %scan3A_79 = arith.addi %scan3A, %scan3A_78 : i32
    %scan3A_80 = arith.constant 1 : i32
    %scan3A_81:32 = scf.for %scan3A_380 = %scan3A to %scan3A_79 step %scan3A_80 iter_args(%scan3A_381 = %broadcast_in_dim3A_6, %scan3A_382 = %broadcast_in_dim3A_8, %scan3A_383 = %broadcast_in_dim3A_10, %scan3A_384 = %broadcast_in_dim3A_12, %scan3A_385 = %broadcast_in_dim3A_14, %scan3A_386 = %broadcast_in_dim3A_16, %scan3A_387 = %broadcast_in_dim3A_18, %scan3A_388 = %broadcast_in_dim3A_20, %scan3A_389 = %broadcast_in_dim3A_22, %scan3A_390 = %broadcast_in_dim3A_24, %scan3A_391 = %broadcast_in_dim3A_26, %scan3A_392 = %broadcast_in_dim3A_28, %scan3A_393 = %broadcast_in_dim3A_30, %scan3A_394 = %broadcast_in_dim3A_32, %scan3A_395 = %broadcast_in_dim3A_34, %scan3A_396 = %broadcast_in_dim3A_36, %scan3A_397 = %broadcast_in_dim3A_38, %scan3A_398 = %broadcast_in_dim3A_40, %scan3A_399 = %broadcast_in_dim3A_42, %scan3A_400 = %broadcast_in_dim3A_44, %scan3A_401 = %broadcast_in_dim3A_46, %scan3A_402 = %broadcast_in_dim3A_48, %scan3A_403 = %broadcast_in_dim3A_50, %scan3A_404 = %broadcast_in_dim3A_52, %scan3A_405 = %broadcast_in_dim3A_54, %scan3A_406 = %broadcast_in_dim3A_56, %scan3A_407 = %broadcast_in_dim3A_58, %scan3A_408 = %broadcast_in_dim3A_60, %scan3A_409 = %broadcast_in_dim3A_62, %scan3A_410 = %broadcast_in_dim3A_64, %scan3A_411 = %broadcast_in_dim3A_66, %scan3A_412 = %broadcast_in_dim3A_68) -> (vector<16xf32>, vector<16xf32>, vector<16xf32>, vector<16xf32>, vector<16xf32>, vector<16xf32>, vector<16xf32>, vector<16xf32>, vector<16xf32>, vector<16xf32>, vector<16xf32>, vector<16xf32>, vector<16xf32>, vector<16xf32>, vector<16xf32>, vector<16xf32>, vector<16xf32>, vector<16xf32>, vector<16xf32>, vector<16xf32>, vector<16xf32>, vector<16xf32>, vector<16xf32>, vector<16xf32>, vector<16xf32>, vector<16xf32>, vector<16xf32>, vector<16xf32>, vector<16xf32>, vector<16xf32>, vector<16xf32>, vector<16xf32>)  : i32 {
      %get3A = arith.index_cast %scan3A_380 : i32 to index
      %get3A_413 = arith.constant 0 : index
      %get3A_414 = tpu.vector_load %arg4[%get3A, %get3A_413] {strides = array<i32>} : memref<64x512xf32, #tpu.memory_space<vmem>>, vector<1x16xf32>,
      %get3A_415 = vector.shape_cast %get3A_414 : vector<1x16xf32> to vector<16xf32>
      %add3A_416 = arith.addf %scan3A_381, %get3A_415 : vector<16xf32>
      %get3A_417 = arith.index_cast %scan3A_380 : i32 to index
      %get3A_418 = arith.constant 16 : index
      %get3A_419 = tpu.vector_load %arg4[%get3A_417, %get3A_418] {strides = array<i32>} : memref<64x512xf32, #tpu.memory_space<vmem>>, vector<1x16xf32>,
      %get3A_420 = vector.shape_cast %get3A_419 : vector<1x16xf32> to vector<16xf32>
      %add3A_421 = arith.addf %scan3A_382, %get3A_420 : vector<16xf32>
      %get3A_422 = arith.index_cast %scan3A_380 : i32 to index
      %get3A_423 = arith.constant 32 : index
      %get3A_424 = tpu.vector_load %arg4[%get3A_422, %get3A_423] {strides = array<i32>} : memref<64x512xf32, #tpu.memory_space<vmem>>, vector<1x16xf32>,
      %get3A_425 = vector.shape_cast %get3A_424 : vector<1x16xf32> to vector<16xf32>
      %add3A_426 = arith.addf %scan3A_383, %get3A_425 : vector<16xf32>
      %get3A_427 = arith.index_cast %scan3A_380 : i32 to index
      %get3A_428 = arith.constant 48 : index
      %get3A_429 = tpu.vector_load %arg4[%get3A_427, %get3A_428] {strides = array<i32>} : memref<64x512xf32, #tpu.memory_space<vmem>>, vector<1x16xf32>,
      %get3A_430 = vector.shape_cast %get3A_429 : vector<1x16xf32> to vector<16xf32>
      %add3A_431 = arith.addf %scan3A_384, %get3A_430 : vector<16xf32>
      %get3A_432 = arith.index_cast %scan3A_380 : i32 to index
      %get3A_433 = arith.constant 64 : index
      %get3A_434 = tpu.vector_load %arg4[%get3A_432, %get3A_433] {strides = array<i32>} : memref<64x512xf32, #tpu.memory_space<vmem>>, vector<1x16xf32>,
      %get3A_435 = vector.shape_cast %get3A_434 : vector<1x16xf32> to vector<16xf32>
      %add3A_436 = arith.addf %scan3A_385, %get3A_435 : vector<16xf32>
      %get3A_437 = arith.index_cast %scan3A_380 : i32 to index
      %get3A_438 = arith.constant 80 : index
      %get3A_439 = tpu.vector_load %arg4[%get3A_437, %get3A_438] {strides = array<i32>} : memref<64x512xf32, #tpu.memory_space<vmem>>, vector<1x16xf32>,
      %get3A_440 = vector.shape_cast %get3A_439 : vector<1x16xf32> to vector<16xf32>
      %add3A_441 = arith.addf %scan3A_386, %get3A_440 : vector<16xf32>
      %get3A_442 = arith.index_cast %scan3A_380 : i32 to index
      %get3A_443 = arith.constant 96 : index
      %get3A_444 = tpu.vector_load %arg4[%get3A_442, %get3A_443] {strides = array<i32>} : memref<64x512xf32, #tpu.memory_space<vmem>>, vector<1x16xf32>,
      %get3A_445 = vector.shape_cast %get3A_444 : vector<1x16xf32> to vector<16xf32>
      %add3A_446 = arith.addf %scan3A_387, %get3A_445 : vector<16xf32>
      %get3A_447 = arith.index_cast %scan3A_380 : i32 to index
      %get3A_448 = arith.constant 112 : index
      %get3A_449 = tpu.vector_load %arg4[%get3A_447, %get3A_448] {strides = array<i32>} : memref<64x512xf32, #tpu.memory_space<vmem>>, vector<1x16xf32>,
      %get3A_450 = vector.shape_cast %get3A_449 : vector<1x16xf32> to vector<16xf32>
      %add3A_451 = arith.addf %scan3A_388, %get3A_450 : vector<16xf32>
      %get3A_452 = arith.index_cast %scan3A_380 : i32 to index
      %get3A_453 = arith.constant 128 : index
      %get3A_454 = tpu.vector_load %arg4[%get3A_452, %get3A_453] {strides = array<i32>} : memref<64x512xf32, #tpu.memory_space<vmem>>, vector<1x16xf32>,
      %get3A_455 = vector.shape_cast %get3A_454 : vector<1x16xf32> to vector<16xf32>
      %add3A_456 = arith.addf %scan3A_389, %get3A_455 : vector<16xf32>
      %get3A_457 = arith.index_cast %scan3A_380 : i32 to index
      %get3A_458 = arith.constant 144 : index
      %get3A_459 = tpu.vector_load %arg4[%get3A_457, %get3A_458] {strides = array<i32>} : memref<64x512xf32, #tpu.memory_space<vmem>>, vector<1x16xf32>,
      %get3A_460 = vector.shape_cast %get3A_459 : vector<1x16xf32> to vector<16xf32>
      %add3A_461 = arith.addf %scan3A_390, %get3A_460 : vector<16xf32>
      %get3A_462 = arith.index_cast %scan3A_380 : i32 to index
      %get3A_463 = arith.constant 160 : index
      %get3A_464 = tpu.vector_load %arg4[%get3A_462, %get3A_463] {strides = array<i32>} : memref<64x512xf32, #tpu.memory_space<vmem>>, vector<1x16xf32>,
      %get3A_465 = vector.shape_cast %get3A_464 : vector<1x16xf32> to vector<16xf32>
      %add3A_466 = arith.addf %scan3A_391, %get3A_465 : vector<16xf32>
      %get3A_467 = arith.index_cast %scan3A_380 : i32 to index
      %get3A_468 = arith.constant 176 : index
      %get3A_469 = tpu.vector_load %arg4[%get3A_467, %get3A_468] {strides = array<i32>} : memref<64x512xf32, #tpu.memory_space<vmem>>, vector<1x16xf32>,
      %get3A_470 = vector.shape_cast %get3A_469 : vector<1x16xf32> to vector<16xf32>
      %add3A_471 = arith.addf %scan3A_392, %get3A_470 : vector<16xf32>
      %get3A_472 = arith.index_cast %scan3A_380 : i32 to index
      %get3A_473 = arith.constant 192 : index
      %get3A_474 = tpu.vector_load %arg4[%get3A_472, %get3A_473] {strides = array<i32>} : memref<64x512xf32, #tpu.memory_space<vmem>>, vector<1x16xf32>,
      %get3A_475 = vector.shape_cast %get3A_474 : vector<1x16xf32> to vector<16xf32>
      %add3A_476 = arith.addf %scan3A_393, %get3A_475 : vector<16xf32>
      %get3A_477 = arith.index_cast %scan3A_380 : i32 to index
      %get3A_478 = arith.constant 208 : index
      %get3A_479 = tpu.vector_load %arg4[%get3A_477, %get3A_478] {strides = array<i32>} : memref<64x512xf32, #tpu.memory_space<vmem>>, vector<1x16xf32>,
      %get3A_480 = vector.shape_cast %get3A_479 : vector<1x16xf32> to vector<16xf32>
      %add3A_481 = arith.addf %scan3A_394, %get3A_480 : vector<16xf32>
      %get3A_482 = arith.index_cast %scan3A_380 : i32 to index
      %get3A_483 = arith.constant 224 : index
      %get3A_484 = tpu.vector_load %arg4[%get3A_482, %get3A_483] {strides = array<i32>} : memref<64x512xf32, #tpu.memory_space<vmem>>, vector<1x16xf32>,
      %get3A_485 = vector.shape_cast %get3A_484 : vector<1x16xf32> to vector<16xf32>
      %add3A_486 = arith.addf %scan3A_395, %get3A_485 : vector<16xf32>
      %get3A_487 = arith.index_cast %scan3A_380 : i32 to index
      %get3A_488 = arith.constant 240 : index
      %get3A_489 = tpu.vector_load %arg4[%get3A_487, %get3A_488] {strides = array<i32>} : memref<64x512xf32, #tpu.memory_space<vmem>>, vector<1x16xf32>,
      %get3A_490 = vector.shape_cast %get3A_489 : vector<1x16xf32> to vector<16xf32>
      %add3A_491 = arith.addf %scan3A_396, %get3A_490 : vector<16xf32>
      %get3A_492 = arith.index_cast %scan3A_380 : i32 to index
      %get3A_493 = arith.constant 256 : index
      %get3A_494 = tpu.vector_load %arg4[%get3A_492, %get3A_493] {strides = array<i32>} : memref<64x512xf32, #tpu.memory_space<vmem>>, vector<1x16xf32>,
      %get3A_495 = vector.shape_cast %get3A_494 : vector<1x16xf32> to vector<16xf32>
      %add3A_496 = arith.addf %scan3A_397, %get3A_495 : vector<16xf32>
      %get3A_497 = arith.index_cast %scan3A_380 : i32 to index
      %get3A_498 = arith.constant 272 : index
      %get3A_499 = tpu.vector_load %arg4[%get3A_497, %get3A_498] {strides = array<i32>} : memref<64x512xf32, #tpu.memory_space<vmem>>, vector<1x16xf32>,
      %get3A_500 = vector.shape_cast %get3A_499 : vector<1x16xf32> to vector<16xf32>
      %add3A_501 = arith.addf %scan3A_398, %get3A_500 : vector<16xf32>
      %get3A_502 = arith.index_cast %scan3A_380 : i32 to index
      %get3A_503 = arith.constant 288 : index
      %get3A_504 = tpu.vector_load %arg4[%get3A_502, %get3A_503] {strides = array<i32>} : memref<64x512xf32, #tpu.memory_space<vmem>>, vector<1x16xf32>,
      %get3A_505 = vector.shape_cast %get3A_504 : vector<1x16xf32> to vector<16xf32>
      %add3A_506 = arith.addf %scan3A_399, %get3A_505 : vector<16xf32>
      %get3A_507 = arith.index_cast %scan3A_380 : i32 to index
      %get3A_508 = arith.constant 304 : index
      %get3A_509 = tpu.vector_load %arg4[%get3A_507, %get3A_508] {strides = array<i32>} : memref<64x512xf32, #tpu.memory_space<vmem>>, vector<1x16xf32>,
      %get3A_510 = vector.shape_cast %get3A_509 : vector<1x16xf32> to vector<16xf32>
      %add3A_511 = arith.addf %scan3A_400, %get3A_510 : vector<16xf32>
      %get3A_512 = arith.index_cast %scan3A_380 : i32 to index
      %get3A_513 = arith.constant 320 : index
      %get3A_514 = tpu.vector_load %arg4[%get3A_512, %get3A_513] {strides = array<i32>} : memref<64x512xf32, #tpu.memory_space<vmem>>, vector<1x16xf32>,
      %get3A_515 = vector.shape_cast %get3A_514 : vector<1x16xf32> to vector<16xf32>
      %add3A_516 = arith.addf %scan3A_401, %get3A_515 : vector<16xf32>
      %get3A_517 = arith.index_cast %scan3A_380 : i32 to index
      %get3A_518 = arith.constant 336 : index
      %get3A_519 = tpu.vector_load %arg4[%get3A_517, %get3A_518] {strides = array<i32>} : memref<64x512xf32, #tpu.memory_space<vmem>>, vector<1x16xf32>,
      %get3A_520 = vector.shape_cast %get3A_519 : vector<1x16xf32> to vector<16xf32>
      %add3A_521 = arith.addf %scan3A_402, %get3A_520 : vector<16xf32>
      %get3A_522 = arith.index_cast %scan3A_380 : i32 to index
      %get3A_523 = arith.constant 352 : index
      %get3A_524 = tpu.vector_load %arg4[%get3A_522, %get3A_523] {strides = array<i32>} : memref<64x512xf32, #tpu.memory_space<vmem>>, vector<1x16xf32>,
      %get3A_525 = vector.shape_cast %get3A_524 : vector<1x16xf32> to vector<16xf32>
      %add3A_526 = arith.addf %scan3A_403, %get3A_525 : vector<16xf32>
      %get3A_527 = arith.index_cast %scan3A_380 : i32 to index
      %get3A_528 = arith.constant 368 : index
      %get3A_529 = tpu.vector_load %arg4[%get3A_527, %get3A_528] {strides = array<i32>} : memref<64x512xf32, #tpu.memory_space<vmem>>, vector<1x16xf32>,
      %get3A_530 = vector.shape_cast %get3A_529 : vector<1x16xf32> to vector<16xf32>
      %add3A_531 = arith.addf %scan3A_404, %get3A_530 : vector<16xf32>
      %get3A_532 = arith.index_cast %scan3A_380 : i32 to index
      %get3A_533 = arith.constant 384 : index
      %get3A_534 = tpu.vector_load %arg4[%get3A_532, %get3A_533] {strides = array<i32>} : memref<64x512xf32, #tpu.memory_space<vmem>>, vector<1x16xf32>,
      %get3A_535 = vector.shape_cast %get3A_534 : vector<1x16xf32> to vector<16xf32>
      %add3A_536 = arith.addf %scan3A_405, %get3A_535 : vector<16xf32>
      %get3A_537 = arith.index_cast %scan3A_380 : i32 to index
      %get3A_538 = arith.constant 400 : index
      %get3A_539 = tpu.vector_load %arg4[%get3A_537, %get3A_538] {strides = array<i32>} : memref<64x512xf32, #tpu.memory_space<vmem>>, vector<1x16xf32>,
      %get3A_540 = vector.shape_cast %get3A_539 : vector<1x16xf32> to vector<16xf32>
      %add3A_541 = arith.addf %scan3A_406, %get3A_540 : vector<16xf32>
      %get3A_542 = arith.index_cast %scan3A_380 : i32 to index
      %get3A_543 = arith.constant 416 : index
      %get3A_544 = tpu.vector_load %arg4[%get3A_542, %get3A_543] {strides = array<i32>} : memref<64x512xf32, #tpu.memory_space<vmem>>, vector<1x16xf32>,
      %get3A_545 = vector.shape_cast %get3A_544 : vector<1x16xf32> to vector<16xf32>
      %add3A_546 = arith.addf %scan3A_407, %get3A_545 : vector<16xf32>
      %get3A_547 = arith.index_cast %scan3A_380 : i32 to index
      %get3A_548 = arith.constant 432 : index
      %get3A_549 = tpu.vector_load %arg4[%get3A_547, %get3A_548] {strides = array<i32>} : memref<64x512xf32, #tpu.memory_space<vmem>>, vector<1x16xf32>,
      %get3A_550 = vector.shape_cast %get3A_549 : vector<1x16xf32> to vector<16xf32>
      %add3A_551 = arith.addf %scan3A_408, %get3A_550 : vector<16xf32>
      %get3A_552 = arith.index_cast %scan3A_380 : i32 to index
      %get3A_553 = arith.constant 448 : index
      %get3A_554 = tpu.vector_load %arg4[%get3A_552, %get3A_553] {strides = array<i32>} : memref<64x512xf32, #tpu.memory_space<vmem>>, vector<1x16xf32>,
      %get3A_555 = vector.shape_cast %get3A_554 : vector<1x16xf32> to vector<16xf32>
      %add3A_556 = arith.addf %scan3A_409, %get3A_555 : vector<16xf32>
      %get3A_557 = arith.index_cast %scan3A_380 : i32 to index
      %get3A_558 = arith.constant 464 : index
      %get3A_559 = tpu.vector_load %arg4[%get3A_557, %get3A_558] {strides = array<i32>} : memref<64x512xf32, #tpu.memory_space<vmem>>, vector<1x16xf32>,
      %get3A_560 = vector.shape_cast %get3A_559 : vector<1x16xf32> to vector<16xf32>
      %add3A_561 = arith.addf %scan3A_410, %get3A_560 : vector<16xf32>
      %get3A_562 = arith.index_cast %scan3A_380 : i32 to index
      %get3A_563 = arith.constant 480 : index
      %get3A_564 = tpu.vector_load %arg4[%get3A_562, %get3A_563] {strides = array<i32>} : memref<64x512xf32, #tpu.memory_space<vmem>>, vector<1x16xf32>,
      %get3A_565 = vector.shape_cast %get3A_564 : vector<1x16xf32> to vector<16xf32>
      %add3A_566 = arith.addf %scan3A_411, %get3A_565 : vector<16xf32>
      %get3A_567 = arith.index_cast %scan3A_380 : i32 to index
      %get3A_568 = arith.constant 496 : index
      %get3A_569 = tpu.vector_load %arg4[%get3A_567, %get3A_568] {strides = array<i32>} : memref<64x512xf32, #tpu.memory_space<vmem>>, vector<1x16xf32>,
      %get3A_570 = vector.shape_cast %get3A_569 : vector<1x16xf32> to vector<16xf32>
      %add3A_571 = arith.addf %scan3A_412, %get3A_570 : vector<16xf32>
      scf.yield %add3A_416, %add3A_421, %add3A_426, %add3A_431, %add3A_436, %add3A_441, %add3A_446, %add3A_451, %add3A_456, %add3A_461, %add3A_466, %add3A_471, %add3A_476, %add3A_481, %add3A_486, %add3A_491, %add3A_496, %add3A_501, %add3A_506, %add3A_511, %add3A_516, %add3A_521, %add3A_526, %add3A_531, %add3A_536, %add3A_541, %add3A_546, %add3A_551, %add3A_556, %add3A_561, %add3A_566, %add3A_571 : vector<16xf32>, vector<16xf32>, vector<16xf32>, vector<16xf32>, vector<16xf32>, vector<16xf32>, vector<16xf32>, vector<16xf32>, vector<16xf32>, vector<16xf32>, vector<16xf32>, vector<16xf32>, vector<16xf32>, vector<16xf32>, vector<16xf32>, vector<16xf32>, vector<16xf32>, vector<16xf32>, vector<16xf32>, vector<16xf32>, vector<16xf32>, vector<16xf32>, vector<16xf32>, vector<16xf32>, vector<16xf32>, vector<16xf32>, vector<16xf32>, vector<16xf32>, vector<16xf32>, vector<16xf32>, vector<16xf32>, vector<16xf32>
    }
    %scan3A_82 = arith.constant 64 : i32
    %add3A_83 = arith.constant 128 : i32
    %add3A_84 = arith.addi %mul3A_2, %add3A_83 : i32
    %dma_start3A_85 = arith.constant 0 : i32
    %dma_start3A_86 = tpu.memref_slice %arg2[%add3A_84, %dma_start3A_85] : memref<16384x512xf32, #tpu.memory_space<hbm>> -> memref<64x512xf32, #tpu.memory_space<hbm>>
    %dma_start3A_87 = arith.constant 0 : i32
    %dma_start3A_88 = tpu.memref_slice %arg2[%add3A_84, %dma_start3A_87] : memref<16384x512xf32, #tpu.memory_space<hbm>> -> memref<64x512xf32, #tpu.memory_space<hbm>>
    tpu.enqueue_dma source(%dma_start3A_88 : memref<64x512xf32, #tpu.memory_space<hbm>>) target(%arg4 : memref<64x512xf32, #tpu.memory_space<vmem>>) target_semaphore(%arg6 : memref<!tpu.dma_semaphore, #tpu.memory_space<semaphore_mem>>)
    %dma_wait3A_89 = arith.constant 0 : i32
    %dma_wait3A_90 = tpu.memref_slice %arg2[%add3A_70, %dma_wait3A_89] : memref<16384x512xf32, #tpu.memory_space<hbm>> -> memref<64x512xf32, #tpu.memory_space<hbm>>
    %dma_wait3A_91 = arith.constant 0 : i32
    %dma_wait3A_92 = tpu.memref_slice %arg2[%add3A_70, %dma_wait3A_91] : memref<16384x512xf32, #tpu.memory_space<hbm>> -> memref<64x512xf32, #tpu.memory_space<hbm>>
    tpu.wait_dma2 semaphore(%arg7 : memref<!tpu.dma_semaphore, #tpu.memory_space<semaphore_mem>>) src(%dma_wait3A_92 : memref<64x512xf32, #tpu.memory_space<hbm>>) dst(%arg5 : memref<64x512xf32, #tpu.memory_space<vmem>>)
    %scan3A_93 = arith.constant 0 : i32
    %scan3A_94 = arith.constant 64 : i32
    %scan3A_95 = arith.addi %scan3A_93, %scan3A_94 : i32
    %scan3A_96 = arith.constant 1 : i32
    %scan3A_97:32 = scf.for %scan3A_380 = %scan3A_93 to %scan3A_95 step %scan3A_96 iter_args(%scan3A_381 = %scan3A_81#0, %scan3A_382 = %scan3A_81#1, %scan3A_383 = %scan3A_81#2, %scan3A_384 = %scan3A_81#3, %scan3A_385 = %scan3A_81#4, %scan3A_386 = %scan3A_81#5, %scan3A_387 = %scan3A_81#6, %scan3A_388 = %scan3A_81#7, %scan3A_389 = %scan3A_81#8, %scan3A_390 = %scan3A_81#9, %scan3A_391 = %scan3A_81#10, %scan3A_392 = %scan3A_81#11, %scan3A_393 = %scan3A_81#12, %scan3A_394 = %scan3A_81#13, %scan3A_395 = %scan3A_81#14, %scan3A_396 = %scan3A_81#15, %scan3A_397 = %scan3A_81#16, %scan3A_398 = %scan3A_81#17, %scan3A_399 = %scan3A_81#18, %scan3A_400 = %scan3A_81#19, %scan3A_401 = %scan3A_81#20, %scan3A_402 = %scan3A_81#21, %scan3A_403 = %scan3A_81#22, %scan3A_404 = %scan3A_81#23, %scan3A_405 = %scan3A_81#24, %scan3A_406 = %scan3A_81#25, %scan3A_407 = %scan3A_81#26, %scan3A_408 = %scan3A_81#27, %scan3A_409 = %scan3A_81#28, %scan3A_410 = %scan3A_81#29, %scan3A_411 = %scan3A_81#30, %scan3A_412 = %scan3A_81#31) -> (vector<16xf32>, vector<16xf32>, vector<16xf32>, vector<16xf32>, vector<16xf32>, vector<16xf32>, vector<16xf32>, vector<16xf32>, vector<16xf32>, vector<16xf32>, vector<16xf32>, vector<16xf32>, vector<16xf32>, vector<16xf32>, vector<16xf32>, vector<16xf32>, vector<16xf32>, vector<16xf32>, vector<16xf32>, vector<16xf32>, vector<16xf32>, vector<16xf32>, vector<16xf32>, vector<16xf32>, vector<16xf32>, vector<16xf32>, vector<16xf32>, vector<16xf32>, vector<16xf32>, vector<16xf32>, vector<16xf32>, vector<16xf32>)  : i32 {
      %get3A = arith.index_cast %scan3A_380 : i32 to index
      %get3A_413 = arith.constant 0 : index
      %get3A_414 = tpu.vector_load %arg5[%get3A, %get3A_413] {strides = array<i32>} : memref<64x512xf32, #tpu.memory_space<vmem>>, vector<1x16xf32>,
      %get3A_415 = vector.shape_cast %get3A_414 : vector<1x16xf32> to vector<16xf32>
      %add3A_416 = arith.addf %scan3A_381, %get3A_415 : vector<16xf32>
      %get3A_417 = arith.index_cast %scan3A_380 : i32 to index
      %get3A_418 = arith.constant 16 : index
      %get3A_419 = tpu.vector_load %arg5[%get3A_417, %get3A_418] {strides = array<i32>} : memref<64x512xf32, #tpu.memory_space<vmem>>, vector<1x16xf32>,
      %get3A_420 = vector.shape_cast %get3A_419 : vector<1x16xf32> to vector<16xf32>
      %add3A_421 = arith.addf %scan3A_382, %get3A_420 : vector<16xf32>
      %get3A_422 = arith.index_cast %scan3A_380 : i32 to index
      %get3A_423 = arith.constant 32 : index
      %get3A_424 = tpu.vector_load %arg5[%get3A_422, %get3A_423] {strides = array<i32>} : memref<64x512xf32, #tpu.memory_space<vmem>>, vector<1x16xf32>,
      %get3A_425 = vector.shape_cast %get3A_424 : vector<1x16xf32> to vector<16xf32>
      %add3A_426 = arith.addf %scan3A_383, %get3A_425 : vector<16xf32>
      %get3A_427 = arith.index_cast %scan3A_380 : i32 to index
      %get3A_428 = arith.constant 48 : index
      %get3A_429 = tpu.vector_load %arg5[%get3A_427, %get3A_428] {strides = array<i32>} : memref<64x512xf32, #tpu.memory_space<vmem>>, vector<1x16xf32>,
      %get3A_430 = vector.shape_cast %get3A_429 : vector<1x16xf32> to vector<16xf32>
      %add3A_431 = arith.addf %scan3A_384, %get3A_430 : vector<16xf32>
      %get3A_432 = arith.index_cast %scan3A_380 : i32 to index
      %get3A_433 = arith.constant 64 : index
      %get3A_434 = tpu.vector_load %arg5[%get3A_432, %get3A_433] {strides = array<i32>} : memref<64x512xf32, #tpu.memory_space<vmem>>, vector<1x16xf32>,
      %get3A_435 = vector.shape_cast %get3A_434 : vector<1x16xf32> to vector<16xf32>
      %add3A_436 = arith.addf %scan3A_385, %get3A_435 : vector<16xf32>
      %get3A_437 = arith.index_cast %scan3A_380 : i32 to index
      %get3A_438 = arith.constant 80 : index
      %get3A_439 = tpu.vector_load %arg5[%get3A_437, %get3A_438] {strides = array<i32>} : memref<64x512xf32, #tpu.memory_space<vmem>>, vector<1x16xf32>,
      %get3A_440 = vector.shape_cast %get3A_439 : vector<1x16xf32> to vector<16xf32>
      %add3A_441 = arith.addf %scan3A_386, %get3A_440 : vector<16xf32>
      %get3A_442 = arith.index_cast %scan3A_380 : i32 to index
      %get3A_443 = arith.constant 96 : index
      %get3A_444 = tpu.vector_load %arg5[%get3A_442, %get3A_443] {strides = array<i32>} : memref<64x512xf32, #tpu.memory_space<vmem>>, vector<1x16xf32>,
      %get3A_445 = vector.shape_cast %get3A_444 : vector<1x16xf32> to vector<16xf32>
      %add3A_446 = arith.addf %scan3A_387, %get3A_445 : vector<16xf32>
      %get3A_447 = arith.index_cast %scan3A_380 : i32 to index
      %get3A_448 = arith.constant 112 : index
      %get3A_449 = tpu.vector_load %arg5[%get3A_447, %get3A_448] {strides = array<i32>} : memref<64x512xf32, #tpu.memory_space<vmem>>, vector<1x16xf32>,
      %get3A_450 = vector.shape_cast %get3A_449 : vector<1x16xf32> to vector<16xf32>
      %add3A_451 = arith.addf %scan3A_388, %get3A_450 : vector<16xf32>
      %get3A_452 = arith.index_cast %scan3A_380 : i32 to index
      %get3A_453 = arith.constant 128 : index
      %get3A_454 = tpu.vector_load %arg5[%get3A_452, %get3A_453] {strides = array<i32>} : memref<64x512xf32, #tpu.memory_space<vmem>>, vector<1x16xf32>,
      %get3A_455 = vector.shape_cast %get3A_454 : vector<1x16xf32> to vector<16xf32>
      %add3A_456 = arith.addf %scan3A_389, %get3A_455 : vector<16xf32>
      %get3A_457 = arith.index_cast %scan3A_380 : i32 to index
      %get3A_458 = arith.constant 144 : index
      %get3A_459 = tpu.vector_load %arg5[%get3A_457, %get3A_458] {strides = array<i32>} : memref<64x512xf32, #tpu.memory_space<vmem>>, vector<1x16xf32>,
      %get3A_460 = vector.shape_cast %get3A_459 : vector<1x16xf32> to vector<16xf32>
      %add3A_461 = arith.addf %scan3A_390, %get3A_460 : vector<16xf32>
      %get3A_462 = arith.index_cast %scan3A_380 : i32 to index
      %get3A_463 = arith.constant 160 : index
      %get3A_464 = tpu.vector_load %arg5[%get3A_462, %get3A_463] {strides = array<i32>} : memref<64x512xf32, #tpu.memory_space<vmem>>, vector<1x16xf32>,
      %get3A_465 = vector.shape_cast %get3A_464 : vector<1x16xf32> to vector<16xf32>
      %add3A_466 = arith.addf %scan3A_391, %get3A_465 : vector<16xf32>
      %get3A_467 = arith.index_cast %scan3A_380 : i32 to index
      %get3A_468 = arith.constant 176 : index
      %get3A_469 = tpu.vector_load %arg5[%get3A_467, %get3A_468] {strides = array<i32>} : memref<64x512xf32, #tpu.memory_space<vmem>>, vector<1x16xf32>,
      %get3A_470 = vector.shape_cast %get3A_469 : vector<1x16xf32> to vector<16xf32>
      %add3A_471 = arith.addf %scan3A_392, %get3A_470 : vector<16xf32>
      %get3A_472 = arith.index_cast %scan3A_380 : i32 to index
      %get3A_473 = arith.constant 192 : index
      %get3A_474 = tpu.vector_load %arg5[%get3A_472, %get3A_473] {strides = array<i32>} : memref<64x512xf32, #tpu.memory_space<vmem>>, vector<1x16xf32>,
      %get3A_475 = vector.shape_cast %get3A_474 : vector<1x16xf32> to vector<16xf32>
      %add3A_476 = arith.addf %scan3A_393, %get3A_475 : vector<16xf32>
      %get3A_477 = arith.index_cast %scan3A_380 : i32 to index
      %get3A_478 = arith.constant 208 : index
      %get3A_479 = tpu.vector_load %arg5[%get3A_477, %get3A_478] {strides = array<i32>} : memref<64x512xf32, #tpu.memory_space<vmem>>, vector<1x16xf32>,
      %get3A_480 = vector.shape_cast %get3A_479 : vector<1x16xf32> to vector<16xf32>
      %add3A_481 = arith.addf %scan3A_394, %get3A_480 : vector<16xf32>
      %get3A_482 = arith.index_cast %scan3A_380 : i32 to index
      %get3A_483 = arith.constant 224 : index
      %get3A_484 = tpu.vector_load %arg5[%get3A_482, %get3A_483] {strides = array<i32>} : memref<64x512xf32, #tpu.memory_space<vmem>>, vector<1x16xf32>,
      %get3A_485 = vector.shape_cast %get3A_484 : vector<1x16xf32> to vector<16xf32>
      %add3A_486 = arith.addf %scan3A_395, %get3A_485 : vector<16xf32>
      %get3A_487 = arith.index_cast %scan3A_380 : i32 to index
      %get3A_488 = arith.constant 240 : index
      %get3A_489 = tpu.vector_load %arg5[%get3A_487, %get3A_488] {strides = array<i32>} : memref<64x512xf32, #tpu.memory_space<vmem>>, vector<1x16xf32>,
      %get3A_490 = vector.shape_cast %get3A_489 : vector<1x16xf32> to vector<16xf32>
      %add3A_491 = arith.addf %scan3A_396, %get3A_490 : vector<16xf32>
      %get3A_492 = arith.index_cast %scan3A_380 : i32 to index
      %get3A_493 = arith.constant 256 : index
      %get3A_494 = tpu.vector_load %arg5[%get3A_492, %get3A_493] {strides = array<i32>} : memref<64x512xf32, #tpu.memory_space<vmem>>, vector<1x16xf32>,
      %get3A_495 = vector.shape_cast %get3A_494 : vector<1x16xf32> to vector<16xf32>
      %add3A_496 = arith.addf %scan3A_397, %get3A_495 : vector<16xf32>
      %get3A_497 = arith.index_cast %scan3A_380 : i32 to index
      %get3A_498 = arith.constant 272 : index
      %get3A_499 = tpu.vector_load %arg5[%get3A_497, %get3A_498] {strides = array<i32>} : memref<64x512xf32, #tpu.memory_space<vmem>>, vector<1x16xf32>,
      %get3A_500 = vector.shape_cast %get3A_499 : vector<1x16xf32> to vector<16xf32>
      %add3A_501 = arith.addf %scan3A_398, %get3A_500 : vector<16xf32>
      %get3A_502 = arith.index_cast %scan3A_380 : i32 to index
      %get3A_503 = arith.constant 288 : index
      %get3A_504 = tpu.vector_load %arg5[%get3A_502, %get3A_503] {strides = array<i32>} : memref<64x512xf32, #tpu.memory_space<vmem>>, vector<1x16xf32>,
      %get3A_505 = vector.shape_cast %get3A_504 : vector<1x16xf32> to vector<16xf32>
      %add3A_506 = arith.addf %scan3A_399, %get3A_505 : vector<16xf32>
      %get3A_507 = arith.index_cast %scan3A_380 : i32 to index
      %get3A_508 = arith.constant 304 : index
      %get3A_509 = tpu.vector_load %arg5[%get3A_507, %get3A_508] {strides = array<i32>} : memref<64x512xf32, #tpu.memory_space<vmem>>, vector<1x16xf32>,
      %get3A_510 = vector.shape_cast %get3A_509 : vector<1x16xf32> to vector<16xf32>
      %add3A_511 = arith.addf %scan3A_400, %get3A_510 : vector<16xf32>
      %get3A_512 = arith.index_cast %scan3A_380 : i32 to index
      %get3A_513 = arith.constant 320 : index
      %get3A_514 = tpu.vector_load %arg5[%get3A_512, %get3A_513] {strides = array<i32>} : memref<64x512xf32, #tpu.memory_space<vmem>>, vector<1x16xf32>,
      %get3A_515 = vector.shape_cast %get3A_514 : vector<1x16xf32> to vector<16xf32>
      %add3A_516 = arith.addf %scan3A_401, %get3A_515 : vector<16xf32>
      %get3A_517 = arith.index_cast %scan3A_380 : i32 to index
      %get3A_518 = arith.constant 336 : index
      %get3A_519 = tpu.vector_load %arg5[%get3A_517, %get3A_518] {strides = array<i32>} : memref<64x512xf32, #tpu.memory_space<vmem>>, vector<1x16xf32>,
      %get3A_520 = vector.shape_cast %get3A_519 : vector<1x16xf32> to vector<16xf32>
      %add3A_521 = arith.addf %scan3A_402, %get3A_520 : vector<16xf32>
      %get3A_522 = arith.index_cast %scan3A_380 : i32 to index
      %get3A_523 = arith.constant 352 : index
      %get3A_524 = tpu.vector_load %arg5[%get3A_522, %get3A_523] {strides = array<i32>} : memref<64x512xf32, #tpu.memory_space<vmem>>, vector<1x16xf32>,
      %get3A_525 = vector.shape_cast %get3A_524 : vector<1x16xf32> to vector<16xf32>
      %add3A_526 = arith.addf %scan3A_403, %get3A_525 : vector<16xf32>
      %get3A_527 = arith.index_cast %scan3A_380 : i32 to index
      %get3A_528 = arith.constant 368 : index
      %get3A_529 = tpu.vector_load %arg5[%get3A_527, %get3A_528] {strides = array<i32>} : memref<64x512xf32, #tpu.memory_space<vmem>>, vector<1x16xf32>,
      %get3A_530 = vector.shape_cast %get3A_529 : vector<1x16xf32> to vector<16xf32>
      %add3A_531 = arith.addf %scan3A_404, %get3A_530 : vector<16xf32>
      %get3A_532 = arith.index_cast %scan3A_380 : i32 to index
      %get3A_533 = arith.constant 384 : index
      %get3A_534 = tpu.vector_load %arg5[%get3A_532, %get3A_533] {strides = array<i32>} : memref<64x512xf32, #tpu.memory_space<vmem>>, vector<1x16xf32>,
      %get3A_535 = vector.shape_cast %get3A_534 : vector<1x16xf32> to vector<16xf32>
      %add3A_536 = arith.addf %scan3A_405, %get3A_535 : vector<16xf32>
      %get3A_537 = arith.index_cast %scan3A_380 : i32 to index
      %get3A_538 = arith.constant 400 : index
      %get3A_539 = tpu.vector_load %arg5[%get3A_537, %get3A_538] {strides = array<i32>} : memref<64x512xf32, #tpu.memory_space<vmem>>, vector<1x16xf32>,
      %get3A_540 = vector.shape_cast %get3A_539 : vector<1x16xf32> to vector<16xf32>
      %add3A_541 = arith.addf %scan3A_406, %get3A_540 : vector<16xf32>
      %get3A_542 = arith.index_cast %scan3A_380 : i32 to index
      %get3A_543 = arith.constant 416 : index
      %get3A_544 = tpu.vector_load %arg5[%get3A_542, %get3A_543] {strides = array<i32>} : memref<64x512xf32, #tpu.memory_space<vmem>>, vector<1x16xf32>,
      %get3A_545 = vector.shape_cast %get3A_544 : vector<1x16xf32> to vector<16xf32>
      %add3A_546 = arith.addf %scan3A_407, %get3A_545 : vector<16xf32>
      %get3A_547 = arith.index_cast %scan3A_380 : i32 to index
      %get3A_548 = arith.constant 432 : index
      %get3A_549 = tpu.vector_load %arg5[%get3A_547, %get3A_548] {strides = array<i32>} : memref<64x512xf32, #tpu.memory_space<vmem>>, vector<1x16xf32>,
      %get3A_550 = vector.shape_cast %get3A_549 : vector<1x16xf32> to vector<16xf32>
      %add3A_551 = arith.addf %scan3A_408, %get3A_550 : vector<16xf32>
      %get3A_552 = arith.index_cast %scan3A_380 : i32 to index
      %get3A_553 = arith.constant 448 : index
      %get3A_554 = tpu.vector_load %arg5[%get3A_552, %get3A_553] {strides = array<i32>} : memref<64x512xf32, #tpu.memory_space<vmem>>, vector<1x16xf32>,
      %get3A_555 = vector.shape_cast %get3A_554 : vector<1x16xf32> to vector<16xf32>
      %add3A_556 = arith.addf %scan3A_409, %get3A_555 : vector<16xf32>
      %get3A_557 = arith.index_cast %scan3A_380 : i32 to index
      %get3A_558 = arith.constant 464 : index
      %get3A_559 = tpu.vector_load %arg5[%get3A_557, %get3A_558] {strides = array<i32>} : memref<64x512xf32, #tpu.memory_space<vmem>>, vector<1x16xf32>,
      %get3A_560 = vector.shape_cast %get3A_559 : vector<1x16xf32> to vector<16xf32>
      %add3A_561 = arith.addf %scan3A_410, %get3A_560 : vector<16xf32>
      %get3A_562 = arith.index_cast %scan3A_380 : i32 to index
      %get3A_563 = arith.constant 480 : index
      %get3A_564 = tpu.vector_load %arg5[%get3A_562, %get3A_563] {strides = array<i32>} : memref<64x512xf32, #tpu.memory_space<vmem>>, vector<1x16xf32>,
      %get3A_565 = vector.shape_cast %get3A_564 : vector<1x16xf32> to vector<16xf32>
      %add3A_566 = arith.addf %scan3A_411, %get3A_565 : vector<16xf32>
      %get3A_567 = arith.index_cast %scan3A_380 : i32 to index
      %get3A_568 = arith.constant 496 : index
      %get3A_569 = tpu.vector_load %arg5[%get3A_567, %get3A_568] {strides = array<i32>} : memref<64x512xf32, #tpu.memory_space<vmem>>, vector<1x16xf32>,
      %get3A_570 = vector.shape_cast %get3A_569 : vector<1x16xf32> to vector<16xf32>
      %add3A_571 = arith.addf %scan3A_412, %get3A_570 : vector<16xf32>
      scf.yield %add3A_416, %add3A_421, %add3A_426, %add3A_431, %add3A_436, %add3A_441, %add3A_446, %add3A_451, %add3A_456, %add3A_461, %add3A_466, %add3A_471, %add3A_476, %add3A_481, %add3A_486, %add3A_491, %add3A_496, %add3A_501, %add3A_506, %add3A_511, %add3A_516, %add3A_521, %add3A_526, %add3A_531, %add3A_536, %add3A_541, %add3A_546, %add3A_551, %add3A_556, %add3A_561, %add3A_566, %add3A_571 : vector<16xf32>, vector<16xf32>, vector<16xf32>, vector<16xf32>, vector<16xf32>, vector<16xf32>, vector<16xf32>, vector<16xf32>, vector<16xf32>, vector<16xf32>, vector<16xf32>, vector<16xf32>, vector<16xf32>, vector<16xf32>, vector<16xf32>, vector<16xf32>, vector<16xf32>, vector<16xf32>, vector<16xf32>, vector<16xf32>, vector<16xf32>, vector<16xf32>, vector<16xf32>, vector<16xf32>, vector<16xf32>, vector<16xf32>, vector<16xf32>, vector<16xf32>, vector<16xf32>, vector<16xf32>, vector<16xf32>, vector<16xf32>
    }
    %scan3A_98 = arith.constant 64 : i32
    %add3A_99 = arith.constant 192 : i32
    %add3A_100 = arith.addi %mul3A_2, %add3A_99 : i32
    %dma_start3A_101 = arith.constant 0 : i32
    %dma_start3A_102 = tpu.memref_slice %arg2[%add3A_100, %dma_start3A_101] : memref<16384x512xf32, #tpu.memory_space<hbm>> -> memref<64x512xf32, #tpu.memory_space<hbm>>
    %dma_start3A_103 = arith.constant 0 : i32
    %dma_start3A_104 = tpu.memref_slice %arg2[%add3A_100, %dma_start3A_103] : memref<16384x512xf32, #tpu.memory_space<hbm>> -> memref<64x512xf32, #tpu.memory_space<hbm>>
    tpu.enqueue_dma source(%dma_start3A_104 : memref<64x512xf32, #tpu.memory_space<hbm>>) target(%arg5 : memref<64x512xf32, #tpu.memory_space<vmem>>) target_semaphore(%arg7 : memref<!tpu.dma_semaphore, #tpu.memory_space<semaphore_mem>>)
    %dma_wait3A_105 = arith.constant 0 : i32
    %dma_wait3A_106 = tpu.memref_slice %arg2[%add3A_84, %dma_wait3A_105] : memref<16384x512xf32, #tpu.memory_space<hbm>> -> memref<64x512xf32, #tpu.memory_space<hbm>>
    %dma_wait3A_107 = arith.constant 0 : i32
    %dma_wait3A_108 = tpu.memref_slice %arg2[%add3A_84, %dma_wait3A_107] : memref<16384x512xf32, #tpu.memory_space<hbm>> -> memref<64x512xf32, #tpu.memory_space<hbm>>
    tpu.wait_dma2 semaphore(%arg6 : memref<!tpu.dma_semaphore, #tpu.memory_space<semaphore_mem>>) src(%dma_wait3A_108 : memref<64x512xf32, #tpu.memory_space<hbm>>) dst(%arg4 : memref<64x512xf32, #tpu.memory_space<vmem>>)
    %scan3A_109 = arith.constant 0 : i32
    %scan3A_110 = arith.constant 64 : i32
    %scan3A_111 = arith.addi %scan3A_109, %scan3A_110 : i32
    %scan3A_112 = arith.constant 1 : i32
    %scan3A_113:32 = scf.for %scan3A_380 = %scan3A_109 to %scan3A_111 step %scan3A_112 iter_args(%scan3A_381 = %scan3A_97#0, %scan3A_382 = %scan3A_97#1, %scan3A_383 = %scan3A_97#2, %scan3A_384 = %scan3A_97#3, %scan3A_385 = %scan3A_97#4, %scan3A_386 = %scan3A_97#5, %scan3A_387 = %scan3A_97#6, %scan3A_388 = %scan3A_97#7, %scan3A_389 = %scan3A_97#8, %scan3A_390 = %scan3A_97#9, %scan3A_391 = %scan3A_97#10, %scan3A_392 = %scan3A_97#11, %scan3A_393 = %scan3A_97#12, %scan3A_394 = %scan3A_97#13, %scan3A_395 = %scan3A_97#14, %scan3A_396 = %scan3A_97#15, %scan3A_397 = %scan3A_97#16, %scan3A_398 = %scan3A_97#17, %scan3A_399 = %scan3A_97#18, %scan3A_400 = %scan3A_97#19, %scan3A_401 = %scan3A_97#20, %scan3A_402 = %scan3A_97#21, %scan3A_403 = %scan3A_97#22, %scan3A_404 = %scan3A_97#23, %scan3A_405 = %scan3A_97#24, %scan3A_406 = %scan3A_97#25, %scan3A_407 = %scan3A_97#26, %scan3A_408 = %scan3A_97#27, %scan3A_409 = %scan3A_97#28, %scan3A_410 = %scan3A_97#29, %scan3A_411 = %scan3A_97#30, %scan3A_412 = %scan3A_97#31) -> (vector<16xf32>, vector<16xf32>, vector<16xf32>, vector<16xf32>, vector<16xf32>, vector<16xf32>, vector<16xf32>, vector<16xf32>, vector<16xf32>, vector<16xf32>, vector<16xf32>, vector<16xf32>, vector<16xf32>, vector<16xf32>, vector<16xf32>, vector<16xf32>, vector<16xf32>, vector<16xf32>, vector<16xf32>, vector<16xf32>, vector<16xf32>, vector<16xf32>, vector<16xf32>, vector<16xf32>, vector<16xf32>, vector<16xf32>, vector<16xf32>, vector<16xf32>, vector<16xf32>, vector<16xf32>, vector<16xf32>, vector<16xf32>)  : i32 {
      %get3A = arith.index_cast %scan3A_380 : i32 to index
      %get3A_413 = arith.constant 0 : index
      %get3A_414 = tpu.vector_load %arg4[%get3A, %get3A_413] {strides = array<i32>} : memref<64x512xf32, #tpu.memory_space<vmem>>, vector<1x16xf32>,
      %get3A_415 = vector.shape_cast %get3A_414 : vector<1x16xf32> to vector<16xf32>
      %add3A_416 = arith.addf %scan3A_381, %get3A_415 : vector<16xf32>
      %get3A_417 = arith.index_cast %scan3A_380 : i32 to index
      %get3A_418 = arith.constant 16 : index
      %get3A_419 = tpu.vector_load %arg4[%get3A_417, %get3A_418] {strides = array<i32>} : memref<64x512xf32, #tpu.memory_space<vmem>>, vector<1x16xf32>,
      %get3A_420 = vector.shape_cast %get3A_419 : vector<1x16xf32> to vector<16xf32>
      %add3A_421 = arith.addf %scan3A_382, %get3A_420 : vector<16xf32>
      %get3A_422 = arith.index_cast %scan3A_380 : i32 to index
      %get3A_423 = arith.constant 32 : index
      %get3A_424 = tpu.vector_load %arg4[%get3A_422, %get3A_423] {strides = array<i32>} : memref<64x512xf32, #tpu.memory_space<vmem>>, vector<1x16xf32>,
      %get3A_425 = vector.shape_cast %get3A_424 : vector<1x16xf32> to vector<16xf32>
      %add3A_426 = arith.addf %scan3A_383, %get3A_425 : vector<16xf32>
      %get3A_427 = arith.index_cast %scan3A_380 : i32 to index
      %get3A_428 = arith.constant 48 : index
      %get3A_429 = tpu.vector_load %arg4[%get3A_427, %get3A_428] {strides = array<i32>} : memref<64x512xf32, #tpu.memory_space<vmem>>, vector<1x16xf32>,
      %get3A_430 = vector.shape_cast %get3A_429 : vector<1x16xf32> to vector<16xf32>
      %add3A_431 = arith.addf %scan3A_384, %get3A_430 : vector<16xf32>
      %get3A_432 = arith.index_cast %scan3A_380 : i32 to index
      %get3A_433 = arith.constant 64 : index
      %get3A_434 = tpu.vector_load %arg4[%get3A_432, %get3A_433] {strides = array<i32>} : memref<64x512xf32, #tpu.memory_space<vmem>>, vector<1x16xf32>,
      %get3A_435 = vector.shape_cast %get3A_434 : vector<1x16xf32> to vector<16xf32>
      %add3A_436 = arith.addf %scan3A_385, %get3A_435 : vector<16xf32>
      %get3A_437 = arith.index_cast %scan3A_380 : i32 to index
      %get3A_438 = arith.constant 80 : index
      %get3A_439 = tpu.vector_load %arg4[%get3A_437, %get3A_438] {strides = array<i32>} : memref<64x512xf32, #tpu.memory_space<vmem>>, vector<1x16xf32>,
      %get3A_440 = vector.shape_cast %get3A_439 : vector<1x16xf32> to vector<16xf32>
      %add3A_441 = arith.addf %scan3A_386, %get3A_440 : vector<16xf32>
      %get3A_442 = arith.index_cast %scan3A_380 : i32 to index
      %get3A_443 = arith.constant 96 : index
      %get3A_444 = tpu.vector_load %arg4[%get3A_442, %get3A_443] {strides = array<i32>} : memref<64x512xf32, #tpu.memory_space<vmem>>, vector<1x16xf32>,
      %get3A_445 = vector.shape_cast %get3A_444 : vector<1x16xf32> to vector<16xf32>
      %add3A_446 = arith.addf %scan3A_387, %get3A_445 : vector<16xf32>
      %get3A_447 = arith.index_cast %scan3A_380 : i32 to index
      %get3A_448 = arith.constant 112 : index
      %get3A_449 = tpu.vector_load %arg4[%get3A_447, %get3A_448] {strides = array<i32>} : memref<64x512xf32, #tpu.memory_space<vmem>>, vector<1x16xf32>,
      %get3A_450 = vector.shape_cast %get3A_449 : vector<1x16xf32> to vector<16xf32>
      %add3A_451 = arith.addf %scan3A_388, %get3A_450 : vector<16xf32>
      %get3A_452 = arith.index_cast %scan3A_380 : i32 to index
      %get3A_453 = arith.constant 128 : index
      %get3A_454 = tpu.vector_load %arg4[%get3A_452, %get3A_453] {strides = array<i32>} : memref<64x512xf32, #tpu.memory_space<vmem>>, vector<1x16xf32>,
      %get3A_455 = vector.shape_cast %get3A_454 : vector<1x16xf32> to vector<16xf32>
      %add3A_456 = arith.addf %scan3A_389, %get3A_455 : vector<16xf32>
      %get3A_457 = arith.index_cast %scan3A_380 : i32 to index
      %get3A_458 = arith.constant 144 : index
      %get3A_459 = tpu.vector_load %arg4[%get3A_457, %get3A_458] {strides = array<i32>} : memref<64x512xf32, #tpu.memory_space<vmem>>, vector<1x16xf32>,
      %get3A_460 = vector.shape_cast %get3A_459 : vector<1x16xf32> to vector<16xf32>
      %add3A_461 = arith.addf %scan3A_390, %get3A_460 : vector<16xf32>
      %get3A_462 = arith.index_cast %scan3A_380 : i32 to index
      %get3A_463 = arith.constant 160 : index
      %get3A_464 = tpu.vector_load %arg4[%get3A_462, %get3A_463] {strides = array<i32>} : memref<64x512xf32, #tpu.memory_space<vmem>>, vector<1x16xf32>,
      %get3A_465 = vector.shape_cast %get3A_464 : vector<1x16xf32> to vector<16xf32>
      %add3A_466 = arith.addf %scan3A_391, %get3A_465 : vector<16xf32>
      %get3A_467 = arith.index_cast %scan3A_380 : i32 to index
      %get3A_468 = arith.constant 176 : index
      %get3A_469 = tpu.vector_load %arg4[%get3A_467, %get3A_468] {strides = array<i32>} : memref<64x512xf32, #tpu.memory_space<vmem>>, vector<1x16xf32>,
      %get3A_470 = vector.shape_cast %get3A_469 : vector<1x16xf32> to vector<16xf32>
      %add3A_471 = arith.addf %scan3A_392, %get3A_470 : vector<16xf32>
      %get3A_472 = arith.index_cast %scan3A_380 : i32 to index
      %get3A_473 = arith.constant 192 : index
      %get3A_474 = tpu.vector_load %arg4[%get3A_472, %get3A_473] {strides = array<i32>} : memref<64x512xf32, #tpu.memory_space<vmem>>, vector<1x16xf32>,
      %get3A_475 = vector.shape_cast %get3A_474 : vector<1x16xf32> to vector<16xf32>
      %add3A_476 = arith.addf %scan3A_393, %get3A_475 : vector<16xf32>
      %get3A_477 = arith.index_cast %scan3A_380 : i32 to index
      %get3A_478 = arith.constant 208 : index
      %get3A_479 = tpu.vector_load %arg4[%get3A_477, %get3A_478] {strides = array<i32>} : memref<64x512xf32, #tpu.memory_space<vmem>>, vector<1x16xf32>,
      %get3A_480 = vector.shape_cast %get3A_479 : vector<1x16xf32> to vector<16xf32>
      %add3A_481 = arith.addf %scan3A_394, %get3A_480 : vector<16xf32>
      %get3A_482 = arith.index_cast %scan3A_380 : i32 to index
      %get3A_483 = arith.constant 224 : index
      %get3A_484 = tpu.vector_load %arg4[%get3A_482, %get3A_483] {strides = array<i32>} : memref<64x512xf32, #tpu.memory_space<vmem>>, vector<1x16xf32>,
      %get3A_485 = vector.shape_cast %get3A_484 : vector<1x16xf32> to vector<16xf32>
      %add3A_486 = arith.addf %scan3A_395, %get3A_485 : vector<16xf32>
      %get3A_487 = arith.index_cast %scan3A_380 : i32 to index
      %get3A_488 = arith.constant 240 : index
      %get3A_489 = tpu.vector_load %arg4[%get3A_487, %get3A_488] {strides = array<i32>} : memref<64x512xf32, #tpu.memory_space<vmem>>, vector<1x16xf32>,
      %get3A_490 = vector.shape_cast %get3A_489 : vector<1x16xf32> to vector<16xf32>
      %add3A_491 = arith.addf %scan3A_396, %get3A_490 : vector<16xf32>
      %get3A_492 = arith.index_cast %scan3A_380 : i32 to index
      %get3A_493 = arith.constant 256 : index
      %get3A_494 = tpu.vector_load %arg4[%get3A_492, %get3A_493] {strides = array<i32>} : memref<64x512xf32, #tpu.memory_space<vmem>>, vector<1x16xf32>,
      %get3A_495 = vector.shape_cast %get3A_494 : vector<1x16xf32> to vector<16xf32>
      %add3A_496 = arith.addf %scan3A_397, %get3A_495 : vector<16xf32>
      %get3A_497 = arith.index_cast %scan3A_380 : i32 to index
      %get3A_498 = arith.constant 272 : index
      %get3A_499 = tpu.vector_load %arg4[%get3A_497, %get3A_498] {strides = array<i32>} : memref<64x512xf32, #tpu.memory_space<vmem>>, vector<1x16xf32>,
      %get3A_500 = vector.shape_cast %get3A_499 : vector<1x16xf32> to vector<16xf32>
      %add3A_501 = arith.addf %scan3A_398, %get3A_500 : vector<16xf32>
      %get3A_502 = arith.index_cast %scan3A_380 : i32 to index
      %get3A_503 = arith.constant 288 : index
      %get3A_504 = tpu.vector_load %arg4[%get3A_502, %get3A_503] {strides = array<i32>} : memref<64x512xf32, #tpu.memory_space<vmem>>, vector<1x16xf32>,
      %get3A_505 = vector.shape_cast %get3A_504 : vector<1x16xf32> to vector<16xf32>
      %add3A_506 = arith.addf %scan3A_399, %get3A_505 : vector<16xf32>
      %get3A_507 = arith.index_cast %scan3A_380 : i32 to index
      %get3A_508 = arith.constant 304 : index
      %get3A_509 = tpu.vector_load %arg4[%get3A_507, %get3A_508] {strides = array<i32>} : memref<64x512xf32, #tpu.memory_space<vmem>>, vector<1x16xf32>,
      %get3A_510 = vector.shape_cast %get3A_509 : vector<1x16xf32> to vector<16xf32>
      %add3A_511 = arith.addf %scan3A_400, %get3A_510 : vector<16xf32>
      %get3A_512 = arith.index_cast %scan3A_380 : i32 to index
      %get3A_513 = arith.constant 320 : index
      %get3A_514 = tpu.vector_load %arg4[%get3A_512, %get3A_513] {strides = array<i32>} : memref<64x512xf32, #tpu.memory_space<vmem>>, vector<1x16xf32>,
      %get3A_515 = vector.shape_cast %get3A_514 : vector<1x16xf32> to vector<16xf32>
      %add3A_516 = arith.addf %scan3A_401, %get3A_515 : vector<16xf32>
      %get3A_517 = arith.index_cast %scan3A_380 : i32 to index
      %get3A_518 = arith.constant 336 : index
      %get3A_519 = tpu.vector_load %arg4[%get3A_517, %get3A_518] {strides = array<i32>} : memref<64x512xf32, #tpu.memory_space<vmem>>, vector<1x16xf32>,
      %get3A_520 = vector.shape_cast %get3A_519 : vector<1x16xf32> to vector<16xf32>
      %add3A_521 = arith.addf %scan3A_402, %get3A_520 : vector<16xf32>
      %get3A_522 = arith.index_cast %scan3A_380 : i32 to index
      %get3A_523 = arith.constant 352 : index
      %get3A_524 = tpu.vector_load %arg4[%get3A_522, %get3A_523] {strides = array<i32>} : memref<64x512xf32, #tpu.memory_space<vmem>>, vector<1x16xf32>,
      %get3A_525 = vector.shape_cast %get3A_524 : vector<1x16xf32> to vector<16xf32>
      %add3A_526 = arith.addf %scan3A_403, %get3A_525 : vector<16xf32>
      %get3A_527 = arith.index_cast %scan3A_380 : i32 to index
      %get3A_528 = arith.constant 368 : index
      %get3A_529 = tpu.vector_load %arg4[%get3A_527, %get3A_528] {strides = array<i32>} : memref<64x512xf32, #tpu.memory_space<vmem>>, vector<1x16xf32>,
      %get3A_530 = vector.shape_cast %get3A_529 : vector<1x16xf32> to vector<16xf32>
      %add3A_531 = arith.addf %scan3A_404, %get3A_530 : vector<16xf32>
      %get3A_532 = arith.index_cast %scan3A_380 : i32 to index
      %get3A_533 = arith.constant 384 : index
      %get3A_534 = tpu.vector_load %arg4[%get3A_532, %get3A_533] {strides = array<i32>} : memref<64x512xf32, #tpu.memory_space<vmem>>, vector<1x16xf32>,
      %get3A_535 = vector.shape_cast %get3A_534 : vector<1x16xf32> to vector<16xf32>
      %add3A_536 = arith.addf %scan3A_405, %get3A_535 : vector<16xf32>
      %get3A_537 = arith.index_cast %scan3A_380 : i32 to index
      %get3A_538 = arith.constant 400 : index
      %get3A_539 = tpu.vector_load %arg4[%get3A_537, %get3A_538] {strides = array<i32>} : memref<64x512xf32, #tpu.memory_space<vmem>>, vector<1x16xf32>,
      %get3A_540 = vector.shape_cast %get3A_539 : vector<1x16xf32> to vector<16xf32>
      %add3A_541 = arith.addf %scan3A_406, %get3A_540 : vector<16xf32>
      %get3A_542 = arith.index_cast %scan3A_380 : i32 to index
      %get3A_543 = arith.constant 416 : index
      %get3A_544 = tpu.vector_load %arg4[%get3A_542, %get3A_543] {strides = array<i32>} : memref<64x512xf32, #tpu.memory_space<vmem>>, vector<1x16xf32>,
      %get3A_545 = vector.shape_cast %get3A_544 : vector<1x16xf32> to vector<16xf32>
      %add3A_546 = arith.addf %scan3A_407, %get3A_545 : vector<16xf32>
      %get3A_547 = arith.index_cast %scan3A_380 : i32 to index
      %get3A_548 = arith.constant 432 : index
      %get3A_549 = tpu.vector_load %arg4[%get3A_547, %get3A_548] {strides = array<i32>} : memref<64x512xf32, #tpu.memory_space<vmem>>, vector<1x16xf32>,
      %get3A_550 = vector.shape_cast %get3A_549 : vector<1x16xf32> to vector<16xf32>
      %add3A_551 = arith.addf %scan3A_408, %get3A_550 : vector<16xf32>
      %get3A_552 = arith.index_cast %scan3A_380 : i32 to index
      %get3A_553 = arith.constant 448 : index
      %get3A_554 = tpu.vector_load %arg4[%get3A_552, %get3A_553] {strides = array<i32>} : memref<64x512xf32, #tpu.memory_space<vmem>>, vector<1x16xf32>,
      %get3A_555 = vector.shape_cast %get3A_554 : vector<1x16xf32> to vector<16xf32>
      %add3A_556 = arith.addf %scan3A_409, %get3A_555 : vector<16xf32>
      %get3A_557 = arith.index_cast %scan3A_380 : i32 to index
      %get3A_558 = arith.constant 464 : index
      %get3A_559 = tpu.vector_load %arg4[%get3A_557, %get3A_558] {strides = array<i32>} : memref<64x512xf32, #tpu.memory_space<vmem>>, vector<1x16xf32>,
      %get3A_560 = vector.shape_cast %get3A_559 : vector<1x16xf32> to vector<16xf32>
      %add3A_561 = arith.addf %scan3A_410, %get3A_560 : vector<16xf32>
      %get3A_562 = arith.index_cast %scan3A_380 : i32 to index
      %get3A_563 = arith.constant 480 : index
      %get3A_564 = tpu.vector_load %arg4[%get3A_562, %get3A_563] {strides = array<i32>} : memref<64x512xf32, #tpu.memory_space<vmem>>, vector<1x16xf32>,
      %get3A_565 = vector.shape_cast %get3A_564 : vector<1x16xf32> to vector<16xf32>
      %add3A_566 = arith.addf %scan3A_411, %get3A_565 : vector<16xf32>
      %get3A_567 = arith.index_cast %scan3A_380 : i32 to index
      %get3A_568 = arith.constant 496 : index
      %get3A_569 = tpu.vector_load %arg4[%get3A_567, %get3A_568] {strides = array<i32>} : memref<64x512xf32, #tpu.memory_space<vmem>>, vector<1x16xf32>,
      %get3A_570 = vector.shape_cast %get3A_569 : vector<1x16xf32> to vector<16xf32>
      %add3A_571 = arith.addf %scan3A_412, %get3A_570 : vector<16xf32>
      scf.yield %add3A_416, %add3A_421, %add3A_426, %add3A_431, %add3A_436, %add3A_441, %add3A_446, %add3A_451, %add3A_456, %add3A_461, %add3A_466, %add3A_471, %add3A_476, %add3A_481, %add3A_486, %add3A_491, %add3A_496, %add3A_501, %add3A_506, %add3A_511, %add3A_516, %add3A_521, %add3A_526, %add3A_531, %add3A_536, %add3A_541, %add3A_546, %add3A_551, %add3A_556, %add3A_561, %add3A_566, %add3A_571 : vector<16xf32>, vector<16xf32>, vector<16xf32>, vector<16xf32>, vector<16xf32>, vector<16xf32>, vector<16xf32>, vector<16xf32>, vector<16xf32>, vector<16xf32>, vector<16xf32>, vector<16xf32>, vector<16xf32>, vector<16xf32>, vector<16xf32>, vector<16xf32>, vector<16xf32>, vector<16xf32>, vector<16xf32>, vector<16xf32>, vector<16xf32>, vector<16xf32>, vector<16xf32>, vector<16xf32>, vector<16xf32>, vector<16xf32>, vector<16xf32>, vector<16xf32>, vector<16xf32>, vector<16xf32>, vector<16xf32>, vector<16xf32>
    }
    %scan3A_114 = arith.constant 64 : i32
    %add3A_115 = arith.constant 256 : i32
    %add3A_116 = arith.addi %mul3A_2, %add3A_115 : i32
    %dma_start3A_117 = arith.constant 0 : i32
    %dma_start3A_118 = tpu.memref_slice %arg2[%add3A_116, %dma_start3A_117] : memref<16384x512xf32, #tpu.memory_space<hbm>> -> memref<64x512xf32, #tpu.memory_space<hbm>>
    %dma_start3A_119 = arith.constant 0 : i32
    %dma_start3A_120 = tpu.memref_slice %arg2[%add3A_116, %dma_start3A_119] : memref<16384x512xf32, #tpu.memory_space<hbm>> -> memref<64x512xf32, #tpu.memory_space<hbm>>
    tpu.enqueue_dma source(%dma_start3A_120 : memref<64x512xf32, #tpu.memory_space<hbm>>) target(%arg4 : memref<64x512xf32, #tpu.memory_space<vmem>>) target_semaphore(%arg6 : memref<!tpu.dma_semaphore, #tpu.memory_space<semaphore_mem>>)
    %dma_wait3A_121 = arith.constant 0 : i32
    %dma_wait3A_122 = tpu.memref_slice %arg2[%add3A_100, %dma_wait3A_121] : memref<16384x512xf32, #tpu.memory_space<hbm>> -> memref<64x512xf32, #tpu.memory_space<hbm>>
    %dma_wait3A_123 = arith.constant 0 : i32
    %dma_wait3A_124 = tpu.memref_slice %arg2[%add3A_100, %dma_wait3A_123] : memref<16384x512xf32, #tpu.memory_space<hbm>> -> memref<64x512xf32, #tpu.memory_space<hbm>>
    tpu.wait_dma2 semaphore(%arg7 : memref<!tpu.dma_semaphore, #tpu.memory_space<semaphore_mem>>) src(%dma_wait3A_124 : memref<64x512xf32, #tpu.memory_space<hbm>>) dst(%arg5 : memref<64x512xf32, #tpu.memory_space<vmem>>)
    %scan3A_125 = arith.constant 0 : i32
    %scan3A_126 = arith.constant 64 : i32
    %scan3A_127 = arith.addi %scan3A_125, %scan3A_126 : i32
    %scan3A_128 = arith.constant 1 : i32
    %scan3A_129:32 = scf.for %scan3A_380 = %scan3A_125 to %scan3A_127 step %scan3A_128 iter_args(%scan3A_381 = %scan3A_113#0, %scan3A_382 = %scan3A_113#1, %scan3A_383 = %scan3A_113#2, %scan3A_384 = %scan3A_113#3, %scan3A_385 = %scan3A_113#4, %scan3A_386 = %scan3A_113#5, %scan3A_387 = %scan3A_113#6, %scan3A_388 = %scan3A_113#7, %scan3A_389 = %scan3A_113#8, %scan3A_390 = %scan3A_113#9, %scan3A_391 = %scan3A_113#10, %scan3A_392 = %scan3A_113#11, %scan3A_393 = %scan3A_113#12, %scan3A_394 = %scan3A_113#13, %scan3A_395 = %scan3A_113#14, %scan3A_396 = %scan3A_113#15, %scan3A_397 = %scan3A_113#16, %scan3A_398 = %scan3A_113#17, %scan3A_399 = %scan3A_113#18, %scan3A_400 = %scan3A_113#19, %scan3A_401 = %scan3A_113#20, %scan3A_402 = %scan3A_113#21, %scan3A_403 = %scan3A_113#22, %scan3A_404 = %scan3A_113#23, %scan3A_405 = %scan3A_113#24, %scan3A_406 = %scan3A_113#25, %scan3A_407 = %scan3A_113#26, %scan3A_408 = %scan3A_113#27, %scan3A_409 = %scan3A_113#28, %scan3A_410 = %scan3A_113#29, %scan3A_411 = %scan3A_113#30, %scan3A_412 = %scan3A_113#31) -> (vector<16xf32>, vector<16xf32>, vector<16xf32>, vector<16xf32>, vector<16xf32>, vector<16xf32>, vector<16xf32>, vector<16xf32>, vector<16xf32>, vector<16xf32>, vector<16xf32>, vector<16xf32>, vector<16xf32>, vector<16xf32>, vector<16xf32>, vector<16xf32>, vector<16xf32>, vector<16xf32>, vector<16xf32>, vector<16xf32>, vector<16xf32>, vector<16xf32>, vector<16xf32>, vector<16xf32>, vector<16xf32>, vector<16xf32>, vector<16xf32>, vector<16xf32>, vector<16xf32>, vector<16xf32>, vector<16xf32>, vector<16xf32>)  : i32 {
      %get3A = arith.index_cast %scan3A_380 : i32 to index
      %get3A_413 = arith.constant 0 : index
      %get3A_414 = tpu.vector_load %arg5[%get3A, %get3A_413] {strides = array<i32>} : memref<64x512xf32, #tpu.memory_space<vmem>>, vector<1x16xf32>,
      %get3A_415 = vector.shape_cast %get3A_414 : vector<1x16xf32> to vector<16xf32>
      %add3A_416 = arith.addf %scan3A_381, %get3A_415 : vector<16xf32>
      %get3A_417 = arith.index_cast %scan3A_380 : i32 to index
      %get3A_418 = arith.constant 16 : index
      %get3A_419 = tpu.vector_load %arg5[%get3A_417, %get3A_418] {strides = array<i32>} : memref<64x512xf32, #tpu.memory_space<vmem>>, vector<1x16xf32>,
      %get3A_420 = vector.shape_cast %get3A_419 : vector<1x16xf32> to vector<16xf32>
      %add3A_421 = arith.addf %scan3A_382, %get3A_420 : vector<16xf32>
      %get3A_422 = arith.index_cast %scan3A_380 : i32 to index
      %get3A_423 = arith.constant 32 : index
      %get3A_424 = tpu.vector_load %arg5[%get3A_422, %get3A_423] {strides = array<i32>} : memref<64x512xf32, #tpu.memory_space<vmem>>, vector<1x16xf32>,
      %get3A_425 = vector.shape_cast %get3A_424 : vector<1x16xf32> to vector<16xf32>
      %add3A_426 = arith.addf %scan3A_383, %get3A_425 : vector<16xf32>
      %get3A_427 = arith.index_cast %scan3A_380 : i32 to index
      %get3A_428 = arith.constant 48 : index
      %get3A_429 = tpu.vector_load %arg5[%get3A_427, %get3A_428] {strides = array<i32>} : memref<64x512xf32, #tpu.memory_space<vmem>>, vector<1x16xf32>,
      %get3A_430 = vector.shape_cast %get3A_429 : vector<1x16xf32> to vector<16xf32>
      %add3A_431 = arith.addf %scan3A_384, %get3A_430 : vector<16xf32>
      %get3A_432 = arith.index_cast %scan3A_380 : i32 to index
      %get3A_433 = arith.constant 64 : index
      %get3A_434 = tpu.vector_load %arg5[%get3A_432, %get3A_433] {strides = array<i32>} : memref<64x512xf32, #tpu.memory_space<vmem>>, vector<1x16xf32>,
      %get3A_435 = vector.shape_cast %get3A_434 : vector<1x16xf32> to vector<16xf32>
      %add3A_436 = arith.addf %scan3A_385, %get3A_435 : vector<16xf32>
      %get3A_437 = arith.index_cast %scan3A_380 : i32 to index
      %get3A_438 = arith.constant 80 : index
      %get3A_439 = tpu.vector_load %arg5[%get3A_437, %get3A_438] {strides = array<i32>} : memref<64x512xf32, #tpu.memory_space<vmem>>, vector<1x16xf32>,
      %get3A_440 = vector.shape_cast %get3A_439 : vector<1x16xf32> to vector<16xf32>
      %add3A_441 = arith.addf %scan3A_386, %get3A_440 : vector<16xf32>
      %get3A_442 = arith.index_cast %scan3A_380 : i32 to index
      %get3A_443 = arith.constant 96 : index
      %get3A_444 = tpu.vector_load %arg5[%get3A_442, %get3A_443] {strides = array<i32>} : memref<64x512xf32, #tpu.memory_space<vmem>>, vector<1x16xf32>,
      %get3A_445 = vector.shape_cast %get3A_444 : vector<1x16xf32> to vector<16xf32>
      %add3A_446 = arith.addf %scan3A_387, %get3A_445 : vector<16xf32>
      %get3A_447 = arith.index_cast %scan3A_380 : i32 to index
      %get3A_448 = arith.constant 112 : index
      %get3A_449 = tpu.vector_load %arg5[%get3A_447, %get3A_448] {strides = array<i32>} : memref<64x512xf32, #tpu.memory_space<vmem>>, vector<1x16xf32>,
      %get3A_450 = vector.shape_cast %get3A_449 : vector<1x16xf32> to vector<16xf32>
      %add3A_451 = arith.addf %scan3A_388, %get3A_450 : vector<16xf32>
      %get3A_452 = arith.index_cast %scan3A_380 : i32 to index
      %get3A_453 = arith.constant 128 : index
      %get3A_454 = tpu.vector_load %arg5[%get3A_452, %get3A_453] {strides = array<i32>} : memref<64x512xf32, #tpu.memory_space<vmem>>, vector<1x16xf32>,
      %get3A_455 = vector.shape_cast %get3A_454 : vector<1x16xf32> to vector<16xf32>
      %add3A_456 = arith.addf %scan3A_389, %get3A_455 : vector<16xf32>
      %get3A_457 = arith.index_cast %scan3A_380 : i32 to index
      %get3A_458 = arith.constant 144 : index
      %get3A_459 = tpu.vector_load %arg5[%get3A_457, %get3A_458] {strides = array<i32>} : memref<64x512xf32, #tpu.memory_space<vmem>>, vector<1x16xf32>,
      %get3A_460 = vector.shape_cast %get3A_459 : vector<1x16xf32> to vector<16xf32>
      %add3A_461 = arith.addf %scan3A_390, %get3A_460 : vector<16xf32>
      %get3A_462 = arith.index_cast %scan3A_380 : i32 to index
      %get3A_463 = arith.constant 160 : index
      %get3A_464 = tpu.vector_load %arg5[%get3A_462, %get3A_463] {strides = array<i32>} : memref<64x512xf32, #tpu.memory_space<vmem>>, vector<1x16xf32>,
      %get3A_465 = vector.shape_cast %get3A_464 : vector<1x16xf32> to vector<16xf32>
      %add3A_466 = arith.addf %scan3A_391, %get3A_465 : vector<16xf32>
      %get3A_467 = arith.index_cast %scan3A_380 : i32 to index
      %get3A_468 = arith.constant 176 : index
      %get3A_469 = tpu.vector_load %arg5[%get3A_467, %get3A_468] {strides = array<i32>} : memref<64x512xf32, #tpu.memory_space<vmem>>, vector<1x16xf32>,
      %get3A_470 = vector.shape_cast %get3A_469 : vector<1x16xf32> to vector<16xf32>
      %add3A_471 = arith.addf %scan3A_392, %get3A_470 : vector<16xf32>
      %get3A_472 = arith.index_cast %scan3A_380 : i32 to index
      %get3A_473 = arith.constant 192 : index
      %get3A_474 = tpu.vector_load %arg5[%get3A_472, %get3A_473] {strides = array<i32>} : memref<64x512xf32, #tpu.memory_space<vmem>>, vector<1x16xf32>,
      %get3A_475 = vector.shape_cast %get3A_474 : vector<1x16xf32> to vector<16xf32>
      %add3A_476 = arith.addf %scan3A_393, %get3A_475 : vector<16xf32>
      %get3A_477 = arith.index_cast %scan3A_380 : i32 to index
      %get3A_478 = arith.constant 208 : index
      %get3A_479 = tpu.vector_load %arg5[%get3A_477, %get3A_478] {strides = array<i32>} : memref<64x512xf32, #tpu.memory_space<vmem>>, vector<1x16xf32>,
      %get3A_480 = vector.shape_cast %get3A_479 : vector<1x16xf32> to vector<16xf32>
      %add3A_481 = arith.addf %scan3A_394, %get3A_480 : vector<16xf32>
      %get3A_482 = arith.index_cast %scan3A_380 : i32 to index
      %get3A_483 = arith.constant 224 : index
      %get3A_484 = tpu.vector_load %arg5[%get3A_482, %get3A_483] {strides = array<i32>} : memref<64x512xf32, #tpu.memory_space<vmem>>, vector<1x16xf32>,
      %get3A_485 = vector.shape_cast %get3A_484 : vector<1x16xf32> to vector<16xf32>
      %add3A_486 = arith.addf %scan3A_395, %get3A_485 : vector<16xf32>
      %get3A_487 = arith.index_cast %scan3A_380 : i32 to index
      %get3A_488 = arith.constant 240 : index
      %get3A_489 = tpu.vector_load %arg5[%get3A_487, %get3A_488] {strides = array<i32>} : memref<64x512xf32, #tpu.memory_space<vmem>>, vector<1x16xf32>,
      %get3A_490 = vector.shape_cast %get3A_489 : vector<1x16xf32> to vector<16xf32>
      %add3A_491 = arith.addf %scan3A_396, %get3A_490 : vector<16xf32>
      %get3A_492 = arith.index_cast %scan3A_380 : i32 to index
      %get3A_493 = arith.constant 256 : index
      %get3A_494 = tpu.vector_load %arg5[%get3A_492, %get3A_493] {strides = array<i32>} : memref<64x512xf32, #tpu.memory_space<vmem>>, vector<1x16xf32>,
      %get3A_495 = vector.shape_cast %get3A_494 : vector<1x16xf32> to vector<16xf32>
      %add3A_496 = arith.addf %scan3A_397, %get3A_495 : vector<16xf32>
      %get3A_497 = arith.index_cast %scan3A_380 : i32 to index
      %get3A_498 = arith.constant 272 : index
      %get3A_499 = tpu.vector_load %arg5[%get3A_497, %get3A_498] {strides = array<i32>} : memref<64x512xf32, #tpu.memory_space<vmem>>, vector<1x16xf32>,
      %get3A_500 = vector.shape_cast %get3A_499 : vector<1x16xf32> to vector<16xf32>
      %add3A_501 = arith.addf %scan3A_398, %get3A_500 : vector<16xf32>
      %get3A_502 = arith.index_cast %scan3A_380 : i32 to index
      %get3A_503 = arith.constant 288 : index
      %get3A_504 = tpu.vector_load %arg5[%get3A_502, %get3A_503] {strides = array<i32>} : memref<64x512xf32, #tpu.memory_space<vmem>>, vector<1x16xf32>,
      %get3A_505 = vector.shape_cast %get3A_504 : vector<1x16xf32> to vector<16xf32>
      %add3A_506 = arith.addf %scan3A_399, %get3A_505 : vector<16xf32>
      %get3A_507 = arith.index_cast %scan3A_380 : i32 to index
      %get3A_508 = arith.constant 304 : index
      %get3A_509 = tpu.vector_load %arg5[%get3A_507, %get3A_508] {strides = array<i32>} : memref<64x512xf32, #tpu.memory_space<vmem>>, vector<1x16xf32>,
      %get3A_510 = vector.shape_cast %get3A_509 : vector<1x16xf32> to vector<16xf32>
      %add3A_511 = arith.addf %scan3A_400, %get3A_510 : vector<16xf32>
      %get3A_512 = arith.index_cast %scan3A_380 : i32 to index
      %get3A_513 = arith.constant 320 : index
      %get3A_514 = tpu.vector_load %arg5[%get3A_512, %get3A_513] {strides = array<i32>} : memref<64x512xf32, #tpu.memory_space<vmem>>, vector<1x16xf32>,
      %get3A_515 = vector.shape_cast %get3A_514 : vector<1x16xf32> to vector<16xf32>
      %add3A_516 = arith.addf %scan3A_401, %get3A_515 : vector<16xf32>
      %get3A_517 = arith.index_cast %scan3A_380 : i32 to index
      %get3A_518 = arith.constant 336 : index
      %get3A_519 = tpu.vector_load %arg5[%get3A_517, %get3A_518] {strides = array<i32>} : memref<64x512xf32, #tpu.memory_space<vmem>>, vector<1x16xf32>,
      %get3A_520 = vector.shape_cast %get3A_519 : vector<1x16xf32> to vector<16xf32>
      %add3A_521 = arith.addf %scan3A_402, %get3A_520 : vector<16xf32>
      %get3A_522 = arith.index_cast %scan3A_380 : i32 to index
      %get3A_523 = arith.constant 352 : index
      %get3A_524 = tpu.vector_load %arg5[%get3A_522, %get3A_523] {strides = array<i32>} : memref<64x512xf32, #tpu.memory_space<vmem>>, vector<1x16xf32>,
      %get3A_525 = vector.shape_cast %get3A_524 : vector<1x16xf32> to vector<16xf32>
      %add3A_526 = arith.addf %scan3A_403, %get3A_525 : vector<16xf32>
      %get3A_527 = arith.index_cast %scan3A_380 : i32 to index
      %get3A_528 = arith.constant 368 : index
      %get3A_529 = tpu.vector_load %arg5[%get3A_527, %get3A_528] {strides = array<i32>} : memref<64x512xf32, #tpu.memory_space<vmem>>, vector<1x16xf32>,
      %get3A_530 = vector.shape_cast %get3A_529 : vector<1x16xf32> to vector<16xf32>
      %add3A_531 = arith.addf %scan3A_404, %get3A_530 : vector<16xf32>
      %get3A_532 = arith.index_cast %scan3A_380 : i32 to index
      %get3A_533 = arith.constant 384 : index
      %get3A_534 = tpu.vector_load %arg5[%get3A_532, %get3A_533] {strides = array<i32>} : memref<64x512xf32, #tpu.memory_space<vmem>>, vector<1x16xf32>,
      %get3A_535 = vector.shape_cast %get3A_534 : vector<1x16xf32> to vector<16xf32>
      %add3A_536 = arith.addf %scan3A_405, %get3A_535 : vector<16xf32>
      %get3A_537 = arith.index_cast %scan3A_380 : i32 to index
      %get3A_538 = arith.constant 400 : index
      %get3A_539 = tpu.vector_load %arg5[%get3A_537, %get3A_538] {strides = array<i32>} : memref<64x512xf32, #tpu.memory_space<vmem>>, vector<1x16xf32>,
      %get3A_540 = vector.shape_cast %get3A_539 : vector<1x16xf32> to vector<16xf32>
      %add3A_541 = arith.addf %scan3A_406, %get3A_540 : vector<16xf32>
      %get3A_542 = arith.index_cast %scan3A_380 : i32 to index
      %get3A_543 = arith.constant 416 : index
      %get3A_544 = tpu.vector_load %arg5[%get3A_542, %get3A_543] {strides = array<i32>} : memref<64x512xf32, #tpu.memory_space<vmem>>, vector<1x16xf32>,
      %get3A_545 = vector.shape_cast %get3A_544 : vector<1x16xf32> to vector<16xf32>
      %add3A_546 = arith.addf %scan3A_407, %get3A_545 : vector<16xf32>
      %get3A_547 = arith.index_cast %scan3A_380 : i32 to index
      %get3A_548 = arith.constant 432 : index
      %get3A_549 = tpu.vector_load %arg5[%get3A_547, %get3A_548] {strides = array<i32>} : memref<64x512xf32, #tpu.memory_space<vmem>>, vector<1x16xf32>,
      %get3A_550 = vector.shape_cast %get3A_549 : vector<1x16xf32> to vector<16xf32>
      %add3A_551 = arith.addf %scan3A_408, %get3A_550 : vector<16xf32>
      %get3A_552 = arith.index_cast %scan3A_380 : i32 to index
      %get3A_553 = arith.constant 448 : index
      %get3A_554 = tpu.vector_load %arg5[%get3A_552, %get3A_553] {strides = array<i32>} : memref<64x512xf32, #tpu.memory_space<vmem>>, vector<1x16xf32>,
      %get3A_555 = vector.shape_cast %get3A_554 : vector<1x16xf32> to vector<16xf32>
      %add3A_556 = arith.addf %scan3A_409, %get3A_555 : vector<16xf32>
      %get3A_557 = arith.index_cast %scan3A_380 : i32 to index
      %get3A_558 = arith.constant 464 : index
      %get3A_559 = tpu.vector_load %arg5[%get3A_557, %get3A_558] {strides = array<i32>} : memref<64x512xf32, #tpu.memory_space<vmem>>, vector<1x16xf32>,
      %get3A_560 = vector.shape_cast %get3A_559 : vector<1x16xf32> to vector<16xf32>
      %add3A_561 = arith.addf %scan3A_410, %get3A_560 : vector<16xf32>
      %get3A_562 = arith.index_cast %scan3A_380 : i32 to index
      %get3A_563 = arith.constant 480 : index
      %get3A_564 = tpu.vector_load %arg5[%get3A_562, %get3A_563] {strides = array<i32>} : memref<64x512xf32, #tpu.memory_space<vmem>>, vector<1x16xf32>,
      %get3A_565 = vector.shape_cast %get3A_564 : vector<1x16xf32> to vector<16xf32>
      %add3A_566 = arith.addf %scan3A_411, %get3A_565 : vector<16xf32>
      %get3A_567 = arith.index_cast %scan3A_380 : i32 to index
      %get3A_568 = arith.constant 496 : index
      %get3A_569 = tpu.vector_load %arg5[%get3A_567, %get3A_568] {strides = array<i32>} : memref<64x512xf32, #tpu.memory_space<vmem>>, vector<1x16xf32>,
      %get3A_570 = vector.shape_cast %get3A_569 : vector<1x16xf32> to vector<16xf32>
      %add3A_571 = arith.addf %scan3A_412, %get3A_570 : vector<16xf32>
      scf.yield %add3A_416, %add3A_421, %add3A_426, %add3A_431, %add3A_436, %add3A_441, %add3A_446, %add3A_451, %add3A_456, %add3A_461, %add3A_466, %add3A_471, %add3A_476, %add3A_481, %add3A_486, %add3A_491, %add3A_496, %add3A_501, %add3A_506, %add3A_511, %add3A_516, %add3A_521, %add3A_526, %add3A_531, %add3A_536, %add3A_541, %add3A_546, %add3A_551, %add3A_556, %add3A_561, %add3A_566, %add3A_571 : vector<16xf32>, vector<16xf32>, vector<16xf32>, vector<16xf32>, vector<16xf32>, vector<16xf32>, vector<16xf32>, vector<16xf32>, vector<16xf32>, vector<16xf32>, vector<16xf32>, vector<16xf32>, vector<16xf32>, vector<16xf32>, vector<16xf32>, vector<16xf32>, vector<16xf32>, vector<16xf32>, vector<16xf32>, vector<16xf32>, vector<16xf32>, vector<16xf32>, vector<16xf32>, vector<16xf32>, vector<16xf32>, vector<16xf32>, vector<16xf32>, vector<16xf32>, vector<16xf32>, vector<16xf32>, vector<16xf32>, vector<16xf32>
    }
    %scan3A_130 = arith.constant 64 : i32
    %add3A_131 = arith.constant 320 : i32
    %add3A_132 = arith.addi %mul3A_2, %add3A_131 : i32
    %dma_start3A_133 = arith.constant 0 : i32
    %dma_start3A_134 = tpu.memref_slice %arg2[%add3A_132, %dma_start3A_133] : memref<16384x512xf32, #tpu.memory_space<hbm>> -> memref<64x512xf32, #tpu.memory_space<hbm>>
    %dma_start3A_135 = arith.constant 0 : i32
    %dma_start3A_136 = tpu.memref_slice %arg2[%add3A_132, %dma_start3A_135] : memref<16384x512xf32, #tpu.memory_space<hbm>> -> memref<64x512xf32, #tpu.memory_space<hbm>>
    tpu.enqueue_dma source(%dma_start3A_136 : memref<64x512xf32, #tpu.memory_space<hbm>>) target(%arg5 : memref<64x512xf32, #tpu.memory_space<vmem>>) target_semaphore(%arg7 : memref<!tpu.dma_semaphore, #tpu.memory_space<semaphore_mem>>)
    %dma_wait3A_137 = arith.constant 0 : i32
    %dma_wait3A_138 = tpu.memref_slice %arg2[%add3A_116, %dma_wait3A_137] : memref<16384x512xf32, #tpu.memory_space<hbm>> -> memref<64x512xf32, #tpu.memory_space<hbm>>
    %dma_wait3A_139 = arith.constant 0 : i32
    %dma_wait3A_140 = tpu.memref_slice %arg2[%add3A_116, %dma_wait3A_139] : memref<16384x512xf32, #tpu.memory_space<hbm>> -> memref<64x512xf32, #tpu.memory_space<hbm>>
    tpu.wait_dma2 semaphore(%arg6 : memref<!tpu.dma_semaphore, #tpu.memory_space<semaphore_mem>>) src(%dma_wait3A_140 : memref<64x512xf32, #tpu.memory_space<hbm>>) dst(%arg4 : memref<64x512xf32, #tpu.memory_space<vmem>>)
    %scan3A_141 = arith.constant 0 : i32
    %scan3A_142 = arith.constant 64 : i32
    %scan3A_143 = arith.addi %scan3A_141, %scan3A_142 : i32
    %scan3A_144 = arith.constant 1 : i32
    %scan3A_145:32 = scf.for %scan3A_380 = %scan3A_141 to %scan3A_143 step %scan3A_144 iter_args(%scan3A_381 = %scan3A_129#0, %scan3A_382 = %scan3A_129#1, %scan3A_383 = %scan3A_129#2, %scan3A_384 = %scan3A_129#3, %scan3A_385 = %scan3A_129#4, %scan3A_386 = %scan3A_129#5, %scan3A_387 = %scan3A_129#6, %scan3A_388 = %scan3A_129#7, %scan3A_389 = %scan3A_129#8, %scan3A_390 = %scan3A_129#9, %scan3A_391 = %scan3A_129#10, %scan3A_392 = %scan3A_129#11, %scan3A_393 = %scan3A_129#12, %scan3A_394 = %scan3A_129#13, %scan3A_395 = %scan3A_129#14, %scan3A_396 = %scan3A_129#15, %scan3A_397 = %scan3A_129#16, %scan3A_398 = %scan3A_129#17, %scan3A_399 = %scan3A_129#18, %scan3A_400 = %scan3A_129#19, %scan3A_401 = %scan3A_129#20, %scan3A_402 = %scan3A_129#21, %scan3A_403 = %scan3A_129#22, %scan3A_404 = %scan3A_129#23, %scan3A_405 = %scan3A_129#24, %scan3A_406 = %scan3A_129#25, %scan3A_407 = %scan3A_129#26, %scan3A_408 = %scan3A_129#27, %scan3A_409 = %scan3A_129#28, %scan3A_410 = %scan3A_129#29, %scan3A_411 = %scan3A_129#30, %scan3A_412 = %scan3A_129#31) -> (vector<16xf32>, vector<16xf32>, vector<16xf32>, vector<16xf32>, vector<16xf32>, vector<16xf32>, vector<16xf32>, vector<16xf32>, vector<16xf32>, vector<16xf32>, vector<16xf32>, vector<16xf32>, vector<16xf32>, vector<16xf32>, vector<16xf32>, vector<16xf32>, vector<16xf32>, vector<16xf32>, vector<16xf32>, vector<16xf32>, vector<16xf32>, vector<16xf32>, vector<16xf32>, vector<16xf32>, vector<16xf32>, vector<16xf32>, vector<16xf32>, vector<16xf32>, vector<16xf32>, vector<16xf32>, vector<16xf32>, vector<16xf32>)  : i32 {
      %get3A = arith.index_cast %scan3A_380 : i32 to index
      %get3A_413 = arith.constant 0 : index
      %get3A_414 = tpu.vector_load %arg4[%get3A, %get3A_413] {strides = array<i32>} : memref<64x512xf32, #tpu.memory_space<vmem>>, vector<1x16xf32>,
      %get3A_415 = vector.shape_cast %get3A_414 : vector<1x16xf32> to vector<16xf32>
      %add3A_416 = arith.addf %scan3A_381, %get3A_415 : vector<16xf32>
      %get3A_417 = arith.index_cast %scan3A_380 : i32 to index
      %get3A_418 = arith.constant 16 : index
      %get3A_419 = tpu.vector_load %arg4[%get3A_417, %get3A_418] {strides = array<i32>} : memref<64x512xf32, #tpu.memory_space<vmem>>, vector<1x16xf32>,
      %get3A_420 = vector.shape_cast %get3A_419 : vector<1x16xf32> to vector<16xf32>
      %add3A_421 = arith.addf %scan3A_382, %get3A_420 : vector<16xf32>
      %get3A_422 = arith.index_cast %scan3A_380 : i32 to index
      %get3A_423 = arith.constant 32 : index
      %get3A_424 = tpu.vector_load %arg4[%get3A_422, %get3A_423] {strides = array<i32>} : memref<64x512xf32, #tpu.memory_space<vmem>>, vector<1x16xf32>,
      %get3A_425 = vector.shape_cast %get3A_424 : vector<1x16xf32> to vector<16xf32>
      %add3A_426 = arith.addf %scan3A_383, %get3A_425 : vector<16xf32>
      %get3A_427 = arith.index_cast %scan3A_380 : i32 to index
      %get3A_428 = arith.constant 48 : index
      %get3A_429 = tpu.vector_load %arg4[%get3A_427, %get3A_428] {strides = array<i32>} : memref<64x512xf32, #tpu.memory_space<vmem>>, vector<1x16xf32>,
      %get3A_430 = vector.shape_cast %get3A_429 : vector<1x16xf32> to vector<16xf32>
      %add3A_431 = arith.addf %scan3A_384, %get3A_430 : vector<16xf32>
      %get3A_432 = arith.index_cast %scan3A_380 : i32 to index
      %get3A_433 = arith.constant 64 : index
      %get3A_434 = tpu.vector_load %arg4[%get3A_432, %get3A_433] {strides = array<i32>} : memref<64x512xf32, #tpu.memory_space<vmem>>, vector<1x16xf32>,
      %get3A_435 = vector.shape_cast %get3A_434 : vector<1x16xf32> to vector<16xf32>
      %add3A_436 = arith.addf %scan3A_385, %get3A_435 : vector<16xf32>
      %get3A_437 = arith.index_cast %scan3A_380 : i32 to index
      %get3A_438 = arith.constant 80 : index
      %get3A_439 = tpu.vector_load %arg4[%get3A_437, %get3A_438] {strides = array<i32>} : memref<64x512xf32, #tpu.memory_space<vmem>>, vector<1x16xf32>,
      %get3A_440 = vector.shape_cast %get3A_439 : vector<1x16xf32> to vector<16xf32>
      %add3A_441 = arith.addf %scan3A_386, %get3A_440 : vector<16xf32>
      %get3A_442 = arith.index_cast %scan3A_380 : i32 to index
      %get3A_443 = arith.constant 96 : index
      %get3A_444 = tpu.vector_load %arg4[%get3A_442, %get3A_443] {strides = array<i32>} : memref<64x512xf32, #tpu.memory_space<vmem>>, vector<1x16xf32>,
      %get3A_445 = vector.shape_cast %get3A_444 : vector<1x16xf32> to vector<16xf32>
      %add3A_446 = arith.addf %scan3A_387, %get3A_445 : vector<16xf32>
      %get3A_447 = arith.index_cast %scan3A_380 : i32 to index
      %get3A_448 = arith.constant 112 : index
      %get3A_449 = tpu.vector_load %arg4[%get3A_447, %get3A_448] {strides = array<i32>} : memref<64x512xf32, #tpu.memory_space<vmem>>, vector<1x16xf32>,
      %get3A_450 = vector.shape_cast %get3A_449 : vector<1x16xf32> to vector<16xf32>
      %add3A_451 = arith.addf %scan3A_388, %get3A_450 : vector<16xf32>
      %get3A_452 = arith.index_cast %scan3A_380 : i32 to index
      %get3A_453 = arith.constant 128 : index
      %get3A_454 = tpu.vector_load %arg4[%get3A_452, %get3A_453] {strides = array<i32>} : memref<64x512xf32, #tpu.memory_space<vmem>>, vector<1x16xf32>,
      %get3A_455 = vector.shape_cast %get3A_454 : vector<1x16xf32> to vector<16xf32>
      %add3A_456 = arith.addf %scan3A_389, %get3A_455 : vector<16xf32>
      %get3A_457 = arith.index_cast %scan3A_380 : i32 to index
      %get3A_458 = arith.constant 144 : index
      %get3A_459 = tpu.vector_load %arg4[%get3A_457, %get3A_458] {strides = array<i32>} : memref<64x512xf32, #tpu.memory_space<vmem>>, vector<1x16xf32>,
      %get3A_460 = vector.shape_cast %get3A_459 : vector<1x16xf32> to vector<16xf32>
      %add3A_461 = arith.addf %scan3A_390, %get3A_460 : vector<16xf32>
      %get3A_462 = arith.index_cast %scan3A_380 : i32 to index
      %get3A_463 = arith.constant 160 : index
      %get3A_464 = tpu.vector_load %arg4[%get3A_462, %get3A_463] {strides = array<i32>} : memref<64x512xf32, #tpu.memory_space<vmem>>, vector<1x16xf32>,
      %get3A_465 = vector.shape_cast %get3A_464 : vector<1x16xf32> to vector<16xf32>
      %add3A_466 = arith.addf %scan3A_391, %get3A_465 : vector<16xf32>
      %get3A_467 = arith.index_cast %scan3A_380 : i32 to index
      %get3A_468 = arith.constant 176 : index
      %get3A_469 = tpu.vector_load %arg4[%get3A_467, %get3A_468] {strides = array<i32>} : memref<64x512xf32, #tpu.memory_space<vmem>>, vector<1x16xf32>,
      %get3A_470 = vector.shape_cast %get3A_469 : vector<1x16xf32> to vector<16xf32>
      %add3A_471 = arith.addf %scan3A_392, %get3A_470 : vector<16xf32>
      %get3A_472 = arith.index_cast %scan3A_380 : i32 to index
      %get3A_473 = arith.constant 192 : index
      %get3A_474 = tpu.vector_load %arg4[%get3A_472, %get3A_473] {strides = array<i32>} : memref<64x512xf32, #tpu.memory_space<vmem>>, vector<1x16xf32>,
      %get3A_475 = vector.shape_cast %get3A_474 : vector<1x16xf32> to vector<16xf32>
      %add3A_476 = arith.addf %scan3A_393, %get3A_475 : vector<16xf32>
      %get3A_477 = arith.index_cast %scan3A_380 : i32 to index
      %get3A_478 = arith.constant 208 : index
      %get3A_479 = tpu.vector_load %arg4[%get3A_477, %get3A_478] {strides = array<i32>} : memref<64x512xf32, #tpu.memory_space<vmem>>, vector<1x16xf32>,
      %get3A_480 = vector.shape_cast %get3A_479 : vector<1x16xf32> to vector<16xf32>
      %add3A_481 = arith.addf %scan3A_394, %get3A_480 : vector<16xf32>
      %get3A_482 = arith.index_cast %scan3A_380 : i32 to index
      %get3A_483 = arith.constant 224 : index
      %get3A_484 = tpu.vector_load %arg4[%get3A_482, %get3A_483] {strides = array<i32>} : memref<64x512xf32, #tpu.memory_space<vmem>>, vector<1x16xf32>,
      %get3A_485 = vector.shape_cast %get3A_484 : vector<1x16xf32> to vector<16xf32>
      %add3A_486 = arith.addf %scan3A_395, %get3A_485 : vector<16xf32>
      %get3A_487 = arith.index_cast %scan3A_380 : i32 to index
      %get3A_488 = arith.constant 240 : index
      %get3A_489 = tpu.vector_load %arg4[%get3A_487, %get3A_488] {strides = array<i32>} : memref<64x512xf32, #tpu.memory_space<vmem>>, vector<1x16xf32>,
      %get3A_490 = vector.shape_cast %get3A_489 : vector<1x16xf32> to vector<16xf32>
      %add3A_491 = arith.addf %scan3A_396, %get3A_490 : vector<16xf32>
      %get3A_492 = arith.index_cast %scan3A_380 : i32 to index
      %get3A_493 = arith.constant 256 : index
      %get3A_494 = tpu.vector_load %arg4[%get3A_492, %get3A_493] {strides = array<i32>} : memref<64x512xf32, #tpu.memory_space<vmem>>, vector<1x16xf32>,
      %get3A_495 = vector.shape_cast %get3A_494 : vector<1x16xf32> to vector<16xf32>
      %add3A_496 = arith.addf %scan3A_397, %get3A_495 : vector<16xf32>
      %get3A_497 = arith.index_cast %scan3A_380 : i32 to index
      %get3A_498 = arith.constant 272 : index
      %get3A_499 = tpu.vector_load %arg4[%get3A_497, %get3A_498] {strides = array<i32>} : memref<64x512xf32, #tpu.memory_space<vmem>>, vector<1x16xf32>,
      %get3A_500 = vector.shape_cast %get3A_499 : vector<1x16xf32> to vector<16xf32>
      %add3A_501 = arith.addf %scan3A_398, %get3A_500 : vector<16xf32>
      %get3A_502 = arith.index_cast %scan3A_380 : i32 to index
      %get3A_503 = arith.constant 288 : index
      %get3A_504 = tpu.vector_load %arg4[%get3A_502, %get3A_503] {strides = array<i32>} : memref<64x512xf32, #tpu.memory_space<vmem>>, vector<1x16xf32>,
      %get3A_505 = vector.shape_cast %get3A_504 : vector<1x16xf32> to vector<16xf32>
      %add3A_506 = arith.addf %scan3A_399, %get3A_505 : vector<16xf32>
      %get3A_507 = arith.index_cast %scan3A_380 : i32 to index
      %get3A_508 = arith.constant 304 : index
      %get3A_509 = tpu.vector_load %arg4[%get3A_507, %get3A_508] {strides = array<i32>} : memref<64x512xf32, #tpu.memory_space<vmem>>, vector<1x16xf32>,
      %get3A_510 = vector.shape_cast %get3A_509 : vector<1x16xf32> to vector<16xf32>
      %add3A_511 = arith.addf %scan3A_400, %get3A_510 : vector<16xf32>
      %get3A_512 = arith.index_cast %scan3A_380 : i32 to index
      %get3A_513 = arith.constant 320 : index
      %get3A_514 = tpu.vector_load %arg4[%get3A_512, %get3A_513] {strides = array<i32>} : memref<64x512xf32, #tpu.memory_space<vmem>>, vector<1x16xf32>,
      %get3A_515 = vector.shape_cast %get3A_514 : vector<1x16xf32> to vector<16xf32>
      %add3A_516 = arith.addf %scan3A_401, %get3A_515 : vector<16xf32>
      %get3A_517 = arith.index_cast %scan3A_380 : i32 to index
      %get3A_518 = arith.constant 336 : index
      %get3A_519 = tpu.vector_load %arg4[%get3A_517, %get3A_518] {strides = array<i32>} : memref<64x512xf32, #tpu.memory_space<vmem>>, vector<1x16xf32>,
      %get3A_520 = vector.shape_cast %get3A_519 : vector<1x16xf32> to vector<16xf32>
      %add3A_521 = arith.addf %scan3A_402, %get3A_520 : vector<16xf32>
      %get3A_522 = arith.index_cast %scan3A_380 : i32 to index
      %get3A_523 = arith.constant 352 : index
      %get3A_524 = tpu.vector_load %arg4[%get3A_522, %get3A_523] {strides = array<i32>} : memref<64x512xf32, #tpu.memory_space<vmem>>, vector<1x16xf32>,
      %get3A_525 = vector.shape_cast %get3A_524 : vector<1x16xf32> to vector<16xf32>
      %add3A_526 = arith.addf %scan3A_403, %get3A_525 : vector<16xf32>
      %get3A_527 = arith.index_cast %scan3A_380 : i32 to index
      %get3A_528 = arith.constant 368 : index
      %get3A_529 = tpu.vector_load %arg4[%get3A_527, %get3A_528] {strides = array<i32>} : memref<64x512xf32, #tpu.memory_space<vmem>>, vector<1x16xf32>,
      %get3A_530 = vector.shape_cast %get3A_529 : vector<1x16xf32> to vector<16xf32>
      %add3A_531 = arith.addf %scan3A_404, %get3A_530 : vector<16xf32>
      %get3A_532 = arith.index_cast %scan3A_380 : i32 to index
      %get3A_533 = arith.constant 384 : index
      %get3A_534 = tpu.vector_load %arg4[%get3A_532, %get3A_533] {strides = array<i32>} : memref<64x512xf32, #tpu.memory_space<vmem>>, vector<1x16xf32>,
      %get3A_535 = vector.shape_cast %get3A_534 : vector<1x16xf32> to vector<16xf32>
      %add3A_536 = arith.addf %scan3A_405, %get3A_535 : vector<16xf32>
      %get3A_537 = arith.index_cast %scan3A_380 : i32 to index
      %get3A_538 = arith.constant 400 : index
      %get3A_539 = tpu.vector_load %arg4[%get3A_537, %get3A_538] {strides = array<i32>} : memref<64x512xf32, #tpu.memory_space<vmem>>, vector<1x16xf32>,
      %get3A_540 = vector.shape_cast %get3A_539 : vector<1x16xf32> to vector<16xf32>
      %add3A_541 = arith.addf %scan3A_406, %get3A_540 : vector<16xf32>
      %get3A_542 = arith.index_cast %scan3A_380 : i32 to index
      %get3A_543 = arith.constant 416 : index
      %get3A_544 = tpu.vector_load %arg4[%get3A_542, %get3A_543] {strides = array<i32>} : memref<64x512xf32, #tpu.memory_space<vmem>>, vector<1x16xf32>,
      %get3A_545 = vector.shape_cast %get3A_544 : vector<1x16xf32> to vector<16xf32>
      %add3A_546 = arith.addf %scan3A_407, %get3A_545 : vector<16xf32>
      %get3A_547 = arith.index_cast %scan3A_380 : i32 to index
      %get3A_548 = arith.constant 432 : index
      %get3A_549 = tpu.vector_load %arg4[%get3A_547, %get3A_548] {strides = array<i32>} : memref<64x512xf32, #tpu.memory_space<vmem>>, vector<1x16xf32>,
      %get3A_550 = vector.shape_cast %get3A_549 : vector<1x16xf32> to vector<16xf32>
      %add3A_551 = arith.addf %scan3A_408, %get3A_550 : vector<16xf32>
      %get3A_552 = arith.index_cast %scan3A_380 : i32 to index
      %get3A_553 = arith.constant 448 : index
      %get3A_554 = tpu.vector_load %arg4[%get3A_552, %get3A_553] {strides = array<i32>} : memref<64x512xf32, #tpu.memory_space<vmem>>, vector<1x16xf32>,
      %get3A_555 = vector.shape_cast %get3A_554 : vector<1x16xf32> to vector<16xf32>
      %add3A_556 = arith.addf %scan3A_409, %get3A_555 : vector<16xf32>
      %get3A_557 = arith.index_cast %scan3A_380 : i32 to index
      %get3A_558 = arith.constant 464 : index
      %get3A_559 = tpu.vector_load %arg4[%get3A_557, %get3A_558] {strides = array<i32>} : memref<64x512xf32, #tpu.memory_space<vmem>>, vector<1x16xf32>,
      %get3A_560 = vector.shape_cast %get3A_559 : vector<1x16xf32> to vector<16xf32>
      %add3A_561 = arith.addf %scan3A_410, %get3A_560 : vector<16xf32>
      %get3A_562 = arith.index_cast %scan3A_380 : i32 to index
      %get3A_563 = arith.constant 480 : index
      %get3A_564 = tpu.vector_load %arg4[%get3A_562, %get3A_563] {strides = array<i32>} : memref<64x512xf32, #tpu.memory_space<vmem>>, vector<1x16xf32>,
      %get3A_565 = vector.shape_cast %get3A_564 : vector<1x16xf32> to vector<16xf32>
      %add3A_566 = arith.addf %scan3A_411, %get3A_565 : vector<16xf32>
      %get3A_567 = arith.index_cast %scan3A_380 : i32 to index
      %get3A_568 = arith.constant 496 : index
      %get3A_569 = tpu.vector_load %arg4[%get3A_567, %get3A_568] {strides = array<i32>} : memref<64x512xf32, #tpu.memory_space<vmem>>, vector<1x16xf32>,
      %get3A_570 = vector.shape_cast %get3A_569 : vector<1x16xf32> to vector<16xf32>
      %add3A_571 = arith.addf %scan3A_412, %get3A_570 : vector<16xf32>
      scf.yield %add3A_416, %add3A_421, %add3A_426, %add3A_431, %add3A_436, %add3A_441, %add3A_446, %add3A_451, %add3A_456, %add3A_461, %add3A_466, %add3A_471, %add3A_476, %add3A_481, %add3A_486, %add3A_491, %add3A_496, %add3A_501, %add3A_506, %add3A_511, %add3A_516, %add3A_521, %add3A_526, %add3A_531, %add3A_536, %add3A_541, %add3A_546, %add3A_551, %add3A_556, %add3A_561, %add3A_566, %add3A_571 : vector<16xf32>, vector<16xf32>, vector<16xf32>, vector<16xf32>, vector<16xf32>, vector<16xf32>, vector<16xf32>, vector<16xf32>, vector<16xf32>, vector<16xf32>, vector<16xf32>, vector<16xf32>, vector<16xf32>, vector<16xf32>, vector<16xf32>, vector<16xf32>, vector<16xf32>, vector<16xf32>, vector<16xf32>, vector<16xf32>, vector<16xf32>, vector<16xf32>, vector<16xf32>, vector<16xf32>, vector<16xf32>, vector<16xf32>, vector<16xf32>, vector<16xf32>, vector<16xf32>, vector<16xf32>, vector<16xf32>, vector<16xf32>
    }
    %scan3A_146 = arith.constant 64 : i32
    %add3A_147 = arith.constant 384 : i32
    %add3A_148 = arith.addi %mul3A_2, %add3A_147 : i32
    %dma_start3A_149 = arith.constant 0 : i32
    %dma_start3A_150 = tpu.memref_slice %arg2[%add3A_148, %dma_start3A_149] : memref<16384x512xf32, #tpu.memory_space<hbm>> -> memref<64x512xf32, #tpu.memory_space<hbm>>
    %dma_start3A_151 = arith.constant 0 : i32
    %dma_start3A_152 = tpu.memref_slice %arg2[%add3A_148, %dma_start3A_151] : memref<16384x512xf32, #tpu.memory_space<hbm>> -> memref<64x512xf32, #tpu.memory_space<hbm>>
    tpu.enqueue_dma source(%dma_start3A_152 : memref<64x512xf32, #tpu.memory_space<hbm>>) target(%arg4 : memref<64x512xf32, #tpu.memory_space<vmem>>) target_semaphore(%arg6 : memref<!tpu.dma_semaphore, #tpu.memory_space<semaphore_mem>>)
    %dma_wait3A_153 = arith.constant 0 : i32
    %dma_wait3A_154 = tpu.memref_slice %arg2[%add3A_132, %dma_wait3A_153] : memref<16384x512xf32, #tpu.memory_space<hbm>> -> memref<64x512xf32, #tpu.memory_space<hbm>>
    %dma_wait3A_155 = arith.constant 0 : i32
    %dma_wait3A_156 = tpu.memref_slice %arg2[%add3A_132, %dma_wait3A_155] : memref<16384x512xf32, #tpu.memory_space<hbm>> -> memref<64x512xf32, #tpu.memory_space<hbm>>
    tpu.wait_dma2 semaphore(%arg7 : memref<!tpu.dma_semaphore, #tpu.memory_space<semaphore_mem>>) src(%dma_wait3A_156 : memref<64x512xf32, #tpu.memory_space<hbm>>) dst(%arg5 : memref<64x512xf32, #tpu.memory_space<vmem>>)
    %scan3A_157 = arith.constant 0 : i32
    %scan3A_158 = arith.constant 64 : i32
    %scan3A_159 = arith.addi %scan3A_157, %scan3A_158 : i32
    %scan3A_160 = arith.constant 1 : i32
    %scan3A_161:32 = scf.for %scan3A_380 = %scan3A_157 to %scan3A_159 step %scan3A_160 iter_args(%scan3A_381 = %scan3A_145#0, %scan3A_382 = %scan3A_145#1, %scan3A_383 = %scan3A_145#2, %scan3A_384 = %scan3A_145#3, %scan3A_385 = %scan3A_145#4, %scan3A_386 = %scan3A_145#5, %scan3A_387 = %scan3A_145#6, %scan3A_388 = %scan3A_145#7, %scan3A_389 = %scan3A_145#8, %scan3A_390 = %scan3A_145#9, %scan3A_391 = %scan3A_145#10, %scan3A_392 = %scan3A_145#11, %scan3A_393 = %scan3A_145#12, %scan3A_394 = %scan3A_145#13, %scan3A_395 = %scan3A_145#14, %scan3A_396 = %scan3A_145#15, %scan3A_397 = %scan3A_145#16, %scan3A_398 = %scan3A_145#17, %scan3A_399 = %scan3A_145#18, %scan3A_400 = %scan3A_145#19, %scan3A_401 = %scan3A_145#20, %scan3A_402 = %scan3A_145#21, %scan3A_403 = %scan3A_145#22, %scan3A_404 = %scan3A_145#23, %scan3A_405 = %scan3A_145#24, %scan3A_406 = %scan3A_145#25, %scan3A_407 = %scan3A_145#26, %scan3A_408 = %scan3A_145#27, %scan3A_409 = %scan3A_145#28, %scan3A_410 = %scan3A_145#29, %scan3A_411 = %scan3A_145#30, %scan3A_412 = %scan3A_145#31) -> (vector<16xf32>, vector<16xf32>, vector<16xf32>, vector<16xf32>, vector<16xf32>, vector<16xf32>, vector<16xf32>, vector<16xf32>, vector<16xf32>, vector<16xf32>, vector<16xf32>, vector<16xf32>, vector<16xf32>, vector<16xf32>, vector<16xf32>, vector<16xf32>, vector<16xf32>, vector<16xf32>, vector<16xf32>, vector<16xf32>, vector<16xf32>, vector<16xf32>, vector<16xf32>, vector<16xf32>, vector<16xf32>, vector<16xf32>, vector<16xf32>, vector<16xf32>, vector<16xf32>, vector<16xf32>, vector<16xf32>, vector<16xf32>)  : i32 {
      %get3A = arith.index_cast %scan3A_380 : i32 to index
      %get3A_413 = arith.constant 0 : index
      %get3A_414 = tpu.vector_load %arg5[%get3A, %get3A_413] {strides = array<i32>} : memref<64x512xf32, #tpu.memory_space<vmem>>, vector<1x16xf32>,
      %get3A_415 = vector.shape_cast %get3A_414 : vector<1x16xf32> to vector<16xf32>
      %add3A_416 = arith.addf %scan3A_381, %get3A_415 : vector<16xf32>
      %get3A_417 = arith.index_cast %scan3A_380 : i32 to index
      %get3A_418 = arith.constant 16 : index
      %get3A_419 = tpu.vector_load %arg5[%get3A_417, %get3A_418] {strides = array<i32>} : memref<64x512xf32, #tpu.memory_space<vmem>>, vector<1x16xf32>,
      %get3A_420 = vector.shape_cast %get3A_419 : vector<1x16xf32> to vector<16xf32>
      %add3A_421 = arith.addf %scan3A_382, %get3A_420 : vector<16xf32>
      %get3A_422 = arith.index_cast %scan3A_380 : i32 to index
      %get3A_423 = arith.constant 32 : index
      %get3A_424 = tpu.vector_load %arg5[%get3A_422, %get3A_423] {strides = array<i32>} : memref<64x512xf32, #tpu.memory_space<vmem>>, vector<1x16xf32>,
      %get3A_425 = vector.shape_cast %get3A_424 : vector<1x16xf32> to vector<16xf32>
      %add3A_426 = arith.addf %scan3A_383, %get3A_425 : vector<16xf32>
      %get3A_427 = arith.index_cast %scan3A_380 : i32 to index
      %get3A_428 = arith.constant 48 : index
      %get3A_429 = tpu.vector_load %arg5[%get3A_427, %get3A_428] {strides = array<i32>} : memref<64x512xf32, #tpu.memory_space<vmem>>, vector<1x16xf32>,
      %get3A_430 = vector.shape_cast %get3A_429 : vector<1x16xf32> to vector<16xf32>
      %add3A_431 = arith.addf %scan3A_384, %get3A_430 : vector<16xf32>
      %get3A_432 = arith.index_cast %scan3A_380 : i32 to index
      %get3A_433 = arith.constant 64 : index
      %get3A_434 = tpu.vector_load %arg5[%get3A_432, %get3A_433] {strides = array<i32>} : memref<64x512xf32, #tpu.memory_space<vmem>>, vector<1x16xf32>,
      %get3A_435 = vector.shape_cast %get3A_434 : vector<1x16xf32> to vector<16xf32>
      %add3A_436 = arith.addf %scan3A_385, %get3A_435 : vector<16xf32>
      %get3A_437 = arith.index_cast %scan3A_380 : i32 to index
      %get3A_438 = arith.constant 80 : index
      %get3A_439 = tpu.vector_load %arg5[%get3A_437, %get3A_438] {strides = array<i32>} : memref<64x512xf32, #tpu.memory_space<vmem>>, vector<1x16xf32>,
      %get3A_440 = vector.shape_cast %get3A_439 : vector<1x16xf32> to vector<16xf32>
      %add3A_441 = arith.addf %scan3A_386, %get3A_440 : vector<16xf32>
      %get3A_442 = arith.index_cast %scan3A_380 : i32 to index
      %get3A_443 = arith.constant 96 : index
      %get3A_444 = tpu.vector_load %arg5[%get3A_442, %get3A_443] {strides = array<i32>} : memref<64x512xf32, #tpu.memory_space<vmem>>, vector<1x16xf32>,
      %get3A_445 = vector.shape_cast %get3A_444 : vector<1x16xf32> to vector<16xf32>
      %add3A_446 = arith.addf %scan3A_387, %get3A_445 : vector<16xf32>
      %get3A_447 = arith.index_cast %scan3A_380 : i32 to index
      %get3A_448 = arith.constant 112 : index
      %get3A_449 = tpu.vector_load %arg5[%get3A_447, %get3A_448] {strides = array<i32>} : memref<64x512xf32, #tpu.memory_space<vmem>>, vector<1x16xf32>,
      %get3A_450 = vector.shape_cast %get3A_449 : vector<1x16xf32> to vector<16xf32>
      %add3A_451 = arith.addf %scan3A_388, %get3A_450 : vector<16xf32>
      %get3A_452 = arith.index_cast %scan3A_380 : i32 to index
      %get3A_453 = arith.constant 128 : index
      %get3A_454 = tpu.vector_load %arg5[%get3A_452, %get3A_453] {strides = array<i32>} : memref<64x512xf32, #tpu.memory_space<vmem>>, vector<1x16xf32>,
      %get3A_455 = vector.shape_cast %get3A_454 : vector<1x16xf32> to vector<16xf32>
      %add3A_456 = arith.addf %scan3A_389, %get3A_455 : vector<16xf32>
      %get3A_457 = arith.index_cast %scan3A_380 : i32 to index
      %get3A_458 = arith.constant 144 : index
      %get3A_459 = tpu.vector_load %arg5[%get3A_457, %get3A_458] {strides = array<i32>} : memref<64x512xf32, #tpu.memory_space<vmem>>, vector<1x16xf32>,
      %get3A_460 = vector.shape_cast %get3A_459 : vector<1x16xf32> to vector<16xf32>
      %add3A_461 = arith.addf %scan3A_390, %get3A_460 : vector<16xf32>
      %get3A_462 = arith.index_cast %scan3A_380 : i32 to index
      %get3A_463 = arith.constant 160 : index
      %get3A_464 = tpu.vector_load %arg5[%get3A_462, %get3A_463] {strides = array<i32>} : memref<64x512xf32, #tpu.memory_space<vmem>>, vector<1x16xf32>,
      %get3A_465 = vector.shape_cast %get3A_464 : vector<1x16xf32> to vector<16xf32>
      %add3A_466 = arith.addf %scan3A_391, %get3A_465 : vector<16xf32>
      %get3A_467 = arith.index_cast %scan3A_380 : i32 to index
      %get3A_468 = arith.constant 176 : index
      %get3A_469 = tpu.vector_load %arg5[%get3A_467, %get3A_468] {strides = array<i32>} : memref<64x512xf32, #tpu.memory_space<vmem>>, vector<1x16xf32>,
      %get3A_470 = vector.shape_cast %get3A_469 : vector<1x16xf32> to vector<16xf32>
      %add3A_471 = arith.addf %scan3A_392, %get3A_470 : vector<16xf32>
      %get3A_472 = arith.index_cast %scan3A_380 : i32 to index
      %get3A_473 = arith.constant 192 : index
      %get3A_474 = tpu.vector_load %arg5[%get3A_472, %get3A_473] {strides = array<i32>} : memref<64x512xf32, #tpu.memory_space<vmem>>, vector<1x16xf32>,
      %get3A_475 = vector.shape_cast %get3A_474 : vector<1x16xf32> to vector<16xf32>
      %add3A_476 = arith.addf %scan3A_393, %get3A_475 : vector<16xf32>
      %get3A_477 = arith.index_cast %scan3A_380 : i32 to index
      %get3A_478 = arith.constant 208 : index
      %get3A_479 = tpu.vector_load %arg5[%get3A_477, %get3A_478] {strides = array<i32>} : memref<64x512xf32, #tpu.memory_space<vmem>>, vector<1x16xf32>,
      %get3A_480 = vector.shape_cast %get3A_479 : vector<1x16xf32> to vector<16xf32>
      %add3A_481 = arith.addf %scan3A_394, %get3A_480 : vector<16xf32>
      %get3A_482 = arith.index_cast %scan3A_380 : i32 to index
      %get3A_483 = arith.constant 224 : index
      %get3A_484 = tpu.vector_load %arg5[%get3A_482, %get3A_483] {strides = array<i32>} : memref<64x512xf32, #tpu.memory_space<vmem>>, vector<1x16xf32>,
      %get3A_485 = vector.shape_cast %get3A_484 : vector<1x16xf32> to vector<16xf32>
      %add3A_486 = arith.addf %scan3A_395, %get3A_485 : vector<16xf32>
      %get3A_487 = arith.index_cast %scan3A_380 : i32 to index
      %get3A_488 = arith.constant 240 : index
      %get3A_489 = tpu.vector_load %arg5[%get3A_487, %get3A_488] {strides = array<i32>} : memref<64x512xf32, #tpu.memory_space<vmem>>, vector<1x16xf32>,
      %get3A_490 = vector.shape_cast %get3A_489 : vector<1x16xf32> to vector<16xf32>
      %add3A_491 = arith.addf %scan3A_396, %get3A_490 : vector<16xf32>
      %get3A_492 = arith.index_cast %scan3A_380 : i32 to index
      %get3A_493 = arith.constant 256 : index
      %get3A_494 = tpu.vector_load %arg5[%get3A_492, %get3A_493] {strides = array<i32>} : memref<64x512xf32, #tpu.memory_space<vmem>>, vector<1x16xf32>,
      %get3A_495 = vector.shape_cast %get3A_494 : vector<1x16xf32> to vector<16xf32>
      %add3A_496 = arith.addf %scan3A_397, %get3A_495 : vector<16xf32>
      %get3A_497 = arith.index_cast %scan3A_380 : i32 to index
      %get3A_498 = arith.constant 272 : index
      %get3A_499 = tpu.vector_load %arg5[%get3A_497, %get3A_498] {strides = array<i32>} : memref<64x512xf32, #tpu.memory_space<vmem>>, vector<1x16xf32>,
      %get3A_500 = vector.shape_cast %get3A_499 : vector<1x16xf32> to vector<16xf32>
      %add3A_501 = arith.addf %scan3A_398, %get3A_500 : vector<16xf32>
      %get3A_502 = arith.index_cast %scan3A_380 : i32 to index
      %get3A_503 = arith.constant 288 : index
      %get3A_504 = tpu.vector_load %arg5[%get3A_502, %get3A_503] {strides = array<i32>} : memref<64x512xf32, #tpu.memory_space<vmem>>, vector<1x16xf32>,
      %get3A_505 = vector.shape_cast %get3A_504 : vector<1x16xf32> to vector<16xf32>
      %add3A_506 = arith.addf %scan3A_399, %get3A_505 : vector<16xf32>
      %get3A_507 = arith.index_cast %scan3A_380 : i32 to index
      %get3A_508 = arith.constant 304 : index
      %get3A_509 = tpu.vector_load %arg5[%get3A_507, %get3A_508] {strides = array<i32>} : memref<64x512xf32, #tpu.memory_space<vmem>>, vector<1x16xf32>,
      %get3A_510 = vector.shape_cast %get3A_509 : vector<1x16xf32> to vector<16xf32>
      %add3A_511 = arith.addf %scan3A_400, %get3A_510 : vector<16xf32>
      %get3A_512 = arith.index_cast %scan3A_380 : i32 to index
      %get3A_513 = arith.constant 320 : index
      %get3A_514 = tpu.vector_load %arg5[%get3A_512, %get3A_513] {strides = array<i32>} : memref<64x512xf32, #tpu.memory_space<vmem>>, vector<1x16xf32>,
      %get3A_515 = vector.shape_cast %get3A_514 : vector<1x16xf32> to vector<16xf32>
      %add3A_516 = arith.addf %scan3A_401, %get3A_515 : vector<16xf32>
      %get3A_517 = arith.index_cast %scan3A_380 : i32 to index
      %get3A_518 = arith.constant 336 : index
      %get3A_519 = tpu.vector_load %arg5[%get3A_517, %get3A_518] {strides = array<i32>} : memref<64x512xf32, #tpu.memory_space<vmem>>, vector<1x16xf32>,
      %get3A_520 = vector.shape_cast %get3A_519 : vector<1x16xf32> to vector<16xf32>
      %add3A_521 = arith.addf %scan3A_402, %get3A_520 : vector<16xf32>
      %get3A_522 = arith.index_cast %scan3A_380 : i32 to index
      %get3A_523 = arith.constant 352 : index
      %get3A_524 = tpu.vector_load %arg5[%get3A_522, %get3A_523] {strides = array<i32>} : memref<64x512xf32, #tpu.memory_space<vmem>>, vector<1x16xf32>,
      %get3A_525 = vector.shape_cast %get3A_524 : vector<1x16xf32> to vector<16xf32>
      %add3A_526 = arith.addf %scan3A_403, %get3A_525 : vector<16xf32>
      %get3A_527 = arith.index_cast %scan3A_380 : i32 to index
      %get3A_528 = arith.constant 368 : index
      %get3A_529 = tpu.vector_load %arg5[%get3A_527, %get3A_528] {strides = array<i32>} : memref<64x512xf32, #tpu.memory_space<vmem>>, vector<1x16xf32>,
      %get3A_530 = vector.shape_cast %get3A_529 : vector<1x16xf32> to vector<16xf32>
      %add3A_531 = arith.addf %scan3A_404, %get3A_530 : vector<16xf32>
      %get3A_532 = arith.index_cast %scan3A_380 : i32 to index
      %get3A_533 = arith.constant 384 : index
      %get3A_534 = tpu.vector_load %arg5[%get3A_532, %get3A_533] {strides = array<i32>} : memref<64x512xf32, #tpu.memory_space<vmem>>, vector<1x16xf32>,
      %get3A_535 = vector.shape_cast %get3A_534 : vector<1x16xf32> to vector<16xf32>
      %add3A_536 = arith.addf %scan3A_405, %get3A_535 : vector<16xf32>
      %get3A_537 = arith.index_cast %scan3A_380 : i32 to index
      %get3A_538 = arith.constant 400 : index
      %get3A_539 = tpu.vector_load %arg5[%get3A_537, %get3A_538] {strides = array<i32>} : memref<64x512xf32, #tpu.memory_space<vmem>>, vector<1x16xf32>,
      %get3A_540 = vector.shape_cast %get3A_539 : vector<1x16xf32> to vector<16xf32>
      %add3A_541 = arith.addf %scan3A_406, %get3A_540 : vector<16xf32>
      %get3A_542 = arith.index_cast %scan3A_380 : i32 to index
      %get3A_543 = arith.constant 416 : index
      %get3A_544 = tpu.vector_load %arg5[%get3A_542, %get3A_543] {strides = array<i32>} : memref<64x512xf32, #tpu.memory_space<vmem>>, vector<1x16xf32>,
      %get3A_545 = vector.shape_cast %get3A_544 : vector<1x16xf32> to vector<16xf32>
      %add3A_546 = arith.addf %scan3A_407, %get3A_545 : vector<16xf32>
      %get3A_547 = arith.index_cast %scan3A_380 : i32 to index
      %get3A_548 = arith.constant 432 : index
      %get3A_549 = tpu.vector_load %arg5[%get3A_547, %get3A_548] {strides = array<i32>} : memref<64x512xf32, #tpu.memory_space<vmem>>, vector<1x16xf32>,
      %get3A_550 = vector.shape_cast %get3A_549 : vector<1x16xf32> to vector<16xf32>
      %add3A_551 = arith.addf %scan3A_408, %get3A_550 : vector<16xf32>
      %get3A_552 = arith.index_cast %scan3A_380 : i32 to index
      %get3A_553 = arith.constant 448 : index
      %get3A_554 = tpu.vector_load %arg5[%get3A_552, %get3A_553] {strides = array<i32>} : memref<64x512xf32, #tpu.memory_space<vmem>>, vector<1x16xf32>,
      %get3A_555 = vector.shape_cast %get3A_554 : vector<1x16xf32> to vector<16xf32>
      %add3A_556 = arith.addf %scan3A_409, %get3A_555 : vector<16xf32>
      %get3A_557 = arith.index_cast %scan3A_380 : i32 to index
      %get3A_558 = arith.constant 464 : index
      %get3A_559 = tpu.vector_load %arg5[%get3A_557, %get3A_558] {strides = array<i32>} : memref<64x512xf32, #tpu.memory_space<vmem>>, vector<1x16xf32>,
      %get3A_560 = vector.shape_cast %get3A_559 : vector<1x16xf32> to vector<16xf32>
      %add3A_561 = arith.addf %scan3A_410, %get3A_560 : vector<16xf32>
      %get3A_562 = arith.index_cast %scan3A_380 : i32 to index
      %get3A_563 = arith.constant 480 : index
      %get3A_564 = tpu.vector_load %arg5[%get3A_562, %get3A_563] {strides = array<i32>} : memref<64x512xf32, #tpu.memory_space<vmem>>, vector<1x16xf32>,
      %get3A_565 = vector.shape_cast %get3A_564 : vector<1x16xf32> to vector<16xf32>
      %add3A_566 = arith.addf %scan3A_411, %get3A_565 : vector<16xf32>
      %get3A_567 = arith.index_cast %scan3A_380 : i32 to index
      %get3A_568 = arith.constant 496 : index
      %get3A_569 = tpu.vector_load %arg5[%get3A_567, %get3A_568] {strides = array<i32>} : memref<64x512xf32, #tpu.memory_space<vmem>>, vector<1x16xf32>,
      %get3A_570 = vector.shape_cast %get3A_569 : vector<1x16xf32> to vector<16xf32>
      %add3A_571 = arith.addf %scan3A_412, %get3A_570 : vector<16xf32>
      scf.yield %add3A_416, %add3A_421, %add3A_426, %add3A_431, %add3A_436, %add3A_441, %add3A_446, %add3A_451, %add3A_456, %add3A_461, %add3A_466, %add3A_471, %add3A_476, %add3A_481, %add3A_486, %add3A_491, %add3A_496, %add3A_501, %add3A_506, %add3A_511, %add3A_516, %add3A_521, %add3A_526, %add3A_531, %add3A_536, %add3A_541, %add3A_546, %add3A_551, %add3A_556, %add3A_561, %add3A_566, %add3A_571 : vector<16xf32>, vector<16xf32>, vector<16xf32>, vector<16xf32>, vector<16xf32>, vector<16xf32>, vector<16xf32>, vector<16xf32>, vector<16xf32>, vector<16xf32>, vector<16xf32>, vector<16xf32>, vector<16xf32>, vector<16xf32>, vector<16xf32>, vector<16xf32>, vector<16xf32>, vector<16xf32>, vector<16xf32>, vector<16xf32>, vector<16xf32>, vector<16xf32>, vector<16xf32>, vector<16xf32>, vector<16xf32>, vector<16xf32>, vector<16xf32>, vector<16xf32>, vector<16xf32>, vector<16xf32>, vector<16xf32>, vector<16xf32>
    }
    %scan3A_162 = arith.constant 64 : i32
    %add3A_163 = arith.constant 448 : i32
    %add3A_164 = arith.addi %mul3A_2, %add3A_163 : i32
    %dma_start3A_165 = arith.constant 0 : i32
    %dma_start3A_166 = tpu.memref_slice %arg2[%add3A_164, %dma_start3A_165] : memref<16384x512xf32, #tpu.memory_space<hbm>> -> memref<64x512xf32, #tpu.memory_space<hbm>>
    %dma_start3A_167 = arith.constant 0 : i32
    %dma_start3A_168 = tpu.memref_slice %arg2[%add3A_164, %dma_start3A_167] : memref<16384x512xf32, #tpu.memory_space<hbm>> -> memref<64x512xf32, #tpu.memory_space<hbm>>
    tpu.enqueue_dma source(%dma_start3A_168 : memref<64x512xf32, #tpu.memory_space<hbm>>) target(%arg5 : memref<64x512xf32, #tpu.memory_space<vmem>>) target_semaphore(%arg7 : memref<!tpu.dma_semaphore, #tpu.memory_space<semaphore_mem>>)
    %dma_wait3A_169 = arith.constant 0 : i32
    %dma_wait3A_170 = tpu.memref_slice %arg2[%add3A_148, %dma_wait3A_169] : memref<16384x512xf32, #tpu.memory_space<hbm>> -> memref<64x512xf32, #tpu.memory_space<hbm>>
    %dma_wait3A_171 = arith.constant 0 : i32
    %dma_wait3A_172 = tpu.memref_slice %arg2[%add3A_148, %dma_wait3A_171] : memref<16384x512xf32, #tpu.memory_space<hbm>> -> memref<64x512xf32, #tpu.memory_space<hbm>>
    tpu.wait_dma2 semaphore(%arg6 : memref<!tpu.dma_semaphore, #tpu.memory_space<semaphore_mem>>) src(%dma_wait3A_172 : memref<64x512xf32, #tpu.memory_space<hbm>>) dst(%arg4 : memref<64x512xf32, #tpu.memory_space<vmem>>)
    %scan3A_173 = arith.constant 0 : i32
    %scan3A_174 = arith.constant 64 : i32
    %scan3A_175 = arith.addi %scan3A_173, %scan3A_174 : i32
    %scan3A_176 = arith.constant 1 : i32
    %scan3A_177:32 = scf.for %scan3A_380 = %scan3A_173 to %scan3A_175 step %scan3A_176 iter_args(%scan3A_381 = %scan3A_161#0, %scan3A_382 = %scan3A_161#1, %scan3A_383 = %scan3A_161#2, %scan3A_384 = %scan3A_161#3, %scan3A_385 = %scan3A_161#4, %scan3A_386 = %scan3A_161#5, %scan3A_387 = %scan3A_161#6, %scan3A_388 = %scan3A_161#7, %scan3A_389 = %scan3A_161#8, %scan3A_390 = %scan3A_161#9, %scan3A_391 = %scan3A_161#10, %scan3A_392 = %scan3A_161#11, %scan3A_393 = %scan3A_161#12, %scan3A_394 = %scan3A_161#13, %scan3A_395 = %scan3A_161#14, %scan3A_396 = %scan3A_161#15, %scan3A_397 = %scan3A_161#16, %scan3A_398 = %scan3A_161#17, %scan3A_399 = %scan3A_161#18, %scan3A_400 = %scan3A_161#19, %scan3A_401 = %scan3A_161#20, %scan3A_402 = %scan3A_161#21, %scan3A_403 = %scan3A_161#22, %scan3A_404 = %scan3A_161#23, %scan3A_405 = %scan3A_161#24, %scan3A_406 = %scan3A_161#25, %scan3A_407 = %scan3A_161#26, %scan3A_408 = %scan3A_161#27, %scan3A_409 = %scan3A_161#28, %scan3A_410 = %scan3A_161#29, %scan3A_411 = %scan3A_161#30, %scan3A_412 = %scan3A_161#31) -> (vector<16xf32>, vector<16xf32>, vector<16xf32>, vector<16xf32>, vector<16xf32>, vector<16xf32>, vector<16xf32>, vector<16xf32>, vector<16xf32>, vector<16xf32>, vector<16xf32>, vector<16xf32>, vector<16xf32>, vector<16xf32>, vector<16xf32>, vector<16xf32>, vector<16xf32>, vector<16xf32>, vector<16xf32>, vector<16xf32>, vector<16xf32>, vector<16xf32>, vector<16xf32>, vector<16xf32>, vector<16xf32>, vector<16xf32>, vector<16xf32>, vector<16xf32>, vector<16xf32>, vector<16xf32>, vector<16xf32>, vector<16xf32>)  : i32 {
      %get3A = arith.index_cast %scan3A_380 : i32 to index
      %get3A_413 = arith.constant 0 : index
      %get3A_414 = tpu.vector_load %arg4[%get3A, %get3A_413] {strides = array<i32>} : memref<64x512xf32, #tpu.memory_space<vmem>>, vector<1x16xf32>,
      %get3A_415 = vector.shape_cast %get3A_414 : vector<1x16xf32> to vector<16xf32>
      %add3A_416 = arith.addf %scan3A_381, %get3A_415 : vector<16xf32>
      %get3A_417 = arith.index_cast %scan3A_380 : i32 to index
      %get3A_418 = arith.constant 16 : index
      %get3A_419 = tpu.vector_load %arg4[%get3A_417, %get3A_418] {strides = array<i32>} : memref<64x512xf32, #tpu.memory_space<vmem>>, vector<1x16xf32>,
      %get3A_420 = vector.shape_cast %get3A_419 : vector<1x16xf32> to vector<16xf32>
      %add3A_421 = arith.addf %scan3A_382, %get3A_420 : vector<16xf32>
      %get3A_422 = arith.index_cast %scan3A_380 : i32 to index
      %get3A_423 = arith.constant 32 : index
      %get3A_424 = tpu.vector_load %arg4[%get3A_422, %get3A_423] {strides = array<i32>} : memref<64x512xf32, #tpu.memory_space<vmem>>, vector<1x16xf32>,
      %get3A_425 = vector.shape_cast %get3A_424 : vector<1x16xf32> to vector<16xf32>
      %add3A_426 = arith.addf %scan3A_383, %get3A_425 : vector<16xf32>
      %get3A_427 = arith.index_cast %scan3A_380 : i32 to index
      %get3A_428 = arith.constant 48 : index
      %get3A_429 = tpu.vector_load %arg4[%get3A_427, %get3A_428] {strides = array<i32>} : memref<64x512xf32, #tpu.memory_space<vmem>>, vector<1x16xf32>,
      %get3A_430 = vector.shape_cast %get3A_429 : vector<1x16xf32> to vector<16xf32>
      %add3A_431 = arith.addf %scan3A_384, %get3A_430 : vector<16xf32>
      %get3A_432 = arith.index_cast %scan3A_380 : i32 to index
      %get3A_433 = arith.constant 64 : index
      %get3A_434 = tpu.vector_load %arg4[%get3A_432, %get3A_433] {strides = array<i32>} : memref<64x512xf32, #tpu.memory_space<vmem>>, vector<1x16xf32>,
      %get3A_435 = vector.shape_cast %get3A_434 : vector<1x16xf32> to vector<16xf32>
      %add3A_436 = arith.addf %scan3A_385, %get3A_435 : vector<16xf32>
      %get3A_437 = arith.index_cast %scan3A_380 : i32 to index
      %get3A_438 = arith.constant 80 : index
      %get3A_439 = tpu.vector_load %arg4[%get3A_437, %get3A_438] {strides = array<i32>} : memref<64x512xf32, #tpu.memory_space<vmem>>, vector<1x16xf32>,
      %get3A_440 = vector.shape_cast %get3A_439 : vector<1x16xf32> to vector<16xf32>
      %add3A_441 = arith.addf %scan3A_386, %get3A_440 : vector<16xf32>
      %get3A_442 = arith.index_cast %scan3A_380 : i32 to index
      %get3A_443 = arith.constant 96 : index
      %get3A_444 = tpu.vector_load %arg4[%get3A_442, %get3A_443] {strides = array<i32>} : memref<64x512xf32, #tpu.memory_space<vmem>>, vector<1x16xf32>,
      %get3A_445 = vector.shape_cast %get3A_444 : vector<1x16xf32> to vector<16xf32>
      %add3A_446 = arith.addf %scan3A_387, %get3A_445 : vector<16xf32>
      %get3A_447 = arith.index_cast %scan3A_380 : i32 to index
      %get3A_448 = arith.constant 112 : index
      %get3A_449 = tpu.vector_load %arg4[%get3A_447, %get3A_448] {strides = array<i32>} : memref<64x512xf32, #tpu.memory_space<vmem>>, vector<1x16xf32>,
      %get3A_450 = vector.shape_cast %get3A_449 : vector<1x16xf32> to vector<16xf32>
      %add3A_451 = arith.addf %scan3A_388, %get3A_450 : vector<16xf32>
      %get3A_452 = arith.index_cast %scan3A_380 : i32 to index
      %get3A_453 = arith.constant 128 : index
      %get3A_454 = tpu.vector_load %arg4[%get3A_452, %get3A_453] {strides = array<i32>} : memref<64x512xf32, #tpu.memory_space<vmem>>, vector<1x16xf32>,
      %get3A_455 = vector.shape_cast %get3A_454 : vector<1x16xf32> to vector<16xf32>
      %add3A_456 = arith.addf %scan3A_389, %get3A_455 : vector<16xf32>
      %get3A_457 = arith.index_cast %scan3A_380 : i32 to index
      %get3A_458 = arith.constant 144 : index
      %get3A_459 = tpu.vector_load %arg4[%get3A_457, %get3A_458] {strides = array<i32>} : memref<64x512xf32, #tpu.memory_space<vmem>>, vector<1x16xf32>,
      %get3A_460 = vector.shape_cast %get3A_459 : vector<1x16xf32> to vector<16xf32>
      %add3A_461 = arith.addf %scan3A_390, %get3A_460 : vector<16xf32>
      %get3A_462 = arith.index_cast %scan3A_380 : i32 to index
      %get3A_463 = arith.constant 160 : index
      %get3A_464 = tpu.vector_load %arg4[%get3A_462, %get3A_463] {strides = array<i32>} : memref<64x512xf32, #tpu.memory_space<vmem>>, vector<1x16xf32>,
      %get3A_465 = vector.shape_cast %get3A_464 : vector<1x16xf32> to vector<16xf32>
      %add3A_466 = arith.addf %scan3A_391, %get3A_465 : vector<16xf32>
      %get3A_467 = arith.index_cast %scan3A_380 : i32 to index
      %get3A_468 = arith.constant 176 : index
      %get3A_469 = tpu.vector_load %arg4[%get3A_467, %get3A_468] {strides = array<i32>} : memref<64x512xf32, #tpu.memory_space<vmem>>, vector<1x16xf32>,
      %get3A_470 = vector.shape_cast %get3A_469 : vector<1x16xf32> to vector<16xf32>
      %add3A_471 = arith.addf %scan3A_392, %get3A_470 : vector<16xf32>
      %get3A_472 = arith.index_cast %scan3A_380 : i32 to index
      %get3A_473 = arith.constant 192 : index
      %get3A_474 = tpu.vector_load %arg4[%get3A_472, %get3A_473] {strides = array<i32>} : memref<64x512xf32, #tpu.memory_space<vmem>>, vector<1x16xf32>,
      %get3A_475 = vector.shape_cast %get3A_474 : vector<1x16xf32> to vector<16xf32>
      %add3A_476 = arith.addf %scan3A_393, %get3A_475 : vector<16xf32>
      %get3A_477 = arith.index_cast %scan3A_380 : i32 to index
      %get3A_478 = arith.constant 208 : index
      %get3A_479 = tpu.vector_load %arg4[%get3A_477, %get3A_478] {strides = array<i32>} : memref<64x512xf32, #tpu.memory_space<vmem>>, vector<1x16xf32>,
      %get3A_480 = vector.shape_cast %get3A_479 : vector<1x16xf32> to vector<16xf32>
      %add3A_481 = arith.addf %scan3A_394, %get3A_480 : vector<16xf32>
      %get3A_482 = arith.index_cast %scan3A_380 : i32 to index
      %get3A_483 = arith.constant 224 : index
      %get3A_484 = tpu.vector_load %arg4[%get3A_482, %get3A_483] {strides = array<i32>} : memref<64x512xf32, #tpu.memory_space<vmem>>, vector<1x16xf32>,
      %get3A_485 = vector.shape_cast %get3A_484 : vector<1x16xf32> to vector<16xf32>
      %add3A_486 = arith.addf %scan3A_395, %get3A_485 : vector<16xf32>
      %get3A_487 = arith.index_cast %scan3A_380 : i32 to index
      %get3A_488 = arith.constant 240 : index
      %get3A_489 = tpu.vector_load %arg4[%get3A_487, %get3A_488] {strides = array<i32>} : memref<64x512xf32, #tpu.memory_space<vmem>>, vector<1x16xf32>,
      %get3A_490 = vector.shape_cast %get3A_489 : vector<1x16xf32> to vector<16xf32>
      %add3A_491 = arith.addf %scan3A_396, %get3A_490 : vector<16xf32>
      %get3A_492 = arith.index_cast %scan3A_380 : i32 to index
      %get3A_493 = arith.constant 256 : index
      %get3A_494 = tpu.vector_load %arg4[%get3A_492, %get3A_493] {strides = array<i32>} : memref<64x512xf32, #tpu.memory_space<vmem>>, vector<1x16xf32>,
      %get3A_495 = vector.shape_cast %get3A_494 : vector<1x16xf32> to vector<16xf32>
      %add3A_496 = arith.addf %scan3A_397, %get3A_495 : vector<16xf32>
      %get3A_497 = arith.index_cast %scan3A_380 : i32 to index
      %get3A_498 = arith.constant 272 : index
      %get3A_499 = tpu.vector_load %arg4[%get3A_497, %get3A_498] {strides = array<i32>} : memref<64x512xf32, #tpu.memory_space<vmem>>, vector<1x16xf32>,
      %get3A_500 = vector.shape_cast %get3A_499 : vector<1x16xf32> to vector<16xf32>
      %add3A_501 = arith.addf %scan3A_398, %get3A_500 : vector<16xf32>
      %get3A_502 = arith.index_cast %scan3A_380 : i32 to index
      %get3A_503 = arith.constant 288 : index
      %get3A_504 = tpu.vector_load %arg4[%get3A_502, %get3A_503] {strides = array<i32>} : memref<64x512xf32, #tpu.memory_space<vmem>>, vector<1x16xf32>,
      %get3A_505 = vector.shape_cast %get3A_504 : vector<1x16xf32> to vector<16xf32>
      %add3A_506 = arith.addf %scan3A_399, %get3A_505 : vector<16xf32>
      %get3A_507 = arith.index_cast %scan3A_380 : i32 to index
      %get3A_508 = arith.constant 304 : index
      %get3A_509 = tpu.vector_load %arg4[%get3A_507, %get3A_508] {strides = array<i32>} : memref<64x512xf32, #tpu.memory_space<vmem>>, vector<1x16xf32>,
      %get3A_510 = vector.shape_cast %get3A_509 : vector<1x16xf32> to vector<16xf32>
      %add3A_511 = arith.addf %scan3A_400, %get3A_510 : vector<16xf32>
      %get3A_512 = arith.index_cast %scan3A_380 : i32 to index
      %get3A_513 = arith.constant 320 : index
      %get3A_514 = tpu.vector_load %arg4[%get3A_512, %get3A_513] {strides = array<i32>} : memref<64x512xf32, #tpu.memory_space<vmem>>, vector<1x16xf32>,
      %get3A_515 = vector.shape_cast %get3A_514 : vector<1x16xf32> to vector<16xf32>
      %add3A_516 = arith.addf %scan3A_401, %get3A_515 : vector<16xf32>
      %get3A_517 = arith.index_cast %scan3A_380 : i32 to index
      %get3A_518 = arith.constant 336 : index
      %get3A_519 = tpu.vector_load %arg4[%get3A_517, %get3A_518] {strides = array<i32>} : memref<64x512xf32, #tpu.memory_space<vmem>>, vector<1x16xf32>,
      %get3A_520 = vector.shape_cast %get3A_519 : vector<1x16xf32> to vector<16xf32>
      %add3A_521 = arith.addf %scan3A_402, %get3A_520 : vector<16xf32>
      %get3A_522 = arith.index_cast %scan3A_380 : i32 to index
      %get3A_523 = arith.constant 352 : index
      %get3A_524 = tpu.vector_load %arg4[%get3A_522, %get3A_523] {strides = array<i32>} : memref<64x512xf32, #tpu.memory_space<vmem>>, vector<1x16xf32>,
      %get3A_525 = vector.shape_cast %get3A_524 : vector<1x16xf32> to vector<16xf32>
      %add3A_526 = arith.addf %scan3A_403, %get3A_525 : vector<16xf32>
      %get3A_527 = arith.index_cast %scan3A_380 : i32 to index
      %get3A_528 = arith.constant 368 : index
      %get3A_529 = tpu.vector_load %arg4[%get3A_527, %get3A_528] {strides = array<i32>} : memref<64x512xf32, #tpu.memory_space<vmem>>, vector<1x16xf32>,
      %get3A_530 = vector.shape_cast %get3A_529 : vector<1x16xf32> to vector<16xf32>
      %add3A_531 = arith.addf %scan3A_404, %get3A_530 : vector<16xf32>
      %get3A_532 = arith.index_cast %scan3A_380 : i32 to index
      %get3A_533 = arith.constant 384 : index
      %get3A_534 = tpu.vector_load %arg4[%get3A_532, %get3A_533] {strides = array<i32>} : memref<64x512xf32, #tpu.memory_space<vmem>>, vector<1x16xf32>,
      %get3A_535 = vector.shape_cast %get3A_534 : vector<1x16xf32> to vector<16xf32>
      %add3A_536 = arith.addf %scan3A_405, %get3A_535 : vector<16xf32>
      %get3A_537 = arith.index_cast %scan3A_380 : i32 to index
      %get3A_538 = arith.constant 400 : index
      %get3A_539 = tpu.vector_load %arg4[%get3A_537, %get3A_538] {strides = array<i32>} : memref<64x512xf32, #tpu.memory_space<vmem>>, vector<1x16xf32>,
      %get3A_540 = vector.shape_cast %get3A_539 : vector<1x16xf32> to vector<16xf32>
      %add3A_541 = arith.addf %scan3A_406, %get3A_540 : vector<16xf32>
      %get3A_542 = arith.index_cast %scan3A_380 : i32 to index
      %get3A_543 = arith.constant 416 : index
      %get3A_544 = tpu.vector_load %arg4[%get3A_542, %get3A_543] {strides = array<i32>} : memref<64x512xf32, #tpu.memory_space<vmem>>, vector<1x16xf32>,
      %get3A_545 = vector.shape_cast %get3A_544 : vector<1x16xf32> to vector<16xf32>
      %add3A_546 = arith.addf %scan3A_407, %get3A_545 : vector<16xf32>
      %get3A_547 = arith.index_cast %scan3A_380 : i32 to index
      %get3A_548 = arith.constant 432 : index
      %get3A_549 = tpu.vector_load %arg4[%get3A_547, %get3A_548] {strides = array<i32>} : memref<64x512xf32, #tpu.memory_space<vmem>>, vector<1x16xf32>,
      %get3A_550 = vector.shape_cast %get3A_549 : vector<1x16xf32> to vector<16xf32>
      %add3A_551 = arith.addf %scan3A_408, %get3A_550 : vector<16xf32>
      %get3A_552 = arith.index_cast %scan3A_380 : i32 to index
      %get3A_553 = arith.constant 448 : index
      %get3A_554 = tpu.vector_load %arg4[%get3A_552, %get3A_553] {strides = array<i32>} : memref<64x512xf32, #tpu.memory_space<vmem>>, vector<1x16xf32>,
      %get3A_555 = vector.shape_cast %get3A_554 : vector<1x16xf32> to vector<16xf32>
      %add3A_556 = arith.addf %scan3A_409, %get3A_555 : vector<16xf32>
      %get3A_557 = arith.index_cast %scan3A_380 : i32 to index
      %get3A_558 = arith.constant 464 : index
      %get3A_559 = tpu.vector_load %arg4[%get3A_557, %get3A_558] {strides = array<i32>} : memref<64x512xf32, #tpu.memory_space<vmem>>, vector<1x16xf32>,
      %get3A_560 = vector.shape_cast %get3A_559 : vector<1x16xf32> to vector<16xf32>
      %add3A_561 = arith.addf %scan3A_410, %get3A_560 : vector<16xf32>
      %get3A_562 = arith.index_cast %scan3A_380 : i32 to index
      %get3A_563 = arith.constant 480 : index
      %get3A_564 = tpu.vector_load %arg4[%get3A_562, %get3A_563] {strides = array<i32>} : memref<64x512xf32, #tpu.memory_space<vmem>>, vector<1x16xf32>,
      %get3A_565 = vector.shape_cast %get3A_564 : vector<1x16xf32> to vector<16xf32>
      %add3A_566 = arith.addf %scan3A_411, %get3A_565 : vector<16xf32>
      %get3A_567 = arith.index_cast %scan3A_380 : i32 to index
      %get3A_568 = arith.constant 496 : index
      %get3A_569 = tpu.vector_load %arg4[%get3A_567, %get3A_568] {strides = array<i32>} : memref<64x512xf32, #tpu.memory_space<vmem>>, vector<1x16xf32>,
      %get3A_570 = vector.shape_cast %get3A_569 : vector<1x16xf32> to vector<16xf32>
      %add3A_571 = arith.addf %scan3A_412, %get3A_570 : vector<16xf32>
      scf.yield %add3A_416, %add3A_421, %add3A_426, %add3A_431, %add3A_436, %add3A_441, %add3A_446, %add3A_451, %add3A_456, %add3A_461, %add3A_466, %add3A_471, %add3A_476, %add3A_481, %add3A_486, %add3A_491, %add3A_496, %add3A_501, %add3A_506, %add3A_511, %add3A_516, %add3A_521, %add3A_526, %add3A_531, %add3A_536, %add3A_541, %add3A_546, %add3A_551, %add3A_556, %add3A_561, %add3A_566, %add3A_571 : vector<16xf32>, vector<16xf32>, vector<16xf32>, vector<16xf32>, vector<16xf32>, vector<16xf32>, vector<16xf32>, vector<16xf32>, vector<16xf32>, vector<16xf32>, vector<16xf32>, vector<16xf32>, vector<16xf32>, vector<16xf32>, vector<16xf32>, vector<16xf32>, vector<16xf32>, vector<16xf32>, vector<16xf32>, vector<16xf32>, vector<16xf32>, vector<16xf32>, vector<16xf32>, vector<16xf32>, vector<16xf32>, vector<16xf32>, vector<16xf32>, vector<16xf32>, vector<16xf32>, vector<16xf32>, vector<16xf32>, vector<16xf32>
    }
    %scan3A_178 = arith.constant 64 : i32
    %dma_wait3A_179 = arith.constant 0 : i32
    %dma_wait3A_180 = tpu.memref_slice %arg2[%add3A_164, %dma_wait3A_179] : memref<16384x512xf32, #tpu.memory_space<hbm>> -> memref<64x512xf32, #tpu.memory_space<hbm>>
    %dma_wait3A_181 = arith.constant 0 : i32
    %dma_wait3A_182 = tpu.memref_slice %arg2[%add3A_164, %dma_wait3A_181] : memref<16384x512xf32, #tpu.memory_space<hbm>> -> memref<64x512xf32, #tpu.memory_space<hbm>>
    tpu.wait_dma2 semaphore(%arg7 : memref<!tpu.dma_semaphore, #tpu.memory_space<semaphore_mem>>) src(%dma_wait3A_182 : memref<64x512xf32, #tpu.memory_space<hbm>>) dst(%arg5 : memref<64x512xf32, #tpu.memory_space<vmem>>)
    %scan3A_183 = arith.constant 0 : i32
    %scan3A_184 = arith.constant 64 : i32
    %scan3A_185 = arith.addi %scan3A_183, %scan3A_184 : i32
    %scan3A_186 = arith.constant 1 : i32
    %scan3A_187:32 = scf.for %scan3A_380 = %scan3A_183 to %scan3A_185 step %scan3A_186 iter_args(%scan3A_381 = %scan3A_177#0, %scan3A_382 = %scan3A_177#1, %scan3A_383 = %scan3A_177#2, %scan3A_384 = %scan3A_177#3, %scan3A_385 = %scan3A_177#4, %scan3A_386 = %scan3A_177#5, %scan3A_387 = %scan3A_177#6, %scan3A_388 = %scan3A_177#7, %scan3A_389 = %scan3A_177#8, %scan3A_390 = %scan3A_177#9, %scan3A_391 = %scan3A_177#10, %scan3A_392 = %scan3A_177#11, %scan3A_393 = %scan3A_177#12, %scan3A_394 = %scan3A_177#13, %scan3A_395 = %scan3A_177#14, %scan3A_396 = %scan3A_177#15, %scan3A_397 = %scan3A_177#16, %scan3A_398 = %scan3A_177#17, %scan3A_399 = %scan3A_177#18, %scan3A_400 = %scan3A_177#19, %scan3A_401 = %scan3A_177#20, %scan3A_402 = %scan3A_177#21, %scan3A_403 = %scan3A_177#22, %scan3A_404 = %scan3A_177#23, %scan3A_405 = %scan3A_177#24, %scan3A_406 = %scan3A_177#25, %scan3A_407 = %scan3A_177#26, %scan3A_408 = %scan3A_177#27, %scan3A_409 = %scan3A_177#28, %scan3A_410 = %scan3A_177#29, %scan3A_411 = %scan3A_177#30, %scan3A_412 = %scan3A_177#31) -> (vector<16xf32>, vector<16xf32>, vector<16xf32>, vector<16xf32>, vector<16xf32>, vector<16xf32>, vector<16xf32>, vector<16xf32>, vector<16xf32>, vector<16xf32>, vector<16xf32>, vector<16xf32>, vector<16xf32>, vector<16xf32>, vector<16xf32>, vector<16xf32>, vector<16xf32>, vector<16xf32>, vector<16xf32>, vector<16xf32>, vector<16xf32>, vector<16xf32>, vector<16xf32>, vector<16xf32>, vector<16xf32>, vector<16xf32>, vector<16xf32>, vector<16xf32>, vector<16xf32>, vector<16xf32>, vector<16xf32>, vector<16xf32>)  : i32 {
      %get3A = arith.index_cast %scan3A_380 : i32 to index
      %get3A_413 = arith.constant 0 : index
      %get3A_414 = tpu.vector_load %arg5[%get3A, %get3A_413] {strides = array<i32>} : memref<64x512xf32, #tpu.memory_space<vmem>>, vector<1x16xf32>,
      %get3A_415 = vector.shape_cast %get3A_414 : vector<1x16xf32> to vector<16xf32>
      %add3A_416 = arith.addf %scan3A_381, %get3A_415 : vector<16xf32>
      %get3A_417 = arith.index_cast %scan3A_380 : i32 to index
      %get3A_418 = arith.constant 16 : index
      %get3A_419 = tpu.vector_load %arg5[%get3A_417, %get3A_418] {strides = array<i32>} : memref<64x512xf32, #tpu.memory_space<vmem>>, vector<1x16xf32>,
      %get3A_420 = vector.shape_cast %get3A_419 : vector<1x16xf32> to vector<16xf32>
      %add3A_421 = arith.addf %scan3A_382, %get3A_420 : vector<16xf32>
      %get3A_422 = arith.index_cast %scan3A_380 : i32 to index
      %get3A_423 = arith.constant 32 : index
      %get3A_424 = tpu.vector_load %arg5[%get3A_422, %get3A_423] {strides = array<i32>} : memref<64x512xf32, #tpu.memory_space<vmem>>, vector<1x16xf32>,
      %get3A_425 = vector.shape_cast %get3A_424 : vector<1x16xf32> to vector<16xf32>
      %add3A_426 = arith.addf %scan3A_383, %get3A_425 : vector<16xf32>
      %get3A_427 = arith.index_cast %scan3A_380 : i32 to index
      %get3A_428 = arith.constant 48 : index
      %get3A_429 = tpu.vector_load %arg5[%get3A_427, %get3A_428] {strides = array<i32>} : memref<64x512xf32, #tpu.memory_space<vmem>>, vector<1x16xf32>,
      %get3A_430 = vector.shape_cast %get3A_429 : vector<1x16xf32> to vector<16xf32>
      %add3A_431 = arith.addf %scan3A_384, %get3A_430 : vector<16xf32>
      %get3A_432 = arith.index_cast %scan3A_380 : i32 to index
      %get3A_433 = arith.constant 64 : index
      %get3A_434 = tpu.vector_load %arg5[%get3A_432, %get3A_433] {strides = array<i32>} : memref<64x512xf32, #tpu.memory_space<vmem>>, vector<1x16xf32>,
      %get3A_435 = vector.shape_cast %get3A_434 : vector<1x16xf32> to vector<16xf32>
      %add3A_436 = arith.addf %scan3A_385, %get3A_435 : vector<16xf32>
      %get3A_437 = arith.index_cast %scan3A_380 : i32 to index
      %get3A_438 = arith.constant 80 : index
      %get3A_439 = tpu.vector_load %arg5[%get3A_437, %get3A_438] {strides = array<i32>} : memref<64x512xf32, #tpu.memory_space<vmem>>, vector<1x16xf32>,
      %get3A_440 = vector.shape_cast %get3A_439 : vector<1x16xf32> to vector<16xf32>
      %add3A_441 = arith.addf %scan3A_386, %get3A_440 : vector<16xf32>
      %get3A_442 = arith.index_cast %scan3A_380 : i32 to index
      %get3A_443 = arith.constant 96 : index
      %get3A_444 = tpu.vector_load %arg5[%get3A_442, %get3A_443] {strides = array<i32>} : memref<64x512xf32, #tpu.memory_space<vmem>>, vector<1x16xf32>,
      %get3A_445 = vector.shape_cast %get3A_444 : vector<1x16xf32> to vector<16xf32>
      %add3A_446 = arith.addf %scan3A_387, %get3A_445 : vector<16xf32>
      %get3A_447 = arith.index_cast %scan3A_380 : i32 to index
      %get3A_448 = arith.constant 112 : index
      %get3A_449 = tpu.vector_load %arg5[%get3A_447, %get3A_448] {strides = array<i32>} : memref<64x512xf32, #tpu.memory_space<vmem>>, vector<1x16xf32>,
      %get3A_450 = vector.shape_cast %get3A_449 : vector<1x16xf32> to vector<16xf32>
      %add3A_451 = arith.addf %scan3A_388, %get3A_450 : vector<16xf32>
      %get3A_452 = arith.index_cast %scan3A_380 : i32 to index
      %get3A_453 = arith.constant 128 : index
      %get3A_454 = tpu.vector_load %arg5[%get3A_452, %get3A_453] {strides = array<i32>} : memref<64x512xf32, #tpu.memory_space<vmem>>, vector<1x16xf32>,
      %get3A_455 = vector.shape_cast %get3A_454 : vector<1x16xf32> to vector<16xf32>
      %add3A_456 = arith.addf %scan3A_389, %get3A_455 : vector<16xf32>
      %get3A_457 = arith.index_cast %scan3A_380 : i32 to index
      %get3A_458 = arith.constant 144 : index
      %get3A_459 = tpu.vector_load %arg5[%get3A_457, %get3A_458] {strides = array<i32>} : memref<64x512xf32, #tpu.memory_space<vmem>>, vector<1x16xf32>,
      %get3A_460 = vector.shape_cast %get3A_459 : vector<1x16xf32> to vector<16xf32>
      %add3A_461 = arith.addf %scan3A_390, %get3A_460 : vector<16xf32>
      %get3A_462 = arith.index_cast %scan3A_380 : i32 to index
      %get3A_463 = arith.constant 160 : index
      %get3A_464 = tpu.vector_load %arg5[%get3A_462, %get3A_463] {strides = array<i32>} : memref<64x512xf32, #tpu.memory_space<vmem>>, vector<1x16xf32>,
      %get3A_465 = vector.shape_cast %get3A_464 : vector<1x16xf32> to vector<16xf32>
      %add3A_466 = arith.addf %scan3A_391, %get3A_465 : vector<16xf32>
      %get3A_467 = arith.index_cast %scan3A_380 : i32 to index
      %get3A_468 = arith.constant 176 : index
      %get3A_469 = tpu.vector_load %arg5[%get3A_467, %get3A_468] {strides = array<i32>} : memref<64x512xf32, #tpu.memory_space<vmem>>, vector<1x16xf32>,
      %get3A_470 = vector.shape_cast %get3A_469 : vector<1x16xf32> to vector<16xf32>
      %add3A_471 = arith.addf %scan3A_392, %get3A_470 : vector<16xf32>
      %get3A_472 = arith.index_cast %scan3A_380 : i32 to index
      %get3A_473 = arith.constant 192 : index
      %get3A_474 = tpu.vector_load %arg5[%get3A_472, %get3A_473] {strides = array<i32>} : memref<64x512xf32, #tpu.memory_space<vmem>>, vector<1x16xf32>,
      %get3A_475 = vector.shape_cast %get3A_474 : vector<1x16xf32> to vector<16xf32>
      %add3A_476 = arith.addf %scan3A_393, %get3A_475 : vector<16xf32>
      %get3A_477 = arith.index_cast %scan3A_380 : i32 to index
      %get3A_478 = arith.constant 208 : index
      %get3A_479 = tpu.vector_load %arg5[%get3A_477, %get3A_478] {strides = array<i32>} : memref<64x512xf32, #tpu.memory_space<vmem>>, vector<1x16xf32>,
      %get3A_480 = vector.shape_cast %get3A_479 : vector<1x16xf32> to vector<16xf32>
      %add3A_481 = arith.addf %scan3A_394, %get3A_480 : vector<16xf32>
      %get3A_482 = arith.index_cast %scan3A_380 : i32 to index
      %get3A_483 = arith.constant 224 : index
      %get3A_484 = tpu.vector_load %arg5[%get3A_482, %get3A_483] {strides = array<i32>} : memref<64x512xf32, #tpu.memory_space<vmem>>, vector<1x16xf32>,
      %get3A_485 = vector.shape_cast %get3A_484 : vector<1x16xf32> to vector<16xf32>
      %add3A_486 = arith.addf %scan3A_395, %get3A_485 : vector<16xf32>
      %get3A_487 = arith.index_cast %scan3A_380 : i32 to index
      %get3A_488 = arith.constant 240 : index
      %get3A_489 = tpu.vector_load %arg5[%get3A_487, %get3A_488] {strides = array<i32>} : memref<64x512xf32, #tpu.memory_space<vmem>>, vector<1x16xf32>,
      %get3A_490 = vector.shape_cast %get3A_489 : vector<1x16xf32> to vector<16xf32>
      %add3A_491 = arith.addf %scan3A_396, %get3A_490 : vector<16xf32>
      %get3A_492 = arith.index_cast %scan3A_380 : i32 to index
      %get3A_493 = arith.constant 256 : index
      %get3A_494 = tpu.vector_load %arg5[%get3A_492, %get3A_493] {strides = array<i32>} : memref<64x512xf32, #tpu.memory_space<vmem>>, vector<1x16xf32>,
      %get3A_495 = vector.shape_cast %get3A_494 : vector<1x16xf32> to vector<16xf32>
      %add3A_496 = arith.addf %scan3A_397, %get3A_495 : vector<16xf32>
      %get3A_497 = arith.index_cast %scan3A_380 : i32 to index
      %get3A_498 = arith.constant 272 : index
      %get3A_499 = tpu.vector_load %arg5[%get3A_497, %get3A_498] {strides = array<i32>} : memref<64x512xf32, #tpu.memory_space<vmem>>, vector<1x16xf32>,
      %get3A_500 = vector.shape_cast %get3A_499 : vector<1x16xf32> to vector<16xf32>
      %add3A_501 = arith.addf %scan3A_398, %get3A_500 : vector<16xf32>
      %get3A_502 = arith.index_cast %scan3A_380 : i32 to index
      %get3A_503 = arith.constant 288 : index
      %get3A_504 = tpu.vector_load %arg5[%get3A_502, %get3A_503] {strides = array<i32>} : memref<64x512xf32, #tpu.memory_space<vmem>>, vector<1x16xf32>,
      %get3A_505 = vector.shape_cast %get3A_504 : vector<1x16xf32> to vector<16xf32>
      %add3A_506 = arith.addf %scan3A_399, %get3A_505 : vector<16xf32>
      %get3A_507 = arith.index_cast %scan3A_380 : i32 to index
      %get3A_508 = arith.constant 304 : index
      %get3A_509 = tpu.vector_load %arg5[%get3A_507, %get3A_508] {strides = array<i32>} : memref<64x512xf32, #tpu.memory_space<vmem>>, vector<1x16xf32>,
      %get3A_510 = vector.shape_cast %get3A_509 : vector<1x16xf32> to vector<16xf32>
      %add3A_511 = arith.addf %scan3A_400, %get3A_510 : vector<16xf32>
      %get3A_512 = arith.index_cast %scan3A_380 : i32 to index
      %get3A_513 = arith.constant 320 : index
      %get3A_514 = tpu.vector_load %arg5[%get3A_512, %get3A_513] {strides = array<i32>} : memref<64x512xf32, #tpu.memory_space<vmem>>, vector<1x16xf32>,
      %get3A_515 = vector.shape_cast %get3A_514 : vector<1x16xf32> to vector<16xf32>
      %add3A_516 = arith.addf %scan3A_401, %get3A_515 : vector<16xf32>
      %get3A_517 = arith.index_cast %scan3A_380 : i32 to index
      %get3A_518 = arith.constant 336 : index
      %get3A_519 = tpu.vector_load %arg5[%get3A_517, %get3A_518] {strides = array<i32>} : memref<64x512xf32, #tpu.memory_space<vmem>>, vector<1x16xf32>,
      %get3A_520 = vector.shape_cast %get3A_519 : vector<1x16xf32> to vector<16xf32>
      %add3A_521 = arith.addf %scan3A_402, %get3A_520 : vector<16xf32>
      %get3A_522 = arith.index_cast %scan3A_380 : i32 to index
      %get3A_523 = arith.constant 352 : index
      %get3A_524 = tpu.vector_load %arg5[%get3A_522, %get3A_523] {strides = array<i32>} : memref<64x512xf32, #tpu.memory_space<vmem>>, vector<1x16xf32>,
      %get3A_525 = vector.shape_cast %get3A_524 : vector<1x16xf32> to vector<16xf32>
      %add3A_526 = arith.addf %scan3A_403, %get3A_525 : vector<16xf32>
      %get3A_527 = arith.index_cast %scan3A_380 : i32 to index
      %get3A_528 = arith.constant 368 : index
      %get3A_529 = tpu.vector_load %arg5[%get3A_527, %get3A_528] {strides = array<i32>} : memref<64x512xf32, #tpu.memory_space<vmem>>, vector<1x16xf32>,
      %get3A_530 = vector.shape_cast %get3A_529 : vector<1x16xf32> to vector<16xf32>
      %add3A_531 = arith.addf %scan3A_404, %get3A_530 : vector<16xf32>
      %get3A_532 = arith.index_cast %scan3A_380 : i32 to index
      %get3A_533 = arith.constant 384 : index
      %get3A_534 = tpu.vector_load %arg5[%get3A_532, %get3A_533] {strides = array<i32>} : memref<64x512xf32, #tpu.memory_space<vmem>>, vector<1x16xf32>,
      %get3A_535 = vector.shape_cast %get3A_534 : vector<1x16xf32> to vector<16xf32>
      %add3A_536 = arith.addf %scan3A_405, %get3A_535 : vector<16xf32>
      %get3A_537 = arith.index_cast %scan3A_380 : i32 to index
      %get3A_538 = arith.constant 400 : index
      %get3A_539 = tpu.vector_load %arg5[%get3A_537, %get3A_538] {strides = array<i32>} : memref<64x512xf32, #tpu.memory_space<vmem>>, vector<1x16xf32>,
      %get3A_540 = vector.shape_cast %get3A_539 : vector<1x16xf32> to vector<16xf32>
      %add3A_541 = arith.addf %scan3A_406, %get3A_540 : vector<16xf32>
      %get3A_542 = arith.index_cast %scan3A_380 : i32 to index
      %get3A_543 = arith.constant 416 : index
      %get3A_544 = tpu.vector_load %arg5[%get3A_542, %get3A_543] {strides = array<i32>} : memref<64x512xf32, #tpu.memory_space<vmem>>, vector<1x16xf32>,
      %get3A_545 = vector.shape_cast %get3A_544 : vector<1x16xf32> to vector<16xf32>
      %add3A_546 = arith.addf %scan3A_407, %get3A_545 : vector<16xf32>
      %get3A_547 = arith.index_cast %scan3A_380 : i32 to index
      %get3A_548 = arith.constant 432 : index
      %get3A_549 = tpu.vector_load %arg5[%get3A_547, %get3A_548] {strides = array<i32>} : memref<64x512xf32, #tpu.memory_space<vmem>>, vector<1x16xf32>,
      %get3A_550 = vector.shape_cast %get3A_549 : vector<1x16xf32> to vector<16xf32>
      %add3A_551 = arith.addf %scan3A_408, %get3A_550 : vector<16xf32>
      %get3A_552 = arith.index_cast %scan3A_380 : i32 to index
      %get3A_553 = arith.constant 448 : index
      %get3A_554 = tpu.vector_load %arg5[%get3A_552, %get3A_553] {strides = array<i32>} : memref<64x512xf32, #tpu.memory_space<vmem>>, vector<1x16xf32>,
      %get3A_555 = vector.shape_cast %get3A_554 : vector<1x16xf32> to vector<16xf32>
      %add3A_556 = arith.addf %scan3A_409, %get3A_555 : vector<16xf32>
      %get3A_557 = arith.index_cast %scan3A_380 : i32 to index
      %get3A_558 = arith.constant 464 : index
      %get3A_559 = tpu.vector_load %arg5[%get3A_557, %get3A_558] {strides = array<i32>} : memref<64x512xf32, #tpu.memory_space<vmem>>, vector<1x16xf32>,
      %get3A_560 = vector.shape_cast %get3A_559 : vector<1x16xf32> to vector<16xf32>
      %add3A_561 = arith.addf %scan3A_410, %get3A_560 : vector<16xf32>
      %get3A_562 = arith.index_cast %scan3A_380 : i32 to index
      %get3A_563 = arith.constant 480 : index
      %get3A_564 = tpu.vector_load %arg5[%get3A_562, %get3A_563] {strides = array<i32>} : memref<64x512xf32, #tpu.memory_space<vmem>>, vector<1x16xf32>,
      %get3A_565 = vector.shape_cast %get3A_564 : vector<1x16xf32> to vector<16xf32>
      %add3A_566 = arith.addf %scan3A_411, %get3A_565 : vector<16xf32>
      %get3A_567 = arith.index_cast %scan3A_380 : i32 to index
      %get3A_568 = arith.constant 496 : index
      %get3A_569 = tpu.vector_load %arg5[%get3A_567, %get3A_568] {strides = array<i32>} : memref<64x512xf32, #tpu.memory_space<vmem>>, vector<1x16xf32>,
      %get3A_570 = vector.shape_cast %get3A_569 : vector<1x16xf32> to vector<16xf32>
      %add3A_571 = arith.addf %scan3A_412, %get3A_570 : vector<16xf32>
      scf.yield %add3A_416, %add3A_421, %add3A_426, %add3A_431, %add3A_436, %add3A_441, %add3A_446, %add3A_451, %add3A_456, %add3A_461, %add3A_466, %add3A_471, %add3A_476, %add3A_481, %add3A_486, %add3A_491, %add3A_496, %add3A_501, %add3A_506, %add3A_511, %add3A_516, %add3A_521, %add3A_526, %add3A_531, %add3A_536, %add3A_541, %add3A_546, %add3A_551, %add3A_556, %add3A_561, %add3A_566, %add3A_571 : vector<16xf32>, vector<16xf32>, vector<16xf32>, vector<16xf32>, vector<16xf32>, vector<16xf32>, vector<16xf32>, vector<16xf32>, vector<16xf32>, vector<16xf32>, vector<16xf32>, vector<16xf32>, vector<16xf32>, vector<16xf32>, vector<16xf32>, vector<16xf32>, vector<16xf32>, vector<16xf32>, vector<16xf32>, vector<16xf32>, vector<16xf32>, vector<16xf32>, vector<16xf32>, vector<16xf32>, vector<16xf32>, vector<16xf32>, vector<16xf32>, vector<16xf32>, vector<16xf32>, vector<16xf32>, vector<16xf32>, vector<16xf32>
    }
    %scan3A_188 = arith.constant 64 : i32
    %swap3A = arith.constant 0 : i32
    %swap3A_189 = arith.index_cast %swap3A : i32 to index
    %swap3A_190 = arith.constant 0 : index
    %swap3A_191 = tpu.vector_load %arg4[%swap3A_189, %swap3A_190] {strides = array<i32>} : memref<64x512xf32, #tpu.memory_space<vmem>>, vector<1x16xf32>,
    %swap3A_192 = vector.shape_cast %swap3A_191 : vector<1x16xf32> to vector<16xf32>
    %swap3A_193 = vector.shape_cast %scan3A_187#0 : vector<16xf32> to vector<1x16xf32>
    tpu.vector_store %arg4[%swap3A_189, %swap3A_190], %swap3A_193 {strides = array<i32>} : memref<64x512xf32, #tpu.memory_space<vmem>>, vector<1x16xf32>,
    %swap3A_194 = arith.constant 0 : i32
    %swap3A_195 = arith.index_cast %swap3A_194 : i32 to index
    %swap3A_196 = arith.constant 16 : index
    %swap3A_197 = tpu.vector_load %arg4[%swap3A_195, %swap3A_196] {strides = array<i32>} : memref<64x512xf32, #tpu.memory_space<vmem>>, vector<1x16xf32>,
    %swap3A_198 = vector.shape_cast %swap3A_197 : vector<1x16xf32> to vector<16xf32>
    %swap3A_199 = vector.shape_cast %scan3A_187#1 : vector<16xf32> to vector<1x16xf32>
    tpu.vector_store %arg4[%swap3A_195, %swap3A_196], %swap3A_199 {strides = array<i32>} : memref<64x512xf32, #tpu.memory_space<vmem>>, vector<1x16xf32>,
    %swap3A_200 = arith.constant 0 : i32
    %swap3A_201 = arith.index_cast %swap3A_200 : i32 to index
    %swap3A_202 = arith.constant 32 : index
    %swap3A_203 = tpu.vector_load %arg4[%swap3A_201, %swap3A_202] {strides = array<i32>} : memref<64x512xf32, #tpu.memory_space<vmem>>, vector<1x16xf32>,
    %swap3A_204 = vector.shape_cast %swap3A_203 : vector<1x16xf32> to vector<16xf32>
    %swap3A_205 = vector.shape_cast %scan3A_187#2 : vector<16xf32> to vector<1x16xf32>
    tpu.vector_store %arg4[%swap3A_201, %swap3A_202], %swap3A_205 {strides = array<i32>} : memref<64x512xf32, #tpu.memory_space<vmem>>, vector<1x16xf32>,
    %swap3A_206 = arith.constant 0 : i32
    %swap3A_207 = arith.index_cast %swap3A_206 : i32 to index
    %swap3A_208 = arith.constant 48 : index
    %swap3A_209 = tpu.vector_load %arg4[%swap3A_207, %swap3A_208] {strides = array<i32>} : memref<64x512xf32, #tpu.memory_space<vmem>>, vector<1x16xf32>,
    %swap3A_210 = vector.shape_cast %swap3A_209 : vector<1x16xf32> to vector<16xf32>
    %swap3A_211 = vector.shape_cast %scan3A_187#3 : vector<16xf32> to vector<1x16xf32>
    tpu.vector_store %arg4[%swap3A_207, %swap3A_208], %swap3A_211 {strides = array<i32>} : memref<64x512xf32, #tpu.memory_space<vmem>>, vector<1x16xf32>,
    %swap3A_212 = arith.constant 0 : i32
    %swap3A_213 = arith.index_cast %swap3A_212 : i32 to index
    %swap3A_214 = arith.constant 64 : index
    %swap3A_215 = tpu.vector_load %arg4[%swap3A_213, %swap3A_214] {strides = array<i32>} : memref<64x512xf32, #tpu.memory_space<vmem>>, vector<1x16xf32>,
    %swap3A_216 = vector.shape_cast %swap3A_215 : vector<1x16xf32> to vector<16xf32>
    %swap3A_217 = vector.shape_cast %scan3A_187#4 : vector<16xf32> to vector<1x16xf32>
    tpu.vector_store %arg4[%swap3A_213, %swap3A_214], %swap3A_217 {strides = array<i32>} : memref<64x512xf32, #tpu.memory_space<vmem>>, vector<1x16xf32>,
    %swap3A_218 = arith.constant 0 : i32
    %swap3A_219 = arith.index_cast %swap3A_218 : i32 to index
    %swap3A_220 = arith.constant 80 : index
    %swap3A_221 = tpu.vector_load %arg4[%swap3A_219, %swap3A_220] {strides = array<i32>} : memref<64x512xf32, #tpu.memory_space<vmem>>, vector<1x16xf32>,
    %swap3A_222 = vector.shape_cast %swap3A_221 : vector<1x16xf32> to vector<16xf32>
    %swap3A_223 = vector.shape_cast %scan3A_187#5 : vector<16xf32> to vector<1x16xf32>
    tpu.vector_store %arg4[%swap3A_219, %swap3A_220], %swap3A_223 {strides = array<i32>} : memref<64x512xf32, #tpu.memory_space<vmem>>, vector<1x16xf32>,
    %swap3A_224 = arith.constant 0 : i32
    %swap3A_225 = arith.index_cast %swap3A_224 : i32 to index
    %swap3A_226 = arith.constant 96 : index
    %swap3A_227 = tpu.vector_load %arg4[%swap3A_225, %swap3A_226] {strides = array<i32>} : memref<64x512xf32, #tpu.memory_space<vmem>>, vector<1x16xf32>,
    %swap3A_228 = vector.shape_cast %swap3A_227 : vector<1x16xf32> to vector<16xf32>
    %swap3A_229 = vector.shape_cast %scan3A_187#6 : vector<16xf32> to vector<1x16xf32>
    tpu.vector_store %arg4[%swap3A_225, %swap3A_226], %swap3A_229 {strides = array<i32>} : memref<64x512xf32, #tpu.memory_space<vmem>>, vector<1x16xf32>,
    %swap3A_230 = arith.constant 0 : i32
    %swap3A_231 = arith.index_cast %swap3A_230 : i32 to index
    %swap3A_232 = arith.constant 112 : index
    %swap3A_233 = tpu.vector_load %arg4[%swap3A_231, %swap3A_232] {strides = array<i32>} : memref<64x512xf32, #tpu.memory_space<vmem>>, vector<1x16xf32>,
    %swap3A_234 = vector.shape_cast %swap3A_233 : vector<1x16xf32> to vector<16xf32>
    %swap3A_235 = vector.shape_cast %scan3A_187#7 : vector<16xf32> to vector<1x16xf32>
    tpu.vector_store %arg4[%swap3A_231, %swap3A_232], %swap3A_235 {strides = array<i32>} : memref<64x512xf32, #tpu.memory_space<vmem>>, vector<1x16xf32>,
    %swap3A_236 = arith.constant 0 : i32
    %swap3A_237 = arith.index_cast %swap3A_236 : i32 to index
    %swap3A_238 = arith.constant 128 : index
    %swap3A_239 = tpu.vector_load %arg4[%swap3A_237, %swap3A_238] {strides = array<i32>} : memref<64x512xf32, #tpu.memory_space<vmem>>, vector<1x16xf32>,
    %swap3A_240 = vector.shape_cast %swap3A_239 : vector<1x16xf32> to vector<16xf32>
    %swap3A_241 = vector.shape_cast %scan3A_187#8 : vector<16xf32> to vector<1x16xf32>
    tpu.vector_store %arg4[%swap3A_237, %swap3A_238], %swap3A_241 {strides = array<i32>} : memref<64x512xf32, #tpu.memory_space<vmem>>, vector<1x16xf32>,
    %swap3A_242 = arith.constant 0 : i32
    %swap3A_243 = arith.index_cast %swap3A_242 : i32 to index
    %swap3A_244 = arith.constant 144 : index
    %swap3A_245 = tpu.vector_load %arg4[%swap3A_243, %swap3A_244] {strides = array<i32>} : memref<64x512xf32, #tpu.memory_space<vmem>>, vector<1x16xf32>,
    %swap3A_246 = vector.shape_cast %swap3A_245 : vector<1x16xf32> to vector<16xf32>
    %swap3A_247 = vector.shape_cast %scan3A_187#9 : vector<16xf32> to vector<1x16xf32>
    tpu.vector_store %arg4[%swap3A_243, %swap3A_244], %swap3A_247 {strides = array<i32>} : memref<64x512xf32, #tpu.memory_space<vmem>>, vector<1x16xf32>,
    %swap3A_248 = arith.constant 0 : i32
    %swap3A_249 = arith.index_cast %swap3A_248 : i32 to index
    %swap3A_250 = arith.constant 160 : index
    %swap3A_251 = tpu.vector_load %arg4[%swap3A_249, %swap3A_250] {strides = array<i32>} : memref<64x512xf32, #tpu.memory_space<vmem>>, vector<1x16xf32>,
    %swap3A_252 = vector.shape_cast %swap3A_251 : vector<1x16xf32> to vector<16xf32>
    %swap3A_253 = vector.shape_cast %scan3A_187#10 : vector<16xf32> to vector<1x16xf32>
    tpu.vector_store %arg4[%swap3A_249, %swap3A_250], %swap3A_253 {strides = array<i32>} : memref<64x512xf32, #tpu.memory_space<vmem>>, vector<1x16xf32>,
    %swap3A_254 = arith.constant 0 : i32
    %swap3A_255 = arith.index_cast %swap3A_254 : i32 to index
    %swap3A_256 = arith.constant 176 : index
    %swap3A_257 = tpu.vector_load %arg4[%swap3A_255, %swap3A_256] {strides = array<i32>} : memref<64x512xf32, #tpu.memory_space<vmem>>, vector<1x16xf32>,
    %swap3A_258 = vector.shape_cast %swap3A_257 : vector<1x16xf32> to vector<16xf32>
    %swap3A_259 = vector.shape_cast %scan3A_187#11 : vector<16xf32> to vector<1x16xf32>
    tpu.vector_store %arg4[%swap3A_255, %swap3A_256], %swap3A_259 {strides = array<i32>} : memref<64x512xf32, #tpu.memory_space<vmem>>, vector<1x16xf32>,
    %swap3A_260 = arith.constant 0 : i32
    %swap3A_261 = arith.index_cast %swap3A_260 : i32 to index
    %swap3A_262 = arith.constant 192 : index
    %swap3A_263 = tpu.vector_load %arg4[%swap3A_261, %swap3A_262] {strides = array<i32>} : memref<64x512xf32, #tpu.memory_space<vmem>>, vector<1x16xf32>,
    %swap3A_264 = vector.shape_cast %swap3A_263 : vector<1x16xf32> to vector<16xf32>
    %swap3A_265 = vector.shape_cast %scan3A_187#12 : vector<16xf32> to vector<1x16xf32>
    tpu.vector_store %arg4[%swap3A_261, %swap3A_262], %swap3A_265 {strides = array<i32>} : memref<64x512xf32, #tpu.memory_space<vmem>>, vector<1x16xf32>,
    %swap3A_266 = arith.constant 0 : i32
    %swap3A_267 = arith.index_cast %swap3A_266 : i32 to index
    %swap3A_268 = arith.constant 208 : index
    %swap3A_269 = tpu.vector_load %arg4[%swap3A_267, %swap3A_268] {strides = array<i32>} : memref<64x512xf32, #tpu.memory_space<vmem>>, vector<1x16xf32>,
    %swap3A_270 = vector.shape_cast %swap3A_269 : vector<1x16xf32> to vector<16xf32>
    %swap3A_271 = vector.shape_cast %scan3A_187#13 : vector<16xf32> to vector<1x16xf32>
    tpu.vector_store %arg4[%swap3A_267, %swap3A_268], %swap3A_271 {strides = array<i32>} : memref<64x512xf32, #tpu.memory_space<vmem>>, vector<1x16xf32>,
    %swap3A_272 = arith.constant 0 : i32
    %swap3A_273 = arith.index_cast %swap3A_272 : i32 to index
    %swap3A_274 = arith.constant 224 : index
    %swap3A_275 = tpu.vector_load %arg4[%swap3A_273, %swap3A_274] {strides = array<i32>} : memref<64x512xf32, #tpu.memory_space<vmem>>, vector<1x16xf32>,
    %swap3A_276 = vector.shape_cast %swap3A_275 : vector<1x16xf32> to vector<16xf32>
    %swap3A_277 = vector.shape_cast %scan3A_187#14 : vector<16xf32> to vector<1x16xf32>
    tpu.vector_store %arg4[%swap3A_273, %swap3A_274], %swap3A_277 {strides = array<i32>} : memref<64x512xf32, #tpu.memory_space<vmem>>, vector<1x16xf32>,
    %swap3A_278 = arith.constant 0 : i32
    %swap3A_279 = arith.index_cast %swap3A_278 : i32 to index
    %swap3A_280 = arith.constant 240 : index
    %swap3A_281 = tpu.vector_load %arg4[%swap3A_279, %swap3A_280] {strides = array<i32>} : memref<64x512xf32, #tpu.memory_space<vmem>>, vector<1x16xf32>,
    %swap3A_282 = vector.shape_cast %swap3A_281 : vector<1x16xf32> to vector<16xf32>
    %swap3A_283 = vector.shape_cast %scan3A_187#15 : vector<16xf32> to vector<1x16xf32>
    tpu.vector_store %arg4[%swap3A_279, %swap3A_280], %swap3A_283 {strides = array<i32>} : memref<64x512xf32, #tpu.memory_space<vmem>>, vector<1x16xf32>,
    %swap3A_284 = arith.constant 0 : i32
    %swap3A_285 = arith.index_cast %swap3A_284 : i32 to index
    %swap3A_286 = arith.constant 256 : index
    %swap3A_287 = tpu.vector_load %arg4[%swap3A_285, %swap3A_286] {strides = array<i32>} : memref<64x512xf32, #tpu.memory_space<vmem>>, vector<1x16xf32>,
    %swap3A_288 = vector.shape_cast %swap3A_287 : vector<1x16xf32> to vector<16xf32>
    %swap3A_289 = vector.shape_cast %scan3A_187#16 : vector<16xf32> to vector<1x16xf32>
    tpu.vector_store %arg4[%swap3A_285, %swap3A_286], %swap3A_289 {strides = array<i32>} : memref<64x512xf32, #tpu.memory_space<vmem>>, vector<1x16xf32>,
    %swap3A_290 = arith.constant 0 : i32
    %swap3A_291 = arith.index_cast %swap3A_290 : i32 to index
    %swap3A_292 = arith.constant 272 : index
    %swap3A_293 = tpu.vector_load %arg4[%swap3A_291, %swap3A_292] {strides = array<i32>} : memref<64x512xf32, #tpu.memory_space<vmem>>, vector<1x16xf32>,
    %swap3A_294 = vector.shape_cast %swap3A_293 : vector<1x16xf32> to vector<16xf32>
    %swap3A_295 = vector.shape_cast %scan3A_187#17 : vector<16xf32> to vector<1x16xf32>
    tpu.vector_store %arg4[%swap3A_291, %swap3A_292], %swap3A_295 {strides = array<i32>} : memref<64x512xf32, #tpu.memory_space<vmem>>, vector<1x16xf32>,
    %swap3A_296 = arith.constant 0 : i32
    %swap3A_297 = arith.index_cast %swap3A_296 : i32 to index
    %swap3A_298 = arith.constant 288 : index
    %swap3A_299 = tpu.vector_load %arg4[%swap3A_297, %swap3A_298] {strides = array<i32>} : memref<64x512xf32, #tpu.memory_space<vmem>>, vector<1x16xf32>,
    %swap3A_300 = vector.shape_cast %swap3A_299 : vector<1x16xf32> to vector<16xf32>
    %swap3A_301 = vector.shape_cast %scan3A_187#18 : vector<16xf32> to vector<1x16xf32>
    tpu.vector_store %arg4[%swap3A_297, %swap3A_298], %swap3A_301 {strides = array<i32>} : memref<64x512xf32, #tpu.memory_space<vmem>>, vector<1x16xf32>,
    %swap3A_302 = arith.constant 0 : i32
    %swap3A_303 = arith.index_cast %swap3A_302 : i32 to index
    %swap3A_304 = arith.constant 304 : index
    %swap3A_305 = tpu.vector_load %arg4[%swap3A_303, %swap3A_304] {strides = array<i32>} : memref<64x512xf32, #tpu.memory_space<vmem>>, vector<1x16xf32>,
    %swap3A_306 = vector.shape_cast %swap3A_305 : vector<1x16xf32> to vector<16xf32>
    %swap3A_307 = vector.shape_cast %scan3A_187#19 : vector<16xf32> to vector<1x16xf32>
    tpu.vector_store %arg4[%swap3A_303, %swap3A_304], %swap3A_307 {strides = array<i32>} : memref<64x512xf32, #tpu.memory_space<vmem>>, vector<1x16xf32>,
    %swap3A_308 = arith.constant 0 : i32
    %swap3A_309 = arith.index_cast %swap3A_308 : i32 to index
    %swap3A_310 = arith.constant 320 : index
    %swap3A_311 = tpu.vector_load %arg4[%swap3A_309, %swap3A_310] {strides = array<i32>} : memref<64x512xf32, #tpu.memory_space<vmem>>, vector<1x16xf32>,
    %swap3A_312 = vector.shape_cast %swap3A_311 : vector<1x16xf32> to vector<16xf32>
    %swap3A_313 = vector.shape_cast %scan3A_187#20 : vector<16xf32> to vector<1x16xf32>
    tpu.vector_store %arg4[%swap3A_309, %swap3A_310], %swap3A_313 {strides = array<i32>} : memref<64x512xf32, #tpu.memory_space<vmem>>, vector<1x16xf32>,
    %swap3A_314 = arith.constant 0 : i32
    %swap3A_315 = arith.index_cast %swap3A_314 : i32 to index
    %swap3A_316 = arith.constant 336 : index
    %swap3A_317 = tpu.vector_load %arg4[%swap3A_315, %swap3A_316] {strides = array<i32>} : memref<64x512xf32, #tpu.memory_space<vmem>>, vector<1x16xf32>,
    %swap3A_318 = vector.shape_cast %swap3A_317 : vector<1x16xf32> to vector<16xf32>
    %swap3A_319 = vector.shape_cast %scan3A_187#21 : vector<16xf32> to vector<1x16xf32>
    tpu.vector_store %arg4[%swap3A_315, %swap3A_316], %swap3A_319 {strides = array<i32>} : memref<64x512xf32, #tpu.memory_space<vmem>>, vector<1x16xf32>,
    %swap3A_320 = arith.constant 0 : i32
    %swap3A_321 = arith.index_cast %swap3A_320 : i32 to index
    %swap3A_322 = arith.constant 352 : index
    %swap3A_323 = tpu.vector_load %arg4[%swap3A_321, %swap3A_322] {strides = array<i32>} : memref<64x512xf32, #tpu.memory_space<vmem>>, vector<1x16xf32>,
    %swap3A_324 = vector.shape_cast %swap3A_323 : vector<1x16xf32> to vector<16xf32>
    %swap3A_325 = vector.shape_cast %scan3A_187#22 : vector<16xf32> to vector<1x16xf32>
    tpu.vector_store %arg4[%swap3A_321, %swap3A_322], %swap3A_325 {strides = array<i32>} : memref<64x512xf32, #tpu.memory_space<vmem>>, vector<1x16xf32>,
    %swap3A_326 = arith.constant 0 : i32
    %swap3A_327 = arith.index_cast %swap3A_326 : i32 to index
    %swap3A_328 = arith.constant 368 : index
    %swap3A_329 = tpu.vector_load %arg4[%swap3A_327, %swap3A_328] {strides = array<i32>} : memref<64x512xf32, #tpu.memory_space<vmem>>, vector<1x16xf32>,
    %swap3A_330 = vector.shape_cast %swap3A_329 : vector<1x16xf32> to vector<16xf32>
    %swap3A_331 = vector.shape_cast %scan3A_187#23 : vector<16xf32> to vector<1x16xf32>
    tpu.vector_store %arg4[%swap3A_327, %swap3A_328], %swap3A_331 {strides = array<i32>} : memref<64x512xf32, #tpu.memory_space<vmem>>, vector<1x16xf32>,
    %swap3A_332 = arith.constant 0 : i32
    %swap3A_333 = arith.index_cast %swap3A_332 : i32 to index
    %swap3A_334 = arith.constant 384 : index
    %swap3A_335 = tpu.vector_load %arg4[%swap3A_333, %swap3A_334] {strides = array<i32>} : memref<64x512xf32, #tpu.memory_space<vmem>>, vector<1x16xf32>,
    %swap3A_336 = vector.shape_cast %swap3A_335 : vector<1x16xf32> to vector<16xf32>
    %swap3A_337 = vector.shape_cast %scan3A_187#24 : vector<16xf32> to vector<1x16xf32>
    tpu.vector_store %arg4[%swap3A_333, %swap3A_334], %swap3A_337 {strides = array<i32>} : memref<64x512xf32, #tpu.memory_space<vmem>>, vector<1x16xf32>,
    %swap3A_338 = arith.constant 0 : i32
    %swap3A_339 = arith.index_cast %swap3A_338 : i32 to index
    %swap3A_340 = arith.constant 400 : index
    %swap3A_341 = tpu.vector_load %arg4[%swap3A_339, %swap3A_340] {strides = array<i32>} : memref<64x512xf32, #tpu.memory_space<vmem>>, vector<1x16xf32>,
    %swap3A_342 = vector.shape_cast %swap3A_341 : vector<1x16xf32> to vector<16xf32>
    %swap3A_343 = vector.shape_cast %scan3A_187#25 : vector<16xf32> to vector<1x16xf32>
    tpu.vector_store %arg4[%swap3A_339, %swap3A_340], %swap3A_343 {strides = array<i32>} : memref<64x512xf32, #tpu.memory_space<vmem>>, vector<1x16xf32>,
    %swap3A_344 = arith.constant 0 : i32
    %swap3A_345 = arith.index_cast %swap3A_344 : i32 to index
    %swap3A_346 = arith.constant 416 : index
    %swap3A_347 = tpu.vector_load %arg4[%swap3A_345, %swap3A_346] {strides = array<i32>} : memref<64x512xf32, #tpu.memory_space<vmem>>, vector<1x16xf32>,
    %swap3A_348 = vector.shape_cast %swap3A_347 : vector<1x16xf32> to vector<16xf32>
    %swap3A_349 = vector.shape_cast %scan3A_187#26 : vector<16xf32> to vector<1x16xf32>
    tpu.vector_store %arg4[%swap3A_345, %swap3A_346], %swap3A_349 {strides = array<i32>} : memref<64x512xf32, #tpu.memory_space<vmem>>, vector<1x16xf32>,
    %swap3A_350 = arith.constant 0 : i32
    %swap3A_351 = arith.index_cast %swap3A_350 : i32 to index
    %swap3A_352 = arith.constant 432 : index
    %swap3A_353 = tpu.vector_load %arg4[%swap3A_351, %swap3A_352] {strides = array<i32>} : memref<64x512xf32, #tpu.memory_space<vmem>>, vector<1x16xf32>,
    %swap3A_354 = vector.shape_cast %swap3A_353 : vector<1x16xf32> to vector<16xf32>
    %swap3A_355 = vector.shape_cast %scan3A_187#27 : vector<16xf32> to vector<1x16xf32>
    tpu.vector_store %arg4[%swap3A_351, %swap3A_352], %swap3A_355 {strides = array<i32>} : memref<64x512xf32, #tpu.memory_space<vmem>>, vector<1x16xf32>,
    %swap3A_356 = arith.constant 0 : i32
    %swap3A_357 = arith.index_cast %swap3A_356 : i32 to index
    %swap3A_358 = arith.constant 448 : index
    %swap3A_359 = tpu.vector_load %arg4[%swap3A_357, %swap3A_358] {strides = array<i32>} : memref<64x512xf32, #tpu.memory_space<vmem>>, vector<1x16xf32>,
    %swap3A_360 = vector.shape_cast %swap3A_359 : vector<1x16xf32> to vector<16xf32>
    %swap3A_361 = vector.shape_cast %scan3A_187#28 : vector<16xf32> to vector<1x16xf32>
    tpu.vector_store %arg4[%swap3A_357, %swap3A_358], %swap3A_361 {strides = array<i32>} : memref<64x512xf32, #tpu.memory_space<vmem>>, vector<1x16xf32>,
    %swap3A_362 = arith.constant 0 : i32
    %swap3A_363 = arith.index_cast %swap3A_362 : i32 to index
    %swap3A_364 = arith.constant 464 : index
    %swap3A_365 = tpu.vector_load %arg4[%swap3A_363, %swap3A_364] {strides = array<i32>} : memref<64x512xf32, #tpu.memory_space<vmem>>, vector<1x16xf32>,
    %swap3A_366 = vector.shape_cast %swap3A_365 : vector<1x16xf32> to vector<16xf32>
    %swap3A_367 = vector.shape_cast %scan3A_187#29 : vector<16xf32> to vector<1x16xf32>
    tpu.vector_store %arg4[%swap3A_363, %swap3A_364], %swap3A_367 {strides = array<i32>} : memref<64x512xf32, #tpu.memory_space<vmem>>, vector<1x16xf32>,
    %swap3A_368 = arith.constant 0 : i32
    %swap3A_369 = arith.index_cast %swap3A_368 : i32 to index
    %swap3A_370 = arith.constant 480 : index
    %swap3A_371 = tpu.vector_load %arg4[%swap3A_369, %swap3A_370] {strides = array<i32>} : memref<64x512xf32, #tpu.memory_space<vmem>>, vector<1x16xf32>,
    %swap3A_372 = vector.shape_cast %swap3A_371 : vector<1x16xf32> to vector<16xf32>
    %swap3A_373 = vector.shape_cast %scan3A_187#30 : vector<16xf32> to vector<1x16xf32>
    tpu.vector_store %arg4[%swap3A_369, %swap3A_370], %swap3A_373 {strides = array<i32>} : memref<64x512xf32, #tpu.memory_space<vmem>>, vector<1x16xf32>,
    %swap3A_374 = arith.constant 0 : i32
    %swap3A_375 = arith.index_cast %swap3A_374 : i32 to index
    %swap3A_376 = arith.constant 496 : index
    %swap3A_377 = tpu.vector_load %arg4[%swap3A_375, %swap3A_376] {strides = array<i32>} : memref<64x512xf32, #tpu.memory_space<vmem>>, vector<1x16xf32>,
    %swap3A_378 = vector.shape_cast %swap3A_377 : vector<1x16xf32> to vector<16xf32>
    %swap3A_379 = vector.shape_cast %scan3A_187#31 : vector<16xf32> to vector<1x16xf32>
    tpu.vector_store %arg4[%swap3A_375, %swap3A_376], %swap3A_379 {strides = array<i32>} : memref<64x512xf32, #tpu.memory_space<vmem>>, vector<1x16xf32>,
    %run_scoped3A = arith.constant 0 : i32
    "tpu.region"() ({
      %run_scoped3A_380 = tpu.sem_alloc : memref<!tpu.dma_semaphore, #tpu.memory_space<semaphore_mem>>
      %dma_start3A_381 = arith.constant 0 : i32
      %dma_start3A_382 = tpu.memref_slice %arg4[%run_scoped3A, %dma_start3A_381] : memref<64x512xf32, #tpu.memory_space<vmem>> -> memref<1x512xf32, #tpu.memory_space<vmem>>
      %dma_start3A_383 = tpu.memref_squeeze %dma_start3A_382 : memref<1x512xf32, #tpu.memory_space<vmem>> -> memref<512xf32, #tpu.memory_space<vmem>>
      %dma_start3A_384 = arith.constant 0 : i32
      %dma_start3A_385 = tpu.memref_slice %arg3[%add3A, %dma_start3A_384] : memref<32x512xf32, #tpu.memory_space<hbm>> -> memref<1x512xf32, #tpu.memory_space<hbm>>
      %dma_start3A_386 = tpu.memref_squeeze %dma_start3A_385 : memref<1x512xf32, #tpu.memory_space<hbm>> -> memref<512xf32, #tpu.memory_space<hbm>>
      %dma_start3A_387 = arith.constant 0 : i32
      %dma_start3A_388 = tpu.memref_slice %arg3[%add3A, %dma_start3A_387] : memref<32x512xf32, #tpu.memory_space<hbm>> -> memref<1x512xf32, #tpu.memory_space<hbm>>
      %dma_start3A_389 = tpu.memref_squeeze %dma_start3A_388 : memref<1x512xf32, #tpu.memory_space<hbm>> -> memref<512xf32, #tpu.memory_space<hbm>>
      %dma_start3A_390 = arith.constant 0 : i32
      %dma_start3A_391 = tpu.memref_slice %arg4[%run_scoped3A, %dma_start3A_390] : memref<64x512xf32, #tpu.memory_space<vmem>> -> memref<1x512xf32, #tpu.memory_space<vmem>>
      %dma_start3A_392 = tpu.memref_squeeze %dma_start3A_391 : memref<1x512xf32, #tpu.memory_space<vmem>> -> memref<512xf32, #tpu.memory_space<vmem>>
      tpu.enqueue_dma source(%dma_start3A_392 : memref<512xf32, #tpu.memory_space<vmem>>) target(%dma_start3A_389 : memref<512xf32, #tpu.memory_space<hbm>>) target_semaphore(%run_scoped3A_380 : memref<!tpu.dma_semaphore, #tpu.memory_space<semaphore_mem>>)
      %dma_wait3A_393 = arith.constant 0 : i32
      %dma_wait3A_394 = tpu.memref_slice %arg4[%run_scoped3A, %dma_wait3A_393] : memref<64x512xf32, #tpu.memory_space<vmem>> -> memref<1x512xf32, #tpu.memory_space<vmem>>
      %dma_wait3A_395 = tpu.memref_squeeze %dma_wait3A_394 : memref<1x512xf32, #tpu.memory_space<vmem>> -> memref<512xf32, #tpu.memory_space<vmem>>
      %dma_wait3A_396 = arith.constant 0 : i32
      %dma_wait3A_397 = tpu.memref_slice %arg3[%add3A, %dma_wait3A_396] : memref<32x512xf32, #tpu.memory_space<hbm>> -> memref<1x512xf32, #tpu.memory_space<hbm>>
      %dma_wait3A_398 = tpu.memref_squeeze %dma_wait3A_397 : memref<1x512xf32, #tpu.memory_space<hbm>> -> memref<512xf32, #tpu.memory_space<hbm>>
      %dma_wait3A_399 = arith.constant 0 : i32
      %dma_wait3A_400 = tpu.memref_slice %arg3[%add3A, %dma_wait3A_399] : memref<32x512xf32, #tpu.memory_space<hbm>> -> memref<1x512xf32, #tpu.memory_space<hbm>>
      %dma_wait3A_401 = tpu.memref_squeeze %dma_wait3A_400 : memref<1x512xf32, #tpu.memory_space<hbm>> -> memref<512xf32, #tpu.memory_space<hbm>>
      %dma_wait3A_402 = arith.constant 0 : i32
      %dma_wait3A_403 = tpu.memref_slice %arg4[%run_scoped3A, %dma_wait3A_402] : memref<64x512xf32, #tpu.memory_space<vmem>> -> memref<1x512xf32, #tpu.memory_space<vmem>>
      %dma_wait3A_404 = tpu.memref_squeeze %dma_wait3A_403 : memref<1x512xf32, #tpu.memory_space<vmem>> -> memref<512xf32, #tpu.memory_space<vmem>>
      tpu.wait_dma2 semaphore(%run_scoped3A_380 : memref<!tpu.dma_semaphore, #tpu.memory_space<semaphore_mem>>) src(%dma_wait3A_404 : memref<512xf32, #tpu.memory_space<vmem>>) dst(%dma_wait3A_401 : memref<512xf32, #tpu.memory_space<hbm>>)
      tpu.yield
    }) : () -> ()
    return
  }
}

module attributes {stable_mosaic.version = 14 : i64} {
  func.func @_mm_body(%arg0: i32, %arg1: memref<2048x512xf32, #tpu.memory_space<vmem>>, %arg2: memref<512x512xf32, #tpu.memory_space<vmem>>, %arg3: memref<1x512xf32, #tpu.memory_space<vmem>>, %arg4: memref<2048x512xf32, #tpu.memory_space<vmem>>) attributes {dimension_semantics = [#tpu.dimension_semantics<arbitrary>], iteration_bounds = array<i64: 8>, scalar_prefetch = 0 : i64, scratch_operands = 0 : i64, tpu.core_type = #tpu.core_type<tc>, window_params = [{transform_indices = @transform_0, window_bounds = array<i64: 2048, 512>}, {pipeline_mode = #tpu.pipeline_mode<synchronous>, transform_indices = @transform_1, window_bounds = array<i64: 512, 512>}, {pipeline_mode = #tpu.pipeline_mode<synchronous>, transform_indices = @transform_2, window_bounds = array<i64: 1, 512>}, {transform_indices = @transform_3, window_bounds = array<i64: 2048, 512>}]} {
    %get3A = arith.constant 0 : index
    %get3A_0 = arith.constant 0 : index
    %get3A_1 = vector.load %arg1[%get3A, %get3A_0] : memref<2048x512xf32, #tpu.memory_space<vmem>>, vector<2048x512xf32>
    %get3A_2 = arith.constant 0 : index
    %get3A_3 = arith.constant 0 : index
    %get3A_4 = vector.load %arg2[%get3A_2, %get3A_3] : memref<512x512xf32, #tpu.memory_space<vmem>>, vector<512x512xf32>
    %dot_general3A = arith.constant dense<0.000000e+00> : vector<2048x512xf32>
    %dot_general3A_5 = tpu.matmul %get3A_1, %get3A_4, %dot_general3A {dimension_numbers = #tpu.dot_dimension_numbers<[1], [1], [0], [0], [0, 0, 1, 0], [], []>, transpose_lhs_hint = false} : vector<2048x512xf32>, vector<512x512xf32>, vector<2048x512xf32> -> vector<2048x512xf32>
    %get3A_6 = arith.constant 0 : index
    %get3A_7 = arith.constant 0 : index
    %get3A_8 = vector.load %arg3[%get3A_6, %get3A_7] : memref<1x512xf32, #tpu.memory_space<vmem>>, vector<1x512xf32>
    %add3A = vector.broadcast %get3A_8 : vector<1x512xf32> to vector<2048x512xf32>
    %add3A_9 = arith.addf %dot_general3A_5, %add3A : vector<2048x512xf32>
    %swap3A = arith.constant 0 : index
    %swap3A_10 = arith.constant 0 : index
    %swap3A_11 = vector.load %arg4[%swap3A, %swap3A_10] : memref<2048x512xf32, #tpu.memory_space<vmem>>, vector<2048x512xf32>
    tpu.vector_store %arg4[%swap3A, %swap3A_10], %add3A_9 {strides = array<i32>} : memref<2048x512xf32, #tpu.memory_space<vmem>>, vector<2048x512xf32>,
    return
  }
  func.func @transform_0(%arg0: i32) -> (i32, i32) {
    %c0_i32 = arith.constant 0 : i32
    %c0_i32_0 = arith.constant 0 : i32
    return %arg0, %c0_i32 : i32, i32
  }
  func.func @transform_1(%arg0: i32) -> (i32, i32) {
    %c0_i32 = arith.constant 0 : i32
    %c0_i32_0 = arith.constant 0 : i32
    %c0_i32_1 = arith.constant 0 : i32
    return %c0_i32, %c0_i32_0 : i32, i32
  }
  func.func @transform_2(%arg0: i32) -> (i32, i32) {
    %c0_i32 = arith.constant 0 : i32
    %c0_i32_0 = arith.constant 0 : i32
    %c0_i32_1 = arith.constant 0 : i32
    return %c0_i32, %c0_i32_0 : i32, i32
  }
  func.func @transform_3(%arg0: i32) -> (i32, i32) {
    %c0_i32 = arith.constant 0 : i32
    %c0_i32_0 = arith.constant 0 : i32
    return %arg0, %c0_i32 : i32, i32
  }
}

module attributes {stable_mosaic.version = 14 : i64} {
  func.func @_add_body(%arg0: i32, %arg1: memref<2048x512xf32, #tpu.memory_space<vmem>>, %arg2: memref<1x1x512xf32, #tpu.memory_space<vmem>>, %arg3: memref<2048x512xf32, #tpu.memory_space<vmem>>) attributes {dimension_semantics = [#tpu.dimension_semantics<arbitrary>], iteration_bounds = array<i64: 8>, scalar_prefetch = 0 : i64, scratch_operands = 0 : i64, tpu.core_type = #tpu.core_type<tc>, window_params = [{transform_indices = @transform_0, window_bounds = array<i64: 2048, 512>}, {transform_indices = @transform_1, window_bounds = array<i64: 1, 1, 512>}, {transform_indices = @transform_2, window_bounds = array<i64: 2048, 512>}]} {
    %get3A = arith.constant 0 : index
    %get3A_0 = arith.constant 0 : index
    %get3A_1 = vector.load %arg1[%get3A, %get3A_0] : memref<2048x512xf32, #tpu.memory_space<vmem>>, vector<2048x512xf32>
    %get3A_2 = arith.constant 0 : index
    %get3A_3 = arith.constant 0 : index
    %get3A_4 = arith.constant 0 : index
    %get3A_5 = vector.load %arg2[%get3A_2, %get3A_3, %get3A_4] : memref<1x1x512xf32, #tpu.memory_space<vmem>>, vector<1x1x512xf32>
    %reshape3A = vector.shape_cast %get3A_5 : vector<1x1x512xf32> to vector<1x512xf32>
    %add3A = vector.broadcast %reshape3A : vector<1x512xf32> to vector<2048x512xf32>
    %add3A_6 = arith.addf %get3A_1, %add3A : vector<2048x512xf32>
    %swap3A = arith.constant 0 : index
    %swap3A_7 = arith.constant 0 : index
    %swap3A_8 = vector.load %arg3[%swap3A, %swap3A_7] : memref<2048x512xf32, #tpu.memory_space<vmem>>, vector<2048x512xf32>
    tpu.vector_store %arg3[%swap3A, %swap3A_7], %add3A_6 {strides = array<i32>} : memref<2048x512xf32, #tpu.memory_space<vmem>>, vector<2048x512xf32>,
    return
  }
  func.func @transform_0(%arg0: i32) -> (i32, i32) {
    %c0_i32 = arith.constant 0 : i32
    %c0_i32_0 = arith.constant 0 : i32
    return %arg0, %c0_i32 : i32, i32
  }
  func.func @transform_1(%arg0: i32) -> (i32, i32, i32) {
    %jit3A = arith.constant 1 : i32
    %div3A = arith.divsi %arg0, %jit3A : i32
    %sign3A = arith.constant 0 : i32
    %sign3A_0 = arith.cmpi sgt, %arg0, %sign3A : i32
    %sign3A_1 = arith.extui %sign3A_0 : i1 to i32
    %sign3A_2 = arith.constant 0 : i32
    %sign3A_3 = arith.cmpi slt, %arg0, %sign3A_2 : i32
    %sign3A_4 = arith.extui %sign3A_3 : i1 to i32
    %sign3A_5 = arith.subi %sign3A_1, %sign3A_4 : i32
    %sign3A_6 = arith.constant 0 : i32
    %sign3A_7 = arith.cmpi sgt, %jit3A, %sign3A_6 : i32
    %sign3A_8 = arith.extui %sign3A_7 : i1 to i32
    %sign3A_9 = arith.constant 0 : i32
    %sign3A_10 = arith.cmpi slt, %jit3A, %sign3A_9 : i32
    %sign3A_11 = arith.extui %sign3A_10 : i1 to i32
    %sign3A_12 = arith.subi %sign3A_8, %sign3A_11 : i32
    %ne3A = arith.cmpi ne, %sign3A_5, %sign3A_12 : i32
    %rem3A = arith.remsi %arg0, %jit3A : i32
    %ne3A_13 = arith.constant 0 : i32
    %ne3A_14 = arith.cmpi ne, %rem3A, %ne3A_13 : i32
    %and3A = arith.andi %ne3A, %ne3A_14 : i1
    %sub3A = arith.constant 1 : i32
    %sub3A_15 = arith.subi %div3A, %sub3A : i32
    %select_n3A = arith.select %and3A, %sub3A_15, %div3A : i32
    %c0_i32 = arith.constant 0 : i32
    %c0_i32_16 = arith.constant 0 : i32
    %c0_i32_17 = arith.constant 0 : i32
    return %select_n3A, %c0_i32, %c0_i32_16 : i32, i32, i32
  }
  func.func @transform_2(%arg0: i32) -> (i32, i32) {
    %c0_i32 = arith.constant 0 : i32
    %c0_i32_0 = arith.constant 0 : i32
    return %arg0, %c0_i32 : i32, i32
  }
}

module attributes {stable_mosaic.version = 14 : i64} {
  func.func @_attn_body(%arg0: i32, %arg1: memref<1x4x512xf32, #tpu.memory_space<vmem>>, %arg2: memref<2048x512xf32, #tpu.memory_space<vmem>>, %arg3: memref<512x512xf32, #tpu.memory_space<vmem>>, %arg4: memref<512x512xf32, #tpu.memory_space<vmem>>, %arg5: memref<512x512xf32, #tpu.memory_space<vmem>>, %arg6: memref<512x512xf32, #tpu.memory_space<vmem>>, %arg7: memref<1x512xf32, #tpu.memory_space<vmem>>, %arg8: memref<512x512xf32, #tpu.memory_space<vmem>>, %arg9: memref<1x512xf32, #tpu.memory_space<vmem>>, %arg10: memref<512x512xf32, #tpu.memory_space<vmem>>, %arg11: memref<1x512xf32, #tpu.memory_space<vmem>>, %arg12: memref<1x1xf32, #tpu.memory_space<vmem>>, %arg13: memref<512x512xf32, #tpu.memory_space<vmem>>, %arg14: memref<1x1x512xf32, #tpu.memory_space<vmem>>) attributes {dimension_semantics = [#tpu.dimension_semantics<arbitrary>], iteration_bounds = array<i64: 8>, scalar_prefetch = 0 : i64, scratch_operands = 0 : i64, tpu.core_type = #tpu.core_type<tc>, window_params = [{transform_indices = @transform_0, window_bounds = array<i64: 1, 4, 512>}, {transform_indices = @transform_1, window_bounds = array<i64: 2048, 512>}, {pipeline_mode = #tpu.pipeline_mode<synchronous>, transform_indices = @transform_2, window_bounds = array<i64: 512, 512>}, {pipeline_mode = #tpu.pipeline_mode<synchronous>, transform_indices = @transform_3, window_bounds = array<i64: 512, 512>}, {pipeline_mode = #tpu.pipeline_mode<synchronous>, transform_indices = @transform_4, window_bounds = array<i64: 512, 512>}, {pipeline_mode = #tpu.pipeline_mode<synchronous>, transform_indices = @transform_5, window_bounds = array<i64: 512, 512>}, {pipeline_mode = #tpu.pipeline_mode<synchronous>, transform_indices = @transform_6, window_bounds = array<i64: 1, 512>}, {pipeline_mode = #tpu.pipeline_mode<synchronous>, transform_indices = @transform_7, window_bounds = array<i64: 512, 512>}, {pipeline_mode = #tpu.pipeline_mode<synchronous>, transform_indices = @transform_8, window_bounds = array<i64: 1, 512>}, {pipeline_mode = #tpu.pipeline_mode<synchronous>, transform_indices = @transform_9, window_bounds = array<i64: 512, 512>}, {pipeline_mode = #tpu.pipeline_mode<synchronous>, transform_indices = @transform_10, window_bounds = array<i64: 1, 512>}, {pipeline_mode = #tpu.pipeline_mode<synchronous>, transform_indices = @transform_11, window_bounds = array<i64: 1, 1>}, {pipeline_mode = #tpu.pipeline_mode<synchronous>, transform_indices = @transform_12, window_bounds = array<i64: 512, 512>}, {transform_indices = @transform_13, window_bounds = array<i64: 1, 1, 512>}]} {
    %get3A = arith.constant 0 : index
    %get3A_0 = arith.constant 0 : index
    %get3A_1 = arith.constant 0 : index
    %get3A_2 = vector.load %arg1[%get3A, %get3A_0, %get3A_1] : memref<1x4x512xf32, #tpu.memory_space<vmem>>, vector<1x4x512xf32>
    %reduce_sum3A = arith.constant dense<0.000000e+00> : vector<512xf32>
    %reduce_sum3A_3 = vector.multi_reduction <add>, %get3A_2, %reduce_sum3A [0, 1] : vector<1x4x512xf32> to vector<512xf32>
    %reshape3A = vector.shape_cast %reduce_sum3A_3 : vector<512xf32> to vector<1x512xf32>
    %mul3A = arith.constant 4.8828125E-4 : f32
    %mul3A_4 = vector.broadcast %mul3A : f32 to vector<1x512xf32>
    %mul3A_5 = arith.mulf %reshape3A, %mul3A_4 : vector<1x512xf32>
    %get3A_6 = arith.constant 0 : index
    %get3A_7 = arith.constant 0 : index
    %get3A_8 = vector.load %arg3[%get3A_6, %get3A_7] : memref<512x512xf32, #tpu.memory_space<vmem>>, vector<512x512xf32>
    %dot_general3A = arith.constant dense<0.000000e+00> : vector<1x512xf32>
    %dot_general3A_9 = tpu.matmul %mul3A_5, %get3A_8, %dot_general3A {dimension_numbers = #tpu.dot_dimension_numbers<[1], [1], [0], [0], [0, 0, 1, 0], [], []>, transpose_lhs_hint = false} : vector<1x512xf32>, vector<512x512xf32>, vector<1x512xf32> -> vector<1x512xf32>
    %iota3A = tpu.iota {dimensions = array<i32: 0>} : vector<8x512xi32>
    %iota3A_10 = tpu.iota {dimensions = array<i32: 1>} : vector<8x512xi32>
    %jit3A = arith.constant 64 : i32
    %div3A = vector.broadcast %jit3A : i32 to vector<8x512xi32>
    %div3A_11 = arith.divsi %iota3A_10, %div3A : vector<8x512xi32>
    %sign3A = arith.constant 0 : i32
    %sign3A_12 = vector.broadcast %sign3A : i32 to vector<8x512xi32>
    %sign3A_13 = arith.cmpi sgt, %iota3A_10, %sign3A_12 : vector<8x512xi32>
    %sign3A_14 = arith.extui %sign3A_13 : vector<8x512xi1> to vector<8x512xi32>
    %sign3A_15 = arith.constant 0 : i32
    %sign3A_16 = vector.broadcast %sign3A_15 : i32 to vector<8x512xi32>
    %sign3A_17 = arith.cmpi slt, %iota3A_10, %sign3A_16 : vector<8x512xi32>
    %sign3A_18 = arith.extui %sign3A_17 : vector<8x512xi1> to vector<8x512xi32>
    %sign3A_19 = arith.subi %sign3A_14, %sign3A_18 : vector<8x512xi32>
    %sign3A_20 = arith.constant 0 : i32
    %sign3A_21 = arith.cmpi sgt, %jit3A, %sign3A_20 : i32
    %sign3A_22 = arith.extui %sign3A_21 : i1 to i32
    %sign3A_23 = arith.constant 0 : i32
    %sign3A_24 = arith.cmpi slt, %jit3A, %sign3A_23 : i32
    %sign3A_25 = arith.extui %sign3A_24 : i1 to i32
    %sign3A_26 = arith.subi %sign3A_22, %sign3A_25 : i32
    %ne3A = vector.broadcast %sign3A_26 : i32 to vector<8x512xi32>
    %ne3A_27 = arith.cmpi ne, %sign3A_19, %ne3A : vector<8x512xi32>
    %rem3A = vector.broadcast %jit3A : i32 to vector<8x512xi32>
    %rem3A_28 = arith.remsi %iota3A_10, %rem3A : vector<8x512xi32>
    %ne3A_29 = arith.constant 0 : i32
    %ne3A_30 = vector.broadcast %ne3A_29 : i32 to vector<8x512xi32>
    %ne3A_31 = arith.cmpi ne, %rem3A_28, %ne3A_30 : vector<8x512xi32>
    %and3A = arith.andi %ne3A_27, %ne3A_31 : vector<8x512xi1>
    %sub3A = arith.constant 1 : i32
    %sub3A_32 = vector.broadcast %sub3A : i32 to vector<8x512xi32>
    %sub3A_33 = arith.subi %div3A_11, %sub3A_32 : vector<8x512xi32>
    %select_n3A = arith.select %and3A, %sub3A_33, %div3A_11 : vector<8x512xi1>, vector<8x512xi32>
    %eq3A = arith.cmpi eq, %select_n3A, %iota3A : vector<8x512xi32>
    %convert_element_type3A = arith.extui %eq3A : vector<8x512xi1> to vector<8x512xi32>
    %convert_element_type3A_34 = arith.sitofp %convert_element_type3A : vector<8x512xi32> to vector<8x512xf32>
    %mul3A_35 = vector.broadcast %dot_general3A_9 : vector<1x512xf32> to vector<8x512xf32>
    %mul3A_36 = arith.mulf %convert_element_type3A_34, %mul3A_35 : vector<8x512xf32>
    %get3A_37 = arith.constant 0 : index
    %get3A_38 = arith.constant 0 : index
    %get3A_39 = vector.load %arg4[%get3A_37, %get3A_38] : memref<512x512xf32, #tpu.memory_space<vmem>>, vector<512x512xf32>
    %dot_general3A_40 = arith.constant dense<0.000000e+00> : vector<8x512xf32>
    %dot_general3A_41 = tpu.matmul %mul3A_36, %get3A_39, %dot_general3A_40 {dimension_numbers = #tpu.dot_dimension_numbers<[1], [0], [0], [1], [0, 0, 1, 1], [], []>, transpose_lhs_hint = false} : vector<8x512xf32>, vector<512x512xf32>, vector<8x512xf32> -> vector<8x512xf32>
    %get3A_42 = arith.constant 0 : index
    %get3A_43 = arith.constant 0 : index
    %get3A_44 = vector.load %arg2[%get3A_42, %get3A_43] : memref<2048x512xf32, #tpu.memory_space<vmem>>, vector<2048x512xf32>
    %dot_general3A_45 = arith.constant dense<0.000000e+00> : vector<2048x8xf32>
    %dot_general3A_46 = tpu.matmul %get3A_44, %dot_general3A_41, %dot_general3A_45 {dimension_numbers = #tpu.dot_dimension_numbers<[1], [1], [0], [0], [0, 0, 1, 0], [], []>, transpose_lhs_hint = false} : vector<2048x512xf32>, vector<8x512xf32>, vector<2048x8xf32> -> vector<2048x8xf32>
    %mul3A_47 = arith.constant 1.250000e-01 : f32
    %mul3A_48 = vector.broadcast %mul3A_47 : f32 to vector<2048x8xf32>
    %mul3A_49 = arith.mulf %dot_general3A_46, %mul3A_48 : vector<2048x8xf32>
    %reduce_max3A = arith.constant dense<0xFF800000> : vector<8xf32>
    %reduce_max3A_50 = vector.multi_reduction <maximumf>, %mul3A_49, %reduce_max3A [0] : vector<2048x8xf32> to vector<8xf32>
    %broadcast_in_dim3A = vector.shape_cast %reduce_max3A_50 : vector<8xf32> to vector<1x8xf32>
    %sub3A_51 = vector.broadcast %broadcast_in_dim3A : vector<1x8xf32> to vector<2048x8xf32>
    %sub3A_52 = arith.subf %mul3A_49, %sub3A_51 : vector<2048x8xf32>
    %exp3A = math.exp %sub3A_52 : vector<2048x8xf32>
    %reduce_sum3A_53 = arith.constant dense<0.000000e+00> : vector<8xf32>
    %reduce_sum3A_54 = vector.multi_reduction <add>, %exp3A, %reduce_sum3A_53 [0] : vector<2048x8xf32> to vector<8xf32>
    %dot_general3A_55 = arith.constant dense<0.000000e+00> : vector<8x512xf32>
    %dot_general3A_56 = tpu.matmul %exp3A, %get3A_44, %dot_general3A_55 {dimension_numbers = #tpu.dot_dimension_numbers<[0], [0], [1], [1], [0, 1, 1, 1], [], []>, transpose_lhs_hint = false} : vector<2048x8xf32>, vector<2048x512xf32>, vector<8x512xf32> -> vector<8x512xf32>
    %reshape3A_57 = vector.shape_cast %reduce_sum3A_54 : vector<8xf32> to vector<8x1xf32>
    %div3A_58 = vector.broadcast %reshape3A_57 : vector<8x1xf32> to vector<8x512xf32>
    %div3A_59 = arith.divf %dot_general3A_56, %div3A_58 : vector<8x512xf32>
    %get3A_60 = arith.constant 0 : index
    %get3A_61 = arith.constant 0 : index
    %get3A_62 = vector.load %arg5[%get3A_60, %get3A_61] : memref<512x512xf32, #tpu.memory_space<vmem>>, vector<512x512xf32>
    %dot_general3A_63 = arith.constant dense<0.000000e+00> : vector<8x512xf32>
    %dot_general3A_64 = tpu.matmul %div3A_59, %get3A_62, %dot_general3A_63 {dimension_numbers = #tpu.dot_dimension_numbers<[1], [1], [0], [0], [0, 0, 1, 0], [], []>, transpose_lhs_hint = false} : vector<8x512xf32>, vector<512x512xf32>, vector<8x512xf32> -> vector<8x512xf32>
    %mul3A_65 = arith.mulf %dot_general3A_64, %convert_element_type3A_34 : vector<8x512xf32>
    %reduce_sum3A_66 = arith.constant dense<0.000000e+00> : vector<512xf32>
    %reduce_sum3A_67 = vector.multi_reduction <add>, %mul3A_65, %reduce_sum3A_66 [0] : vector<8x512xf32> to vector<512xf32>
    %broadcast_in_dim3A_68 = vector.shape_cast %reduce_sum3A_67 : vector<512xf32> to vector<1x512xf32>
    %get3A_69 = arith.constant 0 : index
    %get3A_70 = arith.constant 0 : index
    %get3A_71 = vector.load %arg6[%get3A_69, %get3A_70] : memref<512x512xf32, #tpu.memory_space<vmem>>, vector<512x512xf32>
    %dot_general3A_72 = arith.constant dense<0.000000e+00> : vector<1x512xf32>
    %dot_general3A_73 = tpu.matmul %broadcast_in_dim3A_68, %get3A_71, %dot_general3A_72 {dimension_numbers = #tpu.dot_dimension_numbers<[1], [1], [0], [0], [0, 0, 1, 0], [], []>, transpose_lhs_hint = false} : vector<1x512xf32>, vector<512x512xf32>, vector<1x512xf32> -> vector<1x512xf32>
    %get3A_74 = arith.constant 0 : index
    %get3A_75 = arith.constant 0 : index
    %get3A_76 = vector.load %arg7[%get3A_74, %get3A_75] : memref<1x512xf32, #tpu.memory_space<vmem>>, vector<1x512xf32>
    %add3A = arith.addf %dot_general3A_73, %get3A_76 : vector<1x512xf32>
    %get3A_77 = arith.constant 0 : index
    %get3A_78 = arith.constant 0 : index
    %get3A_79 = vector.load %arg8[%get3A_77, %get3A_78] : memref<512x512xf32, #tpu.memory_space<vmem>>, vector<512x512xf32>
    %dot_general3A_80 = arith.constant dense<0.000000e+00> : vector<1x512xf32>
    %dot_general3A_81 = tpu.matmul %add3A, %get3A_79, %dot_general3A_80 {dimension_numbers = #tpu.dot_dimension_numbers<[1], [1], [0], [0], [0, 0, 1, 0], [], []>, transpose_lhs_hint = false} : vector<1x512xf32>, vector<512x512xf32>, vector<1x512xf32> -> vector<1x512xf32>
    %get3A_82 = arith.constant 0 : index
    %get3A_83 = arith.constant 0 : index
    %get3A_84 = vector.load %arg9[%get3A_82, %get3A_83] : memref<1x512xf32, #tpu.memory_space<vmem>>, vector<1x512xf32>
    %add3A_85 = arith.addf %dot_general3A_81, %get3A_84 : vector<1x512xf32>
    %max3A = arith.constant 0.000000e+00 : f32
    %max3A_86 = vector.broadcast %max3A : f32 to vector<1x512xf32>
    %max3A_87 = arith.maximumf %add3A_85, %max3A_86 : vector<1x512xf32>
    %get3A_88 = arith.constant 0 : index
    %get3A_89 = arith.constant 0 : index
    %get3A_90 = vector.load %arg10[%get3A_88, %get3A_89] : memref<512x512xf32, #tpu.memory_space<vmem>>, vector<512x512xf32>
    %dot_general3A_91 = arith.constant dense<0.000000e+00> : vector<1x512xf32>
    %dot_general3A_92 = tpu.matmul %max3A_87, %get3A_90, %dot_general3A_91 {dimension_numbers = #tpu.dot_dimension_numbers<[1], [1], [0], [0], [0, 0, 1, 0], [], []>, transpose_lhs_hint = false} : vector<1x512xf32>, vector<512x512xf32>, vector<1x512xf32> -> vector<1x512xf32>
    %get3A_93 = arith.constant 0 : index
    %get3A_94 = arith.constant 0 : index
    %get3A_95 = vector.load %arg11[%get3A_93, %get3A_94] : memref<1x512xf32, #tpu.memory_space<vmem>>, vector<1x512xf32>
    %add3A_96 = arith.addf %dot_general3A_92, %get3A_95 : vector<1x512xf32>
    %get3A_97 = arith.constant 0 : index
    %get3A_98 = arith.constant 0 : index
    %get3A_99 = vector.load %arg12[%get3A_97, %get3A_98] : memref<1x1xf32, #tpu.memory_space<vmem>>, vector<1x1xf32>
    %get3A_100 = vector.extract %get3A_99[0, 0] : f32 from vector<1x1xf32>
    %mul3A_101 = vector.broadcast %get3A_100 : f32 to vector<1x512xf32>
    %mul3A_102 = arith.mulf %mul3A_101, %add3A_96 : vector<1x512xf32>
    %get3A_103 = arith.constant 0 : index
    %get3A_104 = arith.constant 0 : index
    %get3A_105 = vector.load %arg13[%get3A_103, %get3A_104] : memref<512x512xf32, #tpu.memory_space<vmem>>, vector<512x512xf32>
    %dot_general3A_106 = arith.constant dense<0.000000e+00> : vector<1x512xf32>
    %dot_general3A_107 = tpu.matmul %mul3A_102, %get3A_105, %dot_general3A_106 {dimension_numbers = #tpu.dot_dimension_numbers<[1], [1], [0], [0], [0, 0, 1, 0], [], []>, transpose_lhs_hint = false} : vector<1x512xf32>, vector<512x512xf32>, vector<1x512xf32> -> vector<1x512xf32>
    %reshape3A_108 = vector.shape_cast %dot_general3A_107 : vector<1x512xf32> to vector<1x1x512xf32>
    %swap3A = arith.constant 0 : index
    %swap3A_109 = arith.constant 0 : index
    %swap3A_110 = arith.constant 0 : index
    %swap3A_111 = vector.load %arg14[%swap3A, %swap3A_109, %swap3A_110] : memref<1x1x512xf32, #tpu.memory_space<vmem>>, vector<1x1x512xf32>
    tpu.vector_store %arg14[%swap3A, %swap3A_109, %swap3A_110], %reshape3A_108 {strides = array<i32>} : memref<1x1x512xf32, #tpu.memory_space<vmem>>, vector<1x1x512xf32>,
    return
  }
  func.func @transform_0(%arg0: i32) -> (i32, i32, i32) {
    %c0_i32 = arith.constant 0 : i32
    %c0_i32_0 = arith.constant 0 : i32
    %c0_i32_1 = arith.constant 0 : i32
    return %arg0, %c0_i32, %c0_i32_0 : i32, i32, i32
  }
  func.func @transform_1(%arg0: i32) -> (i32, i32) {
    %c0_i32 = arith.constant 0 : i32
    %c0_i32_0 = arith.constant 0 : i32
    return %arg0, %c0_i32 : i32, i32
  }
  func.func @transform_2(%arg0: i32) -> (i32, i32) {
    %c0_i32 = arith.constant 0 : i32
    %c0_i32_0 = arith.constant 0 : i32
    %c0_i32_1 = arith.constant 0 : i32
    return %c0_i32, %c0_i32_0 : i32, i32
  }
  func.func @transform_3(%arg0: i32) -> (i32, i32) {
    %c0_i32 = arith.constant 0 : i32
    %c0_i32_0 = arith.constant 0 : i32
    %c0_i32_1 = arith.constant 0 : i32
    return %c0_i32, %c0_i32_0 : i32, i32
  }
  func.func @transform_4(%arg0: i32) -> (i32, i32) {
    %c0_i32 = arith.constant 0 : i32
    %c0_i32_0 = arith.constant 0 : i32
    %c0_i32_1 = arith.constant 0 : i32
    return %c0_i32, %c0_i32_0 : i32, i32
  }
  func.func @transform_5(%arg0: i32) -> (i32, i32) {
    %c0_i32 = arith.constant 0 : i32
    %c0_i32_0 = arith.constant 0 : i32
    %c0_i32_1 = arith.constant 0 : i32
    return %c0_i32, %c0_i32_0 : i32, i32
  }
  func.func @transform_6(%arg0: i32) -> (i32, i32) {
    %c0_i32 = arith.constant 0 : i32
    %c0_i32_0 = arith.constant 0 : i32
    %c0_i32_1 = arith.constant 0 : i32
    return %c0_i32, %c0_i32_0 : i32, i32
  }
  func.func @transform_7(%arg0: i32) -> (i32, i32) {
    %c0_i32 = arith.constant 0 : i32
    %c0_i32_0 = arith.constant 0 : i32
    %c0_i32_1 = arith.constant 0 : i32
    return %c0_i32, %c0_i32_0 : i32, i32
  }
  func.func @transform_8(%arg0: i32) -> (i32, i32) {
    %c0_i32 = arith.constant 0 : i32
    %c0_i32_0 = arith.constant 0 : i32
    %c0_i32_1 = arith.constant 0 : i32
    return %c0_i32, %c0_i32_0 : i32, i32
  }
  func.func @transform_9(%arg0: i32) -> (i32, i32) {
    %c0_i32 = arith.constant 0 : i32
    %c0_i32_0 = arith.constant 0 : i32
    %c0_i32_1 = arith.constant 0 : i32
    return %c0_i32, %c0_i32_0 : i32, i32
  }
  func.func @transform_10(%arg0: i32) -> (i32, i32) {
    %c0_i32 = arith.constant 0 : i32
    %c0_i32_0 = arith.constant 0 : i32
    %c0_i32_1 = arith.constant 0 : i32
    return %c0_i32, %c0_i32_0 : i32, i32
  }
  func.func @transform_11(%arg0: i32) -> (i32, i32) {
    %c0_i32 = arith.constant 0 : i32
    %c0_i32_0 = arith.constant 0 : i32
    %c0_i32_1 = arith.constant 0 : i32
    return %c0_i32, %c0_i32_0 : i32, i32
  }
  func.func @transform_12(%arg0: i32) -> (i32, i32) {
    %c0_i32 = arith.constant 0 : i32
    %c0_i32_0 = arith.constant 0 : i32
    %c0_i32_1 = arith.constant 0 : i32
    return %c0_i32, %c0_i32_0 : i32, i32
  }
  func.func @transform_13(%arg0: i32) -> (i32, i32, i32) {
    %c0_i32 = arith.constant 0 : i32
    %c0_i32_0 = arith.constant 0 : i32
    %c0_i32_1 = arith.constant 0 : i32
    return %arg0, %c0_i32, %c0_i32_0 : i32, i32, i32
  }
}

</mosaic_0001>

<sc_bundles>
// kernel: kernel.6.cloned.1.call-start
scs
__scs_entry_jumppad:
0x0: {  	(pc) =	sbr.rel $0x88, $3  }
0x1: {  	(tag) =	ssettag $0x0;
	lr =	simm.s32 $0x1  }
0x2: {  	[smem:$0x3F93] =	sst lr;
	_ =	strace $0xD0000000  }
0x3: {  	_ = 	snop  }
0x4: {  	_ = 	snop  }
0x5: {  	_ = 	snop  }
0x6: {  	_ = 	snop  }
0x7: {  	_ = 	snop  }
__scs_overlays_trampoline_lowered:
0x8: {  	[smem:$0x3FA2] =	sst s0  }
0x9: {  	[smem:$0x3FA3] =	sst s1  }
0xa: {  	[smem:$0x3FA4] =	sst s2  }
0xb: {  	[smem:$0x3FA5] =	sst s3  }
0xc: {  	[smem:$0x3FA6] =	sst s4  }
0xd: {  	[smem:$0x3FA7] =	sst s5  }
0xe: {  	[smem:$0x3FA8] =	sst s6  }
0xf: {  	[smem:$0x3FA9] =	sst s7  }
0x10: {  	[smem:$0x3FAA] =	sst s8  }
0x11: {  	[smem:$0x3FAB] =	sst s9;
	s0 =	simm.s32 @!p0 $0x0  }
0x12: {  	s1 =	sld [smem:$0x3F91];
	s0 =	simm.s32 @p0 $0x1  }
0x13: {  	[smem:$0x3FAC] =	sst s0;
	s0 =	simm.s32 @!p1 $0x0  }
0x14: {  	s2 =	sld [smem:$0x3F90];
	s0 =	simm.s32 @p1 $0x1  }
0x15: {  	[smem:$0x3FAD] =	sst s0;
	s0 =	simm.s32 @!p2 $0x0  }
0x16: {  	s3 =	sld [smem:$0x3FDB];
	s0 =	simm.s32 @p2 $0x1  }
0x17: {  	s4 =	simm.s32 $0x1BF5;
	[smem:$0x3FAF] =	sst s0  }
0x18: {  	s0 =	sld [smem:$0x3F92];
	_ =	swait.ge [sflag:s4], $0x0  }
0x19: {  	s7 =	sld [smem:$0x3F93]  }
0x1a: {  	s8 =	sadd.s32 $0xFFFFE003, lr  }
0x1b: {  	s9 =	sadd.s32 $0xFFFFFEF7, lr;
	s5 =	simm.s32 $0xFFFFFFFF;
	p2 =	slt.u32 s8, $0xFFFFF086  }
0x1c: {  	p1 =	slt.u32 s9, $0xF7A;
	s5 =	simm.s32 @!p2 $0x0  }
0x1d: {  	s5 =	simm.s32 @p1 $0x1;
	p0 =	seq.s32 s7, s2  }
0x1e: {  	s7 =	smul.u32 @!p0 $0xF7A, s2;
	p2 =	seq.s32 @!p0 s5, $0x0  }
0x1f: {  	s9 =	smul.u32 $0xF7A, s1;
	s8 =	simm.s32 @!p0 $0x1BF5;
	p2 =	por !p2, p0  }
0x20: {  	[sflag:s8] =	ssyncset.s32 @!p0 $0xFFFFF086;
	s6 =	sadd.s32 @!p0 s3, s7;
	s7 =	simm.s32 @!p0 $0x108  }
0x21: {  	s3 =	sadd.s32 s3, s9;
	s6 =	sadd.s32 @!p0 $0x88, s6;
	s7 =	simm.s32 @p2 $0x1082  }
0x22: {  	[simem:s7], [sflag:s8] =	dma.local @!p0 [hbm:s6], $0xF7A  }
0x23: {  	s9 =	sor.u32 $0xD0000000, s2;
	s6 =	simm.s32 $0x108;
	_ =	swait.ge @!p0 [sflag:s8], $0x0  }
0x24: {  	s3 =	sadd.s32 $0x88, s3;
	s6 =	simm.s32 @!p1 $0x1082;
	[sflag:s4] =	ssyncset.s32 $0xFFFFF086  }
0x25: {  	[simem:s6], [sflag:s4] =	dma.local [hbm:s3], $0xF7A  }
0x26: {  	[smem:$0x3F93] =	sst s1;
	(tag) =	ssettag s2;
	_ =	strace s9  }
0x27: {  	s1 =	sld [smem:$0x3FA3]  }
0x28: {  	s2 =	sld [smem:$0x3FA4]  }
0x29: {  	s4 =	sld [smem:$0x3FA6]  }
0x2a: {  	p0 =	seq.s32 s5, $0x0;
	s5 =	sld [smem:$0x3FA7]  }
0x2b: {  	s6 =	sld [smem:$0x3FA8]  }
0x2c: {  	s7 =	sld [smem:$0x3FA9]  }
0x2d: {  	s3 =	simm.s32 $0x108;
	s8 =	sld [smem:$0x3FAA]  }
0x2e: {  	s3 =	simm.s32 @!p0 $0x1082;
	s9 =	sld [smem:$0x3FAB]  }
0x2f: {  	lr =	sadd.s32 s0, s3;
	s0 =	sld [smem:$0x3FA2]  }
0x30: {  	s3 =	sld [smem:$0x3FA5]  }
0x31: {  	[smem:$0x3FAE] =	sst s10  }
0x32: {  	s10 =	sld [smem:$0x3FAC];
	_ =	sdelay $0x3  }
0x33: {  	p0 =	seq.s32 s10, $0x1;
	s10 =	sld [smem:$0x3FAE];
	_ =	sdelay $0x3  }
0x34: {  	[smem:$0x3FAE] =	sst s10  }
0x35: {  	s10 =	sld [smem:$0x3FAD];
	_ =	sdelay $0x3  }
0x36: {  	p1 =	seq.s32 s10, $0x1;
	s10 =	sld [smem:$0x3FAE];
	_ =	sdelay $0x3  }
0x37: {  	[smem:$0x3FAE] =	sst s10  }
0x38: {  	s10 =	sld [smem:$0x3FAF]  }
0x39: {  	_ = 	snop;
	(pc) =	sbr.ind lr, $3  }
0x3a: {  	_ = 	snop  }
0x3b: {  	_ = 	snop  }
0x3c: {  	p2 =	seq.s32 s10, $0x1;
	s10 =	sld [smem:$0x3FAE]  }
0x3d: {  	_ =	shalt  }
0x3e: {  	_ =	shalt  }
0x3f: {  	_ =	shalt  }
0x40: {  	_ =	shalt  }
0x41: {  	_ =	shalt  }
0x42: {  	_ =	shalt  }
0x43: {  	_ =	shalt  }
0x44: {  	_ =	shalt  }
0x45: {  	_ =	shalt  }
0x46: {  	_ =	shalt  }
0x47: {  	_ =	shalt  }
0x48: {  	_ =	shalt  }
0x49: {  	_ =	shalt  }
0x4a: {  	_ =	shalt  }
0x4b: {  	_ =	shalt  }
0x4c: {  	_ =	shalt  }
0x4d: {  	_ =	shalt  }
0x4e: {  	_ =	shalt  }
0x4f: {  	_ =	shalt  }
0x50: {  	_ =	shalt  }
0x51: {  	_ =	shalt  }
0x52: {  	_ =	shalt  }
0x53: {  	_ =	shalt  }
0x54: {  	_ =	shalt  }
0x55: {  	_ =	shalt  }
0x56: {  	_ =	shalt  }
0x57: {  	_ =	shalt  }
0x58: {  	_ =	shalt  }
0x59: {  	_ =	shalt  }
0x5a: {  	_ =	shalt  }
0x5b: {  	_ =	shalt  }
0x5c: {  	_ =	shalt  }
0x5d: {  	_ =	shalt  }
0x5e: {  	_ =	shalt  }
0x5f: {  	_ =	shalt  }
0x60: {  	_ =	shalt  }
0x61: {  	_ =	shalt  }
0x62: {  	_ =	shalt  }
0x63: {  	_ =	shalt  }
0x64: {  	_ =	shalt  }
0x65: {  	_ =	shalt  }
0x66: {  	_ =	shalt  }
0x67: {  	_ =	shalt  }
0x68: {  	_ =	shalt  }
0x69: {  	_ =	shalt  }
0x6a: {  	_ =	shalt  }
0x6b: {  	_ =	shalt  }
0x6c: {  	_ =	shalt  }
0x6d: {  	_ =	shalt  }
0x6e: {  	_ =	shalt  }
0x6f: {  	_ =	shalt  }
0x70: {  	_ =	shalt  }
0x71: {  	_ =	shalt  }
0x72: {  	_ =	shalt  }
0x73: {  	_ =	shalt  }
0x74: {  	_ =	shalt  }
0x75: {  	_ =	shalt  }
0x76: {  	_ =	shalt  }
0x77: {  	_ =	shalt  }
0x78: {  	_ =	shalt  }
0x79: {  	_ =	shalt  }
0x7a: {  	_ =	shalt  }
0x7b: {  	_ =	shalt  }
0x7c: {  	_ =	shalt  }
0x7d: {  	_ =	shalt  }
0x7e: {  	_ =	shalt  }
0x7f: {  	_ =	shalt  }
0x80: {  	_ =	shalt  }
0x81: {  	_ =	shalt  }
0x82: {  	_ =	shalt  }
0x83: {  	_ =	shalt  }
0x84: {  	_ =	shalt  }
0x85: {  	_ =	shalt  }
0x86: {  	_ =	shalt  }
0x87: {  	_ =	shalt  }
.Lfunc_end0:
.L_simem_size_0:
called_computation_lowered:
.L_overlay_start_0:
0x88: {  	s2 =	sld [smem:$0x3FD9]  }
0x89: {  	s3 =	sld [smem:$0x3FFE];
	_ =	sdelay $0x1  }
0x8a: {  	s1 =	srdreg.scid  }
0x8b: {  	s0 =	sand.u32 $0x1, s1  }
0x8c: {  	s18 =	sshll.u32 s0, $0xA;
	s2 =	sadd.s32 s3, s2  }
0x8d: {  	s2 =	sadd.s32 s2, s18  }
0x8e: {  	[smem:$0x3FBA] =	sst s2  }
0x8f: {  	_ = 	snop  }
0x90: {  	s2 =	sld [smem:$0x3FC9]  }
0x91: {  	s19 =	sld [smem:$0x3FD0];
	(tm) =	ssettm $0x1  }
0x92: {  	s4 =	sld [smem:$0x3FFB];
	_ =	sdelay $0x3  }
0x93: {  	_ =	strace s4  }
0x94: {  	s4 =	sld [smem:$0x3FFC];
	_ =	sdelay $0x3  }
0x95: {  	_ =	strace s4  }
0x96: {  	s4 =	sld [smem:$0x3FFD];
	_ =	sdelay $0x3  }
0x97: {  	_ =	strace s4  }
0x98: {  	_ =	strace $0x8FFFFFFF  }
0x99: {  	s20 =	sld [smem:$0x3FDB];
	_ =	sdelay $0x1  }
0x9a: {  	s5 =	simm.s32 $_scs_section_size  }
0x9b: {  	s6 =	simm.s32 $_size__tile_overlayer_lowered;
	s7 =	simm.s32 $_tile_overlayer_lowered  }
0x9c: {  	s23 =	simm.s32 $0x1BFF;
	s22 =	sshll.u32 s7, $0x1;
	s4 =	sadd.s32 s5, s20  }
0x9d: {  	s8 =	simm.s32 $0x0;
	s21 =	sshll.u32 s6, $0x1;
	s6 =	sadd.s32 s22, s4  }
0x9e: {  	[timem:s8], [sflag:s23] =	dma.local [hbm:s6], s21  }
0x9f: {  	_ =	swait.ge [sflag:s23], s21  }
0xa0: {  	s5 =	ssub.s32 $0x0, s21;
	[sflag:s23] =	ssyncset.done $0x0  }
0xa1: {  	[sflag:s23] =	ssyncadd.s32 s5;
	_ =	sdelay $0x1  }
0xa2: {  	s24 =	simm.s32 $0x1B8B  }
0xa3: {  	_ =	swait.ge [sflag:s24], $0x1  }
0xa4: {  	[sflag:s24] =	ssyncset.done $0x0  }
0xa5: {  	s25 =	simm.s32 $0x1B8E;
	[sflag:s24] =	ssyncadd.s32 $0xFFFFFFFF  }
0xa6: {  	s26 =	simm.s32 $execute0_lowered;
	[smem:$0x3FD2] =	sst s25  }
0xa7: {  	s5 =	sshll.u32 s26, $0x1;
	_ =	strace $0x80000046;
	[dreg:$0x1] =	wrdreg $0xFFFFFFFF  }
0xa8: {  	s28 =	simm.s32 $_size_execute0_lowered;
	s4 =	sadd.s32 s4, s5;
	[dreg:$0x0] =	wrdreg $0x0  }
0xa9: {  	s5 =	sshll.u32 s28, $0x1;
	[dreg:$0x2] =	wrdreg s4  }
0xaa: {  	[dreg:$0x3] =	wrdreg s5  }
0xab: {  	[dreg:$0x4] =	wrdreg $0xC0  }
0xac: {  	_ =	task [dreg:s8], $0x5FFFF  }
0xad: {  	[dreg:$0x1] =	wrdreg $0xFFFFFFFF  }
0xae: {  	[dreg:$0x0] =	wrdreg $0x60  }
0xaf: {  	[dreg:$0x2] =	wrdreg s2  }
0xb0: {  	[dreg:$0x3] =	wrdreg s19  }
0xb1: {  	[dreg:$0x4] =	wrdreg $0x9  }
0xb2: {  	_ =	task.clear_ibuf [dreg:s8], $0x5FFFF;
	_ =	strace $0x90000046  }
0xb3: {  	s29 =	simm.s32 $0x9;
	_ =	strace $0x80000048  }
0xb4: {  	_ =	swait.ge [sflag:s29], $0x1  }
0xb5: {  	[sflag:s29] =	ssyncadd.s32 $0xFFFFFFFF  }
0xb6: {  	_ =	strace $0x90000048  }
0xb7: {  	_ =	sfence  }
0xb8: {  	s30 =	sld [smem:$0x0];
	_ =	sdelay $0x2  }
0xb9: {  	s31 =	sshll.u32 s1, $0xD;
	s1 =	sshrl.u32 s1, $0x2  }
0xba: {  	s3 =	sand.u32 $0x4000, s31;
	s1 =	sadd.s32 s1, s30  }
0xbb: {  	s0 =	sor.u32 s3, s0;
	s1 =	sshll.u32 s1, $0x11  }
0xbc: {  	s0 =	sor.u32 s1, s0  }
0xbd: {  	s0 =	sadd.s32 $0x8F2B, s0  }
0xbe: {  	[sflag:s0] =	ssyncadd.remote.s32 $0x1  }
0xbf: {  	_ =	sfence.sel $0xFFFF  }
0xc0: {  	[dreg:$0x0] =	wrdreg $0xFFFFFFFF;
	(pc) =	sbr.abs _section_cstart, $3  }
0xc1: {  	[dreg:$0x1] =	wrdreg $0xFFFFFFFF  }
0xc2: {  	_ =	task.clear_ibuf [dreg:s8], $0x2FFFF;
	_ =	strace $0x9FFFFFFF  }
0xc3: {  	(tm) =	ssettm $0x7FFFFFFF  }
tec
execute0_lowered:
.L_overlay_start_1:
0x0: {  	(tag) =	ssettag $0x1  }
0x1: {  	s3 =	rddreg [dreg:$0x0];
	s1 =	srdreg.scid  }
0x2: {  	s0 =	stileid.u32;
	s9 =	rddreg [dreg:$0x1];
	s14 =	simm.s32 $0x1  }
0x3: {  	s15 =	simm.s32 $0x2;
	s16 =	simm.s32 $0x400;
	s17 =	simm.s32 $0x800  }
0x4: {  	s18 =	simm.s32 $0xC00;
	s19 =	simm.s32 $0x3;
	s20 =	simm.s32 $0x0  }
0x5: {  	s4 =	sand.u32 $0x1, s1;
	s2 =	sshll.u32 s0, $0x1;
	s1 =	rddreg [dreg:$0x2]  }
0x6: {  	s10 =	sshll.u32 s0, $0x7;
	s8 =	sor.u32 s4, s2;
	s2 =	simm.s32 $0x0  }
0x7: {  	s4 =	ssub.s32 $0x2, s4;
	s10 =	sand.u32 $0x600, s10;
	s5 =	sshll.u32 s8, $0xF  }
0x8: {  	[smem:$0x7FF] =	sst s2;
	s6 =	sshrl.u32 s4, $0x1;
	s11 =	sshll.u32 s8, $0x4  }
0x9: {  	s13 =	sadd.s32 s9, s10;
	s3 =	sadd.s32 s3, s5;
	_ =	strace $0x80000047  }
0xa: {  	s12 =	ssub.s32 s4, s6;
	s11 =	sand.u32 $0x70, s11;
	s4 =	sadd.s32 $0x1000, s3  }
0xb: {  	s5 =	sadd.s32 $0x2000, s3;
	s6 =	sadd.s32 $0x3000, s3;
	s7 =	sadd.s32 $0x4000, s3  }
0xc: {  	s8 =	sadd.s32 $0x5000, s3;
	s9 =	sadd.s32 $0x6000, s3;
	s10 =	sadd.s32 $0x7000, s3  }
0xd: {  	s11 =	sadd.s32 s11, s13;
	s12 =	smax.u32 s12, $0x1;
	s13 =	simm.s32 $0x8000  }
.LBB2_1:
0xe: {  	[tilespmem:s2], [sflag:$0x1] =	stream.linear.gather [hbm4b:s3+s2], $0x8000, $0x38;
	[tilespmem:$0x10000] =	vst v63  }
0xf: {  	_ = 	snop  }
0x10: {  	[tilespmem:s13], [sflag:$0x2] =	stream.linear.gather [hbm4b:s4+s2], $0x8000, $0x38;
	[tilespmem:$0x10000] =	vst v63  }
0x11: {  	_ =	swait.ge [sflag:s14], $0x8000  }
0x12: {  	s21 =	sand.u32 $0x7000, s2;
	s22 =	sand.u32 $0x380, s2;
	[sflag:s14] =	ssyncset.done $0x0  }
0x13: {  	s21 =	sor.u32 s22, s21;
	[sflag:s14] =	ssyncadd.s32 $0xFFFF8000  }
0x14: {  	v0 =	vld [tilespmem:s21+$0xC70]  }
0x15: {  	v1 =	vld [tilespmem:s21+$0x0]  }
0x16: {  	v3 =	vld [tilespmem:s21+$0x10]  }
0x17: {  	v4 =	vld [tilespmem:s21+$0x20]  }
0x18: {  	v5 =	vld [tilespmem:s21+$0x30]  }
0x19: {  	v6 =	vld [tilespmem:s21+$0x40]  }
0x1a: {  	v7 =	vld [tilespmem:s21+$0x50]  }
0x1b: {  	v8 =	vld [tilespmem:s21+$0x60]  }
0x1c: {  	v9 =	vld [tilespmem:s21+$0x70]  }
0x1d: {  	v10 =	vld [tilespmem:s21+$0x400]  }
0x1e: {  	v11 =	vld [tilespmem:s21+$0x410]  }
0x1f: {  	v12 =	vld [tilespmem:s21+$0x420]  }
0x20: {  	v13 =	vld [tilespmem:s21+$0x430]  }
0x21: {  	v14 =	vld [tilespmem:s21+$0x440]  }
0x22: {  	v15 =	vld [tilespmem:s21+$0x450]  }
0x23: {  	v23 =	vld [tilespmem:s21+$0x460]  }
0x24: {  	v26 =	vimm.f32 $0.0e+00;
	v24 =	vld [tilespmem:s21+$0x470]  }
0x25: {  	v25 =	vld [tilespmem:s21+$0x820];
	v2 =	vadd.f32 v0, v26  }
0x26: {  	v27 =	vld [tilespmem:s21+$0x830];
	v16 =	vadd.f32 v1, v26;
	v3 =	vadd.f32 v3, v26  }
0x27: {  	v28 =	vld [tilespmem:s21+$0x840];
	v17 =	vadd.f32 v4, v26;
	v4 =	vadd.f32 v5, v26  }
0x28: {  	v30 =	vld [tilespmem:s21+$0x860];
	v18 =	vadd.f32 v6, v26;
	v5 =	vadd.f32 v7, v26  }
0x29: {  	v31 =	vld [tilespmem:s21+$0xC00];
	v19 =	vadd.f32 v8, v26;
	v6 =	vadd.f32 v9, v26  }
0x2a: {  	v0 =	vld [tilespmem:s21+$0x800];
	v20 =	vadd.f32 v10, v26;
	v7 =	vadd.f32 v11, v26  }
0x2b: {  	v1 =	vld [tilespmem:s21+$0x810];
	v21 =	vadd.f32 v12, v26;
	v8 =	vadd.f32 v13, v26  }
0x2c: {  	v29 =	vld [tilespmem:s21+$0x850];
	v22 =	vadd.f32 v14, v26;
	v9 =	vadd.f32 v15, v26  }
0x2d: {  	v15 =	vld [tilespmem:s21+$0x870];
	v23 =	vadd.f32 v23, v26;
	v10 =	vadd.f32 v24, v26  }
0x2e: {  	v33 =	vld [tilespmem:s21+$0xC10];
	v12 =	vadd.f32 v25, v26;
	v13 =	vadd.f32 v28, v26  }
0x2f: {  	v34 =	vld [tilespmem:s21+$0xC20];
	v14 =	vadd.f32 v30, v26;
	v25 =	vadd.f32 v31, v26;
	v28 =	vimm.f32 $0.0e+00  }
0x30: {  	v32 =	vld [tilespmem:s21+$0xC30];
	v31 =	vimm.f32 $0.0e+00;
	v24 =	vadd.f32 v0, v26;
	v11 =	vadd.f32 v1, v26  }
0x31: {  	s23 =	simm.s32 $0x200;
	s22 =	simm.s32 $0x80;
	v35 =	vld [tilespmem:s21+$0xC40];
	v30 =	vimm.f32 $0.0e+00;
	v0 =	vadd.f32 v27, v26;
	v1 =	vadd.f32 v29, v26  }
0x32: {  	s24 =	sand.u32 $0x7000, s23;
	s23 =	simm.s32 $0x400;
	s25 =	sand.u32 $0x380, s22;
	v36 =	vld [tilespmem:s21+$0xC50];
	v15 =	vadd.f32 v15, v26;
	v27 =	vimm.f32 $0.0e+00;
	v29 =	vimm.f32 $0.0e+00  }
.LBB2_2:
0x33: {  	p0 =	sne.s32 s23, $0x7E00;
	v26 =	vadd.f32 v33, v26;
	v33 =	vld [tilespmem:s21+$0xC60];
	s21 =	sor.u32 s25, s24  }
0x34: {  	v37 =	vld [tilespmem:s21+$0xC70];
	v28 =	vadd.f32 v34, v28  }
0x35: {  	v34 =	vld [tilespmem:s21+$0x0];
	v27 =	vadd.f32 v32, v27  }
0x36: {  	v32 =	vld [tilespmem:s21+$0x10];
	v31 =	vadd.f32 v35, v31  }
0x37: {  	v35 =	vld [tilespmem:s21+$0x20];
	v29 =	vadd.f32 v36, v29  }
0x38: {  	v36 =	vld [tilespmem:s21+$0x30];
	v30 =	vadd.f32 v33, v30  }
0x39: {  	v33 =	vld [tilespmem:s21+$0x40];
	v2 =	vadd.f32 v37, v2  }
0x3a: {  	v16 =	vadd.f32 v34, v16;
	v34 =	vld [tilespmem:s21+$0x50]  }
0x3b: {  	v3 =	vadd.f32 v32, v3;
	v32 =	vld [tilespmem:s21+$0x60]  }
0x3c: {  	v17 =	vadd.f32 v35, v17;
	v35 =	vld [tilespmem:s21+$0x70]  }
0x3d: {  	v4 =	vadd.f32 v36, v4;
	v36 =	vld [tilespmem:s21+$0x400]  }
0x3e: {  	v18 =	vadd.f32 v33, v18;
	v33 =	vld [tilespmem:s21+$0x410]  }
0x3f: {  	v5 =	vadd.f32 v34, v5;
	v34 =	vld [tilespmem:s21+$0x420]  }
0x40: {  	v19 =	vadd.f32 v32, v19;
	v32 =	vld [tilespmem:s21+$0x430]  }
0x41: {  	v6 =	vadd.f32 v35, v6;
	v35 =	vld [tilespmem:s21+$0x440]  }
0x42: {  	v20 =	vadd.f32 v36, v20;
	v36 =	vld [tilespmem:s21+$0x450]  }
0x43: {  	v7 =	vadd.f32 v33, v7;
	v33 =	vld [tilespmem:s21+$0x460]  }
0x44: {  	v21 =	vadd.f32 v34, v21;
	v34 =	vld [tilespmem:s21+$0x470]  }
0x45: {  	v8 =	vadd.f32 v32, v8;
	v32 =	vld [tilespmem:s21+$0x800]  }
0x46: {  	v22 =	vadd.f32 v35, v22;
	v35 =	vld [tilespmem:s21+$0x810]  }
0x47: {  	v9 =	vadd.f32 v36, v9;
	v36 =	vld [tilespmem:s21+$0x820]  }
0x48: {  	v23 =	vadd.f32 v33, v23;
	v33 =	vld [tilespmem:s21+$0x830]  }
0x49: {  	v10 =	vadd.f32 v34, v10;
	v34 =	vld [tilespmem:s21+$0x840]  }
0x4a: {  	v24 =	vadd.f32 v32, v24;
	v32 =	vld [tilespmem:s21+$0x850]  }
0x4b: {  	v11 =	vadd.f32 v35, v11;
	v35 =	vld [tilespmem:s21+$0x860]  }
0x4c: {  	v12 =	vadd.f32 v36, v12;
	v36 =	vld [tilespmem:s21+$0x870]  }
0x4d: {  	v0 =	vadd.f32 v33, v0;
	v37 =	vld [tilespmem:s21+$0xC00]  }
.Ltmp0:
0x4e: {  	v13 =	vadd.f32 v34, v13;
	v33 =	vld [tilespmem:s21+$0xC10];
	(pc) =	sbr.rel @p0 .LBB2_2-.Ltmp0, $4  }
0x4f: {  	v1 =	vadd.f32 v32, v1;
	v34 =	vld [tilespmem:s21+$0xC20]  }
0x50: {  	v14 =	vadd.f32 v35, v14;
	v32 =	vld [tilespmem:s21+$0xC30]  }
0x51: {  	s22 =	sadd.s32 $0x80, s22;
	v15 =	vadd.f32 v36, v15;
	v35 =	vld [tilespmem:s21+$0xC40]  }
0x52: {  	s24 =	sand.u32 $0x7000, s23;
	s23 =	sadd.s32 $0x200, s23;
	s25 =	sand.u32 $0x380, s22;
	v25 =	vadd.f32 v37, v25;
	v36 =	vld [tilespmem:s21+$0xC50]  }
0x53: {  	s22 =	sor.u32 s25, s24  }
0x54: {  	v62 =	vld [tilespmem:s22+$0x870];
	_ =	sdelay $0x2  }
0x55: {  	v37 =	vld [tilespmem:s21+$0xC60]  }
0x56: {  	v38 =	vld [tilespmem:s22+$0xC70]  }
0x57: {  	[tilespmem:$0x1FF90] =	vst v62;
	v62 =	vld [tilespmem:s22+$0xC10]  }
0x58: {  	v39 =	vld [tilespmem:s22+$0x0]  }
0x59: {  	v40 =	vld [tilespmem:s22+$0x10]  }
0x5a: {  	v41 =	vld [tilespmem:s22+$0x20]  }
0x5b: {  	v42 =	vld [tilespmem:s22+$0x30]  }
0x5c: {  	[tilespmem:$0x1FFA0] =	vst v62;
	v62 =	vld [tilespmem:s22+$0xC20]  }
0x5d: {  	v43 =	vld [tilespmem:s22+$0x40]  }
0x5e: {  	v44 =	vld [tilespmem:s22+$0x50]  }
0x5f: {  	v45 =	vld [tilespmem:s22+$0x60]  }
0x60: {  	v46 =	vld [tilespmem:s22+$0x70]  }
0x61: {  	[tilespmem:$0x1FFB0] =	vst v62;
	v62 =	vld [tilespmem:s22+$0xC30]  }
0x62: {  	v47 =	vld [tilespmem:s22+$0x400]  }
0x63: {  	v48 =	vld [tilespmem:s22+$0x410]  }
0x64: {  	v49 =	vld [tilespmem:s22+$0x420]  }
0x65: {  	v50 =	vld [tilespmem:s22+$0x430]  }
0x66: {  	[tilespmem:$0x1FFC0] =	vst v62;
	v62 =	vld [tilespmem:s22+$0xC40]  }
0x67: {  	v51 =	vld [tilespmem:s22+$0x440]  }
0x68: {  	v52 =	vld [tilespmem:s22+$0x450]  }
0x69: {  	v53 =	vld [tilespmem:s22+$0x460]  }
0x6a: {  	v54 =	vld [tilespmem:s22+$0x470]  }
0x6b: {  	[tilespmem:$0x1FFD0] =	vst v62;
	v62 =	vld [tilespmem:s22+$0xC50]  }
0x6c: {  	v55 =	vld [tilespmem:s22+$0x800]  }
0x6d: {  	v56 =	vld [tilespmem:s22+$0x810]  }
0x6e: {  	v57 =	vld [tilespmem:s22+$0x820]  }
0x6f: {  	v58 =	vld [tilespmem:s22+$0x830]  }
0x70: {  	[tilespmem:$0x1FFE0] =	vst v62;
	v62 =	vld [tilespmem:s22+$0xC60]  }
0x71: {  	v59 =	vld [tilespmem:s22+$0x840]  }
0x72: {  	v60 =	vld [tilespmem:s22+$0x850]  }
0x73: {  	s30 =	simm.s32 $0x0;
	v61 =	vld [tilespmem:s22+$0x860]  }
0x74: {  	v63 =	vld [tilespmem:s22+$0xC00];
	[tilespmem:s30], [sflag:$0x1] =	stream.linear.gather [hbm4b:s5+s30], $0x8000, $0x38  }
0x75: {  	v22 =	vadd.f32 v51, v22;
	v23 =	vadd.f32 v53, v23;
	[tilespmem:$0x1FFF0] =	vst v62  }
0x76: {  	v51 =	vadd.f32 v54, v10;
	v53 =	vadd.f32 v56, v11;
	_ =	swait.ge [sflag:s15], $0x8000  }
0x77: {  	v54 =	vadd.f32 v57, v12;
	v56 =	vadd.f32 v58, v0;
	v0 =	vld [tilespmem:$0x1FF90]  }
0x78: {  	v57 =	vadd.f32 v59, v13;
	v59 =	vadd.f32 v60, v1;
	v1 =	vld [tilespmem:$0x1FFD0]  }
0x79: {  	s31 =	sand.u32 $0x7000, s30;
	s21 =	sand.u32 $0x380, s30;
	v31 =	vadd.f32 v35, v31;
	v35 =	vadd.f32 v38, v2;
	[sflag:s15] =	ssyncset.done $0x0;
	v2 =	vld [tilespmem:$0x1FFE0]  }
0x7a: {  	s21 =	sor.u32 s21, s31;
	v30 =	vadd.f32 v37, v30;
	v37 =	vadd.f32 v40, v3;
	v3 =	vld [tilespmem:$0x1FFF0];
	[sflag:s15] =	ssyncadd.s32 $0xFFFF8000  }
0x7b: {  	v26 =	vadd.f32 v33, v26;
	v33 =	vld [tilespmem:s21+$0x8C70]  }
0x7c: {  	v28 =	vadd.f32 v34, v28;
	v34 =	vld [tilespmem:s21+$0x8000]  }
0x7d: {  	v29 =	vadd.f32 v36, v29;
	v36 =	vld [tilespmem:s21+$0x8010]  }
0x7e: {  	v38 =	vld [tilespmem:s21+$0x8020]  }
0x7f: {  	v40 =	vld [tilespmem:s21+$0x8030]  }
0x80: {  	v16 =	vadd.f32 v39, v16;
	v39 =	vadd.f32 v42, v4;
	v42 =	vld [tilespmem:s21+$0x8040]  }
0x81: {  	v17 =	vadd.f32 v41, v17;
	v41 =	vadd.f32 v44, v5;
	v44 =	vld [tilespmem:s21+$0x8050]  }
0x82: {  	v18 =	vadd.f32 v43, v18;
	v43 =	vadd.f32 v46, v6;
	v46 =	vld [tilespmem:s21+$0x8060]  }
0x83: {  	v19 =	vadd.f32 v45, v19;
	v45 =	vadd.f32 v48, v7;
	v48 =	vld [tilespmem:s21+$0x8070]  }
0x84: {  	v20 =	vadd.f32 v47, v20;
	v47 =	vadd.f32 v50, v8;
	v50 =	vld [tilespmem:s21+$0x8400]  }
0x85: {  	v21 =	vadd.f32 v49, v21;
	v49 =	vadd.f32 v52, v9;
	v52 =	vld [tilespmem:s21+$0x8410]  }
0x86: {  	v24 =	vadd.f32 v55, v24;
	v55 =	vld [tilespmem:s21+$0x8420]  }
0x87: {  	v58 =	vld [tilespmem:s21+$0x8430]  }
0x88: {  	v60 =	vadd.f32 v61, v14;
	v61 =	vld [tilespmem:s21+$0x8440]  }
0x89: {  	v62 =	vadd.f32 v0, v15;
	v0 =	vld [tilespmem:$0x1FFA0]  }
0x8a: {  	v63 =	vadd.f32 v63, v25;
	v25 =	vld [tilespmem:s21+$0x8450]  }
0x8b: {  	v1 =	vadd.f32 v1, v31;
	v31 =	vld [tilespmem:s21+$0x8470]  }
0x8c: {  	v2 =	vadd.f32 v2, v29;
	v29 =	vld [tilespmem:s21+$0x8800]  }
0x8d: {  	v3 =	vadd.f32 v3, v30;
	v30 =	vld [tilespmem:s21+$0x8810]  }
0x8e: {  	v32 =	vadd.f32 v32, v27;
	v27 =	vadd.f32 v0, v26;
	v0 =	vld [tilespmem:$0x1FFB0]  }
0x8f: {  	v4 =	vadd.f32 v33, v35;
	v5 =	vadd.f32 v34, v16;
	v33 =	vld [tilespmem:s21+$0x8820]  }
0x90: {  	v6 =	vadd.f32 v36, v37;
	v9 =	vadd.f32 v42, v18;
	v42 =	vld [tilespmem:s21+$0x8830]  }
0x91: {  	v7 =	vadd.f32 v38, v17;
	v11 =	vadd.f32 v46, v19;
	v46 =	vld [tilespmem:s21+$0x8840]  }
0x92: {  	v8 =	vadd.f32 v40, v39;
	v13 =	vadd.f32 v50, v20;
	v50 =	vld [tilespmem:s21+$0x8850]  }
0x93: {  	v10 =	vadd.f32 v44, v41;
	v28 =	vadd.f32 v0, v28;
	v0 =	vld [tilespmem:$0x1FFC0]  }
0x94: {  	v12 =	vadd.f32 v48, v43;
	v14 =	vadd.f32 v52, v45;
	v26 =	vld [tilespmem:s21+$0x8460]  }
0x95: {  	v15 =	vadd.f32 v55, v21;
	v55 =	vld [tilespmem:s21+$0x8860];
	v16 =	vadd.f32 v58, v47  }
0x96: {  	v17 =	vadd.f32 v61, v22;
	v58 =	vld [tilespmem:s21+$0x8870];
	v18 =	vadd.f32 v25, v49  }
0x97: {  	v61 =	vld [tilespmem:s21+$0x8C00];
	v20 =	vadd.f32 v31, v51;
	v21 =	vadd.f32 v29, v24  }
0x98: {  	v22 =	vadd.f32 v30, v53;
	v0 =	vadd.f32 v0, v32;
	v32 =	vld [tilespmem:s21+$0x8C10]  }
0x99: {  	v19 =	vadd.f32 v26, v23;
	v23 =	vadd.f32 v33, v54;
	v33 =	vld [tilespmem:s21+$0x8C20]  }
0x9a: {  	v34 =	vld [tilespmem:s21+$0x8C30];
	v24 =	vadd.f32 v42, v56;
	v25 =	vadd.f32 v46, v57  }
0x9b: {  	s23 =	simm.s32 $0x200;
	s22 =	simm.s32 $0x80;
	v35 =	vld [tilespmem:s21+$0x8C40];
	v29 =	vadd.f32 v55, v60;
	v30 =	vadd.f32 v58, v62  }
0x9c: {  	s24 =	sand.u32 $0x7000, s23;
	s23 =	simm.s32 $0x400;
	s25 =	sand.u32 $0x380, s22;
	v36 =	vld [tilespmem:s21+$0x8C50];
	v31 =	vadd.f32 v61, v63;
	v26 =	vadd.f32 v50, v59  }
.LBB2_4:
0x9d: {  	p0 =	sne.s32 s23, $0x7E00;
	v27 =	vadd.f32 v32, v27;
	v32 =	vld [tilespmem:s21+$0x8C60];
	s21 =	sor.u32 s25, s24  }
0x9e: {  	v37 =	vld [tilespmem:s21+$0x8C70];
	v28 =	vadd.f32 v33, v28  }
0x9f: {  	v33 =	vld [tilespmem:s21+$0x8000];
	v0 =	vadd.f32 v34, v0  }
0xa0: {  	v34 =	vld [tilespmem:s21+$0x8010];
	v1 =	vadd.f32 v35, v1  }
0xa1: {  	v35 =	vld [tilespmem:s21+$0x8020];
	v2 =	vadd.f32 v36, v2  }
0xa2: {  	v36 =	vld [tilespmem:s21+$0x8030];
	v3 =	vadd.f32 v32, v3  }
0xa3: {  	v32 =	vld [tilespmem:s21+$0x8040];
	v4 =	vadd.f32 v37, v4  }
0xa4: {  	v5 =	vadd.f32 v33, v5;
	v33 =	vld [tilespmem:s21+$0x8050]  }
0xa5: {  	v6 =	vadd.f32 v34, v6;
	v34 =	vld [tilespmem:s21+$0x8060]  }
0xa6: {  	v7 =	vadd.f32 v35, v7;
	v35 =	vld [tilespmem:s21+$0x8070]  }
0xa7: {  	v8 =	vadd.f32 v36, v8;
	v36 =	vld [tilespmem:s21+$0x8400]  }
0xa8: {  	v9 =	vadd.f32 v32, v9;
	v32 =	vld [tilespmem:s21+$0x8410]  }
0xa9: {  	v10 =	vadd.f32 v33, v10;
	v33 =	vld [tilespmem:s21+$0x8420]  }
0xaa: {  	v11 =	vadd.f32 v34, v11;
	v34 =	vld [tilespmem:s21+$0x8430]  }
0xab: {  	v12 =	vadd.f32 v35, v12;
	v35 =	vld [tilespmem:s21+$0x8440]  }
0xac: {  	v13 =	vadd.f32 v36, v13;
	v36 =	vld [tilespmem:s21+$0x8450]  }
0xad: {  	v14 =	vadd.f32 v32, v14;
	v32 =	vld [tilespmem:s21+$0x8460]  }
0xae: {  	v15 =	vadd.f32 v33, v15;
	v33 =	vld [tilespmem:s21+$0x8470]  }
0xaf: {  	v16 =	vadd.f32 v34, v16;
	v34 =	vld [tilespmem:s21+$0x8800]  }
0xb0: {  	v17 =	vadd.f32 v35, v17;
	v35 =	vld [tilespmem:s21+$0x8810]  }
0xb1: {  	v18 =	vadd.f32 v36, v18;
	v36 =	vld [tilespmem:s21+$0x8820]  }
0xb2: {  	v19 =	vadd.f32 v32, v19;
	v32 =	vld [tilespmem:s21+$0x8830]  }
0xb3: {  	v20 =	vadd.f32 v33, v20;
	v33 =	vld [tilespmem:s21+$0x8840]  }
0xb4: {  	v21 =	vadd.f32 v34, v21;
	v34 =	vld [tilespmem:s21+$0x8850]  }
0xb5: {  	v22 =	vadd.f32 v35, v22;
	v35 =	vld [tilespmem:s21+$0x8860]  }
0xb6: {  	v23 =	vadd.f32 v36, v23;
	v36 =	vld [tilespmem:s21+$0x8870]  }
0xb7: {  	v24 =	vadd.f32 v32, v24;
	v37 =	vld [tilespmem:s21+$0x8C00]  }
.Ltmp1:
0xb8: {  	v25 =	vadd.f32 v33, v25;
	v32 =	vld [tilespmem:s21+$0x8C10];
	(pc) =	sbr.rel @p0 .LBB2_4-.Ltmp1, $4  }
0xb9: {  	v26 =	vadd.f32 v34, v26;
	v33 =	vld [tilespmem:s21+$0x8C20]  }
0xba: {  	v29 =	vadd.f32 v35, v29;
	v34 =	vld [tilespmem:s21+$0x8C30]  }
0xbb: {  	s22 =	sadd.s32 $0x80, s22;
	v30 =	vadd.f32 v36, v30;
	v35 =	vld [tilespmem:s21+$0x8C40]  }
0xbc: {  	s24 =	sand.u32 $0x7000, s23;
	s23 =	sadd.s32 $0x200, s23;
	s25 =	sand.u32 $0x380, s22;
	v31 =	vadd.f32 v37, v31;
	v36 =	vld [tilespmem:s21+$0x8C50]  }
0xbd: {  	s22 =	sor.u32 s25, s24;
	v37 =	vld [tilespmem:s21+$0x8C60]  }
0xbe: {  	v38 =	vld [tilespmem:s22+$0x8C70]  }
0xbf: {  	v62 =	vld [tilespmem:s22+$0x8870]  }
0xc0: {  	v39 =	vld [tilespmem:s22+$0x8000]  }
0xc1: {  	v40 =	vld [tilespmem:s22+$0x8010]  }
0xc2: {  	v41 =	vld [tilespmem:s22+$0x8020]  }
0xc3: {  	v42 =	vld [tilespmem:s22+$0x8030]  }
0xc4: {  	[tilespmem:$0x1FF30] =	vst v62;
	v62 =	vld [tilespmem:s22+$0x8C10]  }
0xc5: {  	v43 =	vld [tilespmem:s22+$0x8040]  }
0xc6: {  	v44 =	vld [tilespmem:s22+$0x8050]  }
0xc7: {  	v45 =	vld [tilespmem:s22+$0x8060]  }
0xc8: {  	v46 =	vld [tilespmem:s22+$0x8070]  }
0xc9: {  	[tilespmem:$0x1FF40] =	vst v62;
	v62 =	vld [tilespmem:s22+$0x8C20]  }
0xca: {  	v47 =	vld [tilespmem:s22+$0x8400]  }
0xcb: {  	v48 =	vld [tilespmem:s22+$0x8410]  }
0xcc: {  	v49 =	vld [tilespmem:s22+$0x8420]  }
0xcd: {  	v50 =	vld [tilespmem:s22+$0x8430]  }
0xce: {  	[tilespmem:$0x1FF50] =	vst v62;
	v62 =	vld [tilespmem:s22+$0x8C30]  }
0xcf: {  	v51 =	vld [tilespmem:s22+$0x8440]  }
0xd0: {  	v52 =	vld [tilespmem:s22+$0x8450]  }
0xd1: {  	v53 =	vld [tilespmem:s22+$0x8460]  }
0xd2: {  	v54 =	vld [tilespmem:s22+$0x8470]  }
0xd3: {  	[tilespmem:$0x1FF60] =	vst v62;
	v62 =	vld [tilespmem:s22+$0x8C40]  }
0xd4: {  	v55 =	vld [tilespmem:s22+$0x8800]  }
0xd5: {  	v56 =	vld [tilespmem:s22+$0x8810]  }
0xd6: {  	v57 =	vld [tilespmem:s22+$0x8820]  }
0xd7: {  	v58 =	vld [tilespmem:s22+$0x8830]  }
0xd8: {  	[tilespmem:$0x1FF70] =	vst v62;
	v62 =	vld [tilespmem:s22+$0x8C50]  }
0xd9: {  	v59 =	vld [tilespmem:s22+$0x8840]  }
0xda: {  	v60 =	vld [tilespmem:s22+$0x8850]  }
0xdb: {  	v61 =	vld [tilespmem:s22+$0x8860]  }
0xdc: {  	s30 =	simm.s32 $0x0;
	v63 =	vld [tilespmem:s22+$0x8C00]  }
0xdd: {  	[tilespmem:$0x1FF80] =	vst v62;
	v62 =	vld [tilespmem:s22+$0x8C60];
	[tilespmem:s13], [sflag:$0x2] =	stream.linear.gather [hbm4b:s6+s30], $0x8000, $0x38  }
0xde: {  	_ =	swait.ge [sflag:s14], $0x8000  }
0xdf: {  	v25 =	vadd.f32 v59, v25;
	v59 =	vld [tilespmem:$0x1FF30]  }
0xe0: {  	v26 =	vadd.f32 v60, v26;
	v60 =	vld [tilespmem:$0x1FF40]  }
0xe1: {  	v29 =	vadd.f32 v61, v29;
	v61 =	vld [tilespmem:$0x1FF50]  }
0xe2: {  	v31 =	vadd.f32 v63, v31;
	v63 =	vld [tilespmem:$0x1FF60]  }
0xe3: {  	s31 =	sand.u32 $0x7000, s30;
	s21 =	sand.u32 $0x380, s30;
	v18 =	vadd.f32 v52, v18;
	[sflag:s14] =	ssyncset.done $0x0;
	v52 =	vld [tilespmem:$0x1FF70]  }
0xe4: {  	s21 =	sor.u32 s21, s31;
	v20 =	vadd.f32 v54, v20;
	v54 =	vld [tilespmem:$0x1FF80];
	[sflag:s14] =	ssyncadd.s32 $0xFFFF8000  }
0xe5: {  	v27 =	vadd.f32 v32, v27;
	v32 =	vld [tilespmem:s21+$0xC70]  }
0xe6: {  	v28 =	vadd.f32 v33, v28;
	v33 =	vld [tilespmem:s21+$0x0]  }
0xe7: {  	v0 =	vadd.f32 v34, v0;
	v34 =	vld [tilespmem:s21+$0x10]  }
0xe8: {  	v1 =	vadd.f32 v35, v1;
	v35 =	vld [tilespmem:s21+$0x20]  }
0xe9: {  	v2 =	vadd.f32 v36, v2;
	v3 =	vadd.f32 v37, v3;
	v36 =	vld [tilespmem:s21+$0x30]  }
0xea: {  	v4 =	vadd.f32 v38, v4;
	v5 =	vadd.f32 v39, v5;
	v37 =	vld [tilespmem:s21+$0x40]  }
0xeb: {  	v6 =	vadd.f32 v40, v6;
	v7 =	vadd.f32 v41, v7;
	v38 =	vld [tilespmem:s21+$0x50]  }
0xec: {  	v8 =	vadd.f32 v42, v8;
	v9 =	vadd.f32 v43, v9;
	v39 =	vld [tilespmem:s21+$0x60]  }
0xed: {  	v10 =	vadd.f32 v44, v10;
	v11 =	vadd.f32 v45, v11;
	v40 =	vld [tilespmem:s21+$0x70]  }
0xee: {  	v12 =	vadd.f32 v46, v12;
	v13 =	vadd.f32 v47, v13;
	v41 =	vld [tilespmem:s21+$0x400]  }
0xef: {  	v14 =	vadd.f32 v48, v14;
	v15 =	vadd.f32 v49, v15;
	v42 =	vld [tilespmem:s21+$0x410]  }
0xf0: {  	v16 =	vadd.f32 v50, v16;
	v17 =	vadd.f32 v51, v17;
	v43 =	vld [tilespmem:s21+$0x420]  }
0xf1: {  	v19 =	vadd.f32 v53, v19;
	v21 =	vadd.f32 v55, v21;
	v44 =	vld [tilespmem:s21+$0x430]  }
0xf2: {  	v22 =	vadd.f32 v56, v22;
	v23 =	vadd.f32 v57, v23;
	v45 =	vld [tilespmem:s21+$0x440]  }
0xf3: {  	v24 =	vadd.f32 v58, v24;
	v46 =	vld [tilespmem:s21+$0x450];
	v3 =	vadd.f32 v62, v3  }
0xf4: {  	v47 =	vld [tilespmem:s21+$0x460];
	v30 =	vadd.f32 v59, v30;
	v27 =	vadd.f32 v60, v27  }
0xf5: {  	v53 =	vld [tilespmem:s21+$0x470];
	v28 =	vadd.f32 v61, v28;
	v0 =	vadd.f32 v63, v0  }
0xf6: {  	v55 =	vld [tilespmem:s21+$0x800];
	v1 =	vadd.f32 v52, v1;
	v2 =	vadd.f32 v54, v2  }
0xf7: {  	v56 =	vld [tilespmem:s21+$0x810];
	v4 =	vadd.f32 v32, v4;
	v5 =	vadd.f32 v33, v5  }
0xf8: {  	v57 =	vld [tilespmem:s21+$0x820];
	v6 =	vadd.f32 v34, v6;
	v7 =	vadd.f32 v35, v7  }
0xf9: {  	v58 =	vld [tilespmem:s21+$0x830];
	v8 =	vadd.f32 v36, v8;
	v9 =	vadd.f32 v37, v9  }
0xfa: {  	v62 =	vld [tilespmem:s21+$0x870];
	v10 =	vadd.f32 v38, v10;
	v11 =	vadd.f32 v39, v11  }
0xfb: {  	v59 =	vld [tilespmem:s21+$0x840];
	v12 =	vadd.f32 v40, v12;
	v13 =	vadd.f32 v41, v13  }
0xfc: {  	v60 =	vld [tilespmem:s21+$0x850];
	v14 =	vadd.f32 v42, v14;
	v15 =	vadd.f32 v43, v15  }
0xfd: {  	v61 =	vld [tilespmem:s21+$0x860];
	v16 =	vadd.f32 v44, v16;
	v17 =	vadd.f32 v45, v17  }
0xfe: {  	v63 =	vld [tilespmem:s21+$0xC00];
	v18 =	vadd.f32 v46, v18;
	v19 =	vadd.f32 v47, v19  }
0xff: {  	v20 =	vadd.f32 v53, v20;
	v21 =	vadd.f32 v55, v21;
	v32 =	vld [tilespmem:s21+$0xC10]  }
0x100: {  	v22 =	vadd.f32 v56, v22;
	v23 =	vadd.f32 v57, v23;
	v33 =	vld [tilespmem:s21+$0xC20]  }
0x101: {  	v24 =	vadd.f32 v58, v24;
	v34 =	vld [tilespmem:s21+$0xC30];
	v30 =	vadd.f32 v62, v30  }
0x102: {  	s23 =	simm.s32 $0x200;
	s22 =	simm.s32 $0x80;
	v35 =	vld [tilespmem:s21+$0xC40];
	v25 =	vadd.f32 v59, v25;
	v26 =	vadd.f32 v60, v26  }
0x103: {  	s24 =	sand.u32 $0x7000, s23;
	s23 =	simm.s32 $0x400;
	s25 =	sand.u32 $0x380, s22;
	v36 =	vld [tilespmem:s21+$0xC50];
	v29 =	vadd.f32 v61, v29;
	v31 =	vadd.f32 v63, v31  }
.LBB2_6:
0x104: {  	p0 =	sne.s32 s23, $0x7E00;
	v27 =	vadd.f32 v32, v27;
	v32 =	vld [tilespmem:s21+$0xC60];
	s21 =	sor.u32 s25, s24  }
0x105: {  	v37 =	vld [tilespmem:s21+$0xC70];
	v28 =	vadd.f32 v33, v28  }
0x106: {  	v33 =	vld [tilespmem:s21+$0x0];
	v0 =	vadd.f32 v34, v0  }
0x107: {  	v34 =	vld [tilespmem:s21+$0x10];
	v1 =	vadd.f32 v35, v1  }
0x108: {  	v35 =	vld [tilespmem:s21+$0x20];
	v2 =	vadd.f32 v36, v2  }
0x109: {  	v36 =	vld [tilespmem:s21+$0x30];
	v3 =	vadd.f32 v32, v3  }
0x10a: {  	v32 =	vld [tilespmem:s21+$0x40];
	v4 =	vadd.f32 v37, v4  }
0x10b: {  	v5 =	vadd.f32 v33, v5;
	v33 =	vld [tilespmem:s21+$0x50]  }
0x10c: {  	v6 =	vadd.f32 v34, v6;
	v34 =	vld [tilespmem:s21+$0x60]  }
0x10d: {  	v7 =	vadd.f32 v35, v7;
	v35 =	vld [tilespmem:s21+$0x70]  }
0x10e: {  	v8 =	vadd.f32 v36, v8;
	v36 =	vld [tilespmem:s21+$0x400]  }
0x10f: {  	v9 =	vadd.f32 v32, v9;
	v32 =	vld [tilespmem:s21+$0x410]  }
0x110: {  	v10 =	vadd.f32 v33, v10;
	v33 =	vld [tilespmem:s21+$0x420]  }
0x111: {  	v11 =	vadd.f32 v34, v11;
	v34 =	vld [tilespmem:s21+$0x430]  }
0x112: {  	v12 =	vadd.f32 v35, v12;
	v35 =	vld [tilespmem:s21+$0x440]  }
0x113: {  	v13 =	vadd.f32 v36, v13;
	v36 =	vld [tilespmem:s21+$0x450]  }
0x114: {  	v14 =	vadd.f32 v32, v14;
	v32 =	vld [tilespmem:s21+$0x460]  }
0x115: {  	v15 =	vadd.f32 v33, v15;
	v33 =	vld [tilespmem:s21+$0x470]  }
0x116: {  	v16 =	vadd.f32 v34, v16;
	v34 =	vld [tilespmem:s21+$0x800]  }
0x117: {  	v17 =	vadd.f32 v35, v17;
	v35 =	vld [tilespmem:s21+$0x810]  }
0x118: {  	v18 =	vadd.f32 v36, v18;
	v36 =	vld [tilespmem:s21+$0x820]  }
0x119: {  	v19 =	vadd.f32 v32, v19;
	v32 =	vld [tilespmem:s21+$0x830]  }
0x11a: {  	v20 =	vadd.f32 v33, v20;
	v33 =	vld [tilespmem:s21+$0x840]  }
0x11b: {  	v21 =	vadd.f32 v34, v21;
	v34 =	vld [tilespmem:s21+$0x850]  }
0x11c: {  	v22 =	vadd.f32 v35, v22;
	v35 =	vld [tilespmem:s21+$0x860]  }
0x11d: {  	v23 =	vadd.f32 v36, v23;
	v36 =	vld [tilespmem:s21+$0x870]  }
0x11e: {  	v24 =	vadd.f32 v32, v24;
	v37 =	vld [tilespmem:s21+$0xC00]  }
.Ltmp2:
0x11f: {  	v25 =	vadd.f32 v33, v25;
	v32 =	vld [tilespmem:s21+$0xC10];
	(pc) =	sbr.rel @p0 .LBB2_6-.Ltmp2, $4  }
0x120: {  	v26 =	vadd.f32 v34, v26;
	v33 =	vld [tilespmem:s21+$0xC20]  }
0x121: {  	v29 =	vadd.f32 v35, v29;
	v34 =	vld [tilespmem:s21+$0xC30]  }
0x122: {  	s22 =	sadd.s32 $0x80, s22;
	v30 =	vadd.f32 v36, v30;
	v35 =	vld [tilespmem:s21+$0xC40]  }
0x123: {  	s24 =	sand.u32 $0x7000, s23;
	s23 =	sadd.s32 $0x200, s23;
	s25 =	sand.u32 $0x380, s22;
	v31 =	vadd.f32 v37, v31;
	v36 =	vld [tilespmem:s21+$0xC50]  }
0x124: {  	s22 =	sor.u32 s25, s24;
	v37 =	vld [tilespmem:s21+$0xC60]  }
0x125: {  	v38 =	vld [tilespmem:s22+$0xC70]  }
0x126: {  	v62 =	vld [tilespmem:s22+$0x870]  }
0x127: {  	v39 =	vld [tilespmem:s22+$0x0]  }
0x128: {  	v40 =	vld [tilespmem:s22+$0x10]  }
0x129: {  	v41 =	vld [tilespmem:s22+$0x20]  }
0x12a: {  	v42 =	vld [tilespmem:s22+$0x30]  }
0x12b: {  	[tilespmem:$0x1FED0] =	vst v62;
	v62 =	vld [tilespmem:s22+$0xC10]  }
0x12c: {  	v43 =	vld [tilespmem:s22+$0x40]  }
0x12d: {  	v44 =	vld [tilespmem:s22+$0x50]  }
0x12e: {  	v45 =	vld [tilespmem:s22+$0x60]  }
0x12f: {  	v46 =	vld [tilespmem:s22+$0x70]  }
0x130: {  	[tilespmem:$0x1FEE0] =	vst v62;
	v62 =	vld [tilespmem:s22+$0xC20]  }
0x131: {  	v47 =	vld [tilespmem:s22+$0x400]  }
0x132: {  	v48 =	vld [tilespmem:s22+$0x410]  }
0x133: {  	v49 =	vld [tilespmem:s22+$0x420]  }
0x134: {  	v50 =	vld [tilespmem:s22+$0x430]  }
0x135: {  	[tilespmem:$0x1FEF0] =	vst v62;
	v62 =	vld [tilespmem:s22+$0xC30]  }
0x136: {  	v51 =	vld [tilespmem:s22+$0x440]  }
0x137: {  	v52 =	vld [tilespmem:s22+$0x450]  }
0x138: {  	v53 =	vld [tilespmem:s22+$0x460]  }
0x139: {  	v54 =	vld [tilespmem:s22+$0x470]  }
0x13a: {  	[tilespmem:$0x1FF00] =	vst v62;
	v62 =	vld [tilespmem:s22+$0xC40]  }
0x13b: {  	v55 =	vld [tilespmem:s22+$0x800]  }
0x13c: {  	v56 =	vld [tilespmem:s22+$0x810]  }
0x13d: {  	v57 =	vld [tilespmem:s22+$0x820]  }
0x13e: {  	v58 =	vld [tilespmem:s22+$0x830]  }
0x13f: {  	[tilespmem:$0x1FF10] =	vst v62;
	v62 =	vld [tilespmem:s22+$0xC50]  }
0x140: {  	v59 =	vld [tilespmem:s22+$0x840]  }
0x141: {  	v60 =	vld [tilespmem:s22+$0x850]  }
0x142: {  	v61 =	vld [tilespmem:s22+$0x860]  }
0x143: {  	s30 =	simm.s32 $0x0;
	v63 =	vld [tilespmem:s22+$0xC00]  }
0x144: {  	[tilespmem:$0x1FF20] =	vst v62;
	v62 =	vld [tilespmem:s22+$0xC60];
	[tilespmem:s30], [sflag:$0x1] =	stream.linear.gather [hbm4b:s7+s30], $0x8000, $0x38  }
0x145: {  	_ =	swait.ge [sflag:s15], $0x8000  }
0x146: {  	v25 =	vadd.f32 v59, v25;
	v59 =	vld [tilespmem:$0x1FED0]  }
0x147: {  	v26 =	vadd.f32 v60, v26;
	v60 =	vld [tilespmem:$0x1FEE0]  }
0x148: {  	v29 =	vadd.f32 v61, v29;
	v61 =	vld [tilespmem:$0x1FEF0]  }
0x149: {  	v31 =	vadd.f32 v63, v31;
	v63 =	vld [tilespmem:$0x1FF00]  }
0x14a: {  	s31 =	sand.u32 $0x7000, s30;
	s21 =	sand.u32 $0x380, s30;
	v18 =	vadd.f32 v52, v18;
	[sflag:s15] =	ssyncset.done $0x0;
	v52 =	vld [tilespmem:$0x1FF10]  }
0x14b: {  	s21 =	sor.u32 s21, s31;
	v20 =	vadd.f32 v54, v20;
	v54 =	vld [tilespmem:$0x1FF20];
	[sflag:s15] =	ssyncadd.s32 $0xFFFF8000  }
0x14c: {  	v27 =	vadd.f32 v32, v27;
	v32 =	vld [tilespmem:s21+$0x8C70]  }
0x14d: {  	v28 =	vadd.f32 v33, v28;
	v33 =	vld [tilespmem:s21+$0x8000]  }
0x14e: {  	v0 =	vadd.f32 v34, v0;
	v34 =	vld [tilespmem:s21+$0x8010]  }
0x14f: {  	v1 =	vadd.f32 v35, v1;
	v35 =	vld [tilespmem:s21+$0x8020]  }
0x150: {  	v2 =	vadd.f32 v36, v2;
	v3 =	vadd.f32 v37, v3;
	v36 =	vld [tilespmem:s21+$0x8030]  }
0x151: {  	v4 =	vadd.f32 v38, v4;
	v5 =	vadd.f32 v39, v5;
	v37 =	vld [tilespmem:s21+$0x8040]  }
0x152: {  	v6 =	vadd.f32 v40, v6;
	v7 =	vadd.f32 v41, v7;
	v38 =	vld [tilespmem:s21+$0x8050]  }
0x153: {  	v8 =	vadd.f32 v42, v8;
	v9 =	vadd.f32 v43, v9;
	v39 =	vld [tilespmem:s21+$0x8060]  }
0x154: {  	v10 =	vadd.f32 v44, v10;
	v11 =	vadd.f32 v45, v11;
	v40 =	vld [tilespmem:s21+$0x8070]  }
0x155: {  	v12 =	vadd.f32 v46, v12;
	v13 =	vadd.f32 v47, v13;
	v41 =	vld [tilespmem:s21+$0x8400]  }
0x156: {  	v14 =	vadd.f32 v48, v14;
	v15 =	vadd.f32 v49, v15;
	v42 =	vld [tilespmem:s21+$0x8410]  }
0x157: {  	v16 =	vadd.f32 v50, v16;
	v17 =	vadd.f32 v51, v17;
	v43 =	vld [tilespmem:s21+$0x8420]  }
0x158: {  	v19 =	vadd.f32 v53, v19;
	v21 =	vadd.f32 v55, v21;
	v44 =	vld [tilespmem:s21+$0x8430]  }
0x159: {  	v22 =	vadd.f32 v56, v22;
	v23 =	vadd.f32 v57, v23;
	v45 =	vld [tilespmem:s21+$0x8440]  }
0x15a: {  	v24 =	vadd.f32 v58, v24;
	v46 =	vld [tilespmem:s21+$0x8450];
	v3 =	vadd.f32 v62, v3  }
0x15b: {  	v47 =	vld [tilespmem:s21+$0x8460];
	v30 =	vadd.f32 v59, v30;
	v27 =	vadd.f32 v60, v27  }
0x15c: {  	v53 =	vld [tilespmem:s21+$0x8470];
	v28 =	vadd.f32 v61, v28;
	v0 =	vadd.f32 v63, v0  }
0x15d: {  	v55 =	vld [tilespmem:s21+$0x8800];
	v1 =	vadd.f32 v52, v1;
	v2 =	vadd.f32 v54, v2  }
0x15e: {  	v56 =	vld [tilespmem:s21+$0x8810];
	v4 =	vadd.f32 v32, v4;
	v5 =	vadd.f32 v33, v5  }
0x15f: {  	v57 =	vld [tilespmem:s21+$0x8820];
	v6 =	vadd.f32 v34, v6;
	v7 =	vadd.f32 v35, v7  }
0x160: {  	v58 =	vld [tilespmem:s21+$0x8830];
	v8 =	vadd.f32 v36, v8;
	v9 =	vadd.f32 v37, v9  }
0x161: {  	v62 =	vld [tilespmem:s21+$0x8870];
	v10 =	vadd.f32 v38, v10;
	v11 =	vadd.f32 v39, v11  }
0x162: {  	v59 =	vld [tilespmem:s21+$0x8840];
	v12 =	vadd.f32 v40, v12;
	v13 =	vadd.f32 v41, v13  }
0x163: {  	v60 =	vld [tilespmem:s21+$0x8850];
	v14 =	vadd.f32 v42, v14;
	v15 =	vadd.f32 v43, v15  }
0x164: {  	v61 =	vld [tilespmem:s21+$0x8860];
	v16 =	vadd.f32 v44, v16;
	v17 =	vadd.f32 v45, v17  }
0x165: {  	v63 =	vld [tilespmem:s21+$0x8C00];
	v18 =	vadd.f32 v46, v18;
	v19 =	vadd.f32 v47, v19  }
0x166: {  	v20 =	vadd.f32 v53, v20;
	v21 =	vadd.f32 v55, v21;
	v32 =	vld [tilespmem:s21+$0x8C10]  }
0x167: {  	v22 =	vadd.f32 v56, v22;
	v23 =	vadd.f32 v57, v23;
	v33 =	vld [tilespmem:s21+$0x8C20]  }
0x168: {  	v24 =	vadd.f32 v58, v24;
	v34 =	vld [tilespmem:s21+$0x8C30];
	v30 =	vadd.f32 v62, v30  }
0x169: {  	s23 =	simm.s32 $0x200;
	s22 =	simm.s32 $0x80;
	v35 =	vld [tilespmem:s21+$0x8C40];
	v25 =	vadd.f32 v59, v25;
	v26 =	vadd.f32 v60, v26  }
0x16a: {  	s24 =	sand.u32 $0x7000, s23;
	s23 =	simm.s32 $0x400;
	s25 =	sand.u32 $0x380, s22;
	v36 =	vld [tilespmem:s21+$0x8C50];
	v29 =	vadd.f32 v61, v29;
	v31 =	vadd.f32 v63, v31  }
.LBB2_8:
0x16b: {  	p0 =	sne.s32 s23, $0x7E00;
	v27 =	vadd.f32 v32, v27;
	v32 =	vld [tilespmem:s21+$0x8C60];
	s21 =	sor.u32 s25, s24  }
0x16c: {  	v37 =	vld [tilespmem:s21+$0x8C70];
	v28 =	vadd.f32 v33, v28  }
0x16d: {  	v33 =	vld [tilespmem:s21+$0x8000];
	v0 =	vadd.f32 v34, v0  }
0x16e: {  	v34 =	vld [tilespmem:s21+$0x8010];
	v1 =	vadd.f32 v35, v1  }
0x16f: {  	v35 =	vld [tilespmem:s21+$0x8020];
	v2 =	vadd.f32 v36, v2  }
0x170: {  	v36 =	vld [tilespmem:s21+$0x8030];
	v3 =	vadd.f32 v32, v3  }
0x171: {  	v32 =	vld [tilespmem:s21+$0x8040];
	v4 =	vadd.f32 v37, v4  }
0x172: {  	v5 =	vadd.f32 v33, v5;
	v33 =	vld [tilespmem:s21+$0x8050]  }
0x173: {  	v6 =	vadd.f32 v34, v6;
	v34 =	vld [tilespmem:s21+$0x8060]  }
0x174: {  	v7 =	vadd.f32 v35, v7;
	v35 =	vld [tilespmem:s21+$0x8070]  }
0x175: {  	v8 =	vadd.f32 v36, v8;
	v36 =	vld [tilespmem:s21+$0x8400]  }
0x176: {  	v9 =	vadd.f32 v32, v9;
	v32 =	vld [tilespmem:s21+$0x8410]  }
0x177: {  	v10 =	vadd.f32 v33, v10;
	v33 =	vld [tilespmem:s21+$0x8420]  }
0x178: {  	v11 =	vadd.f32 v34, v11;
	v34 =	vld [tilespmem:s21+$0x8430]  }
0x179: {  	v12 =	vadd.f32 v35, v12;
	v35 =	vld [tilespmem:s21+$0x8440]  }
0x17a: {  	v13 =	vadd.f32 v36, v13;
	v36 =	vld [tilespmem:s21+$0x8450]  }
0x17b: {  	v14 =	vadd.f32 v32, v14;
	v32 =	vld [tilespmem:s21+$0x8460]  }
0x17c: {  	v15 =	vadd.f32 v33, v15;
	v33 =	vld [tilespmem:s21+$0x8470]  }
0x17d: {  	v16 =	vadd.f32 v34, v16;
	v34 =	vld [tilespmem:s21+$0x8800]  }
0x17e: {  	v17 =	vadd.f32 v35, v17;
	v35 =	vld [tilespmem:s21+$0x8810]  }
0x17f: {  	v18 =	vadd.f32 v36, v18;
	v36 =	vld [tilespmem:s21+$0x8820]  }
0x180: {  	v19 =	vadd.f32 v32, v19;
	v32 =	vld [tilespmem:s21+$0x8830]  }
0x181: {  	v20 =	vadd.f32 v33, v20;
	v33 =	vld [tilespmem:s21+$0x8840]  }
0x182: {  	v21 =	vadd.f32 v34, v21;
	v34 =	vld [tilespmem:s21+$0x8850]  }
0x183: {  	v22 =	vadd.f32 v35, v22;
	v35 =	vld [tilespmem:s21+$0x8860]  }
0x184: {  	v23 =	vadd.f32 v36, v23;
	v36 =	vld [tilespmem:s21+$0x8870]  }
0x185: {  	v24 =	vadd.f32 v32, v24;
	v37 =	vld [tilespmem:s21+$0x8C00]  }
.Ltmp3:
0x186: {  	v25 =	vadd.f32 v33, v25;
	v32 =	vld [tilespmem:s21+$0x8C10];
	(pc) =	sbr.rel @p0 .LBB2_8-.Ltmp3, $4  }
0x187: {  	v26 =	vadd.f32 v34, v26;
	v33 =	vld [tilespmem:s21+$0x8C20]  }
0x188: {  	v29 =	vadd.f32 v35, v29;
	v34 =	vld [tilespmem:s21+$0x8C30]  }
0x189: {  	s22 =	sadd.s32 $0x80, s22;
	v30 =	vadd.f32 v36, v30;
	v35 =	vld [tilespmem:s21+$0x8C40]  }
0x18a: {  	s24 =	sand.u32 $0x7000, s23;
	s23 =	sadd.s32 $0x200, s23;
	s25 =	sand.u32 $0x380, s22;
	v31 =	vadd.f32 v37, v31;
	v36 =	vld [tilespmem:s21+$0x8C50]  }
0x18b: {  	s22 =	sor.u32 s25, s24;
	v37 =	vld [tilespmem:s21+$0x8C60]  }
0x18c: {  	v38 =	vld [tilespmem:s22+$0x8C70]  }
0x18d: {  	v62 =	vld [tilespmem:s22+$0x8870]  }
0x18e: {  	v39 =	vld [tilespmem:s22+$0x8000]  }
0x18f: {  	v40 =	vld [tilespmem:s22+$0x8010]  }
0x190: {  	v41 =	vld [tilespmem:s22+$0x8020]  }
0x191: {  	v42 =	vld [tilespmem:s22+$0x8030]  }
0x192: {  	[tilespmem:$0x1FE70] =	vst v62;
	v62 =	vld [tilespmem:s22+$0x8C10]  }
0x193: {  	v43 =	vld [tilespmem:s22+$0x8040]  }
0x194: {  	v44 =	vld [tilespmem:s22+$0x8050]  }
0x195: {  	v45 =	vld [tilespmem:s22+$0x8060]  }
0x196: {  	v46 =	vld [tilespmem:s22+$0x8070]  }
0x197: {  	[tilespmem:$0x1FE80] =	vst v62;
	v62 =	vld [tilespmem:s22+$0x8C20]  }
0x198: {  	v47 =	vld [tilespmem:s22+$0x8400]  }
0x199: {  	v48 =	vld [tilespmem:s22+$0x8410]  }
0x19a: {  	v49 =	vld [tilespmem:s22+$0x8420]  }
0x19b: {  	v50 =	vld [tilespmem:s22+$0x8430]  }
0x19c: {  	[tilespmem:$0x1FE90] =	vst v62;
	v62 =	vld [tilespmem:s22+$0x8C30]  }
0x19d: {  	v51 =	vld [tilespmem:s22+$0x8440]  }
0x19e: {  	v52 =	vld [tilespmem:s22+$0x8450]  }
0x19f: {  	v53 =	vld [tilespmem:s22+$0x8460]  }
0x1a0: {  	v54 =	vld [tilespmem:s22+$0x8470]  }
0x1a1: {  	[tilespmem:$0x1FEA0] =	vst v62;
	v62 =	vld [tilespmem:s22+$0x8C40]  }
0x1a2: {  	v55 =	vld [tilespmem:s22+$0x8800]  }
0x1a3: {  	v56 =	vld [tilespmem:s22+$0x8810]  }
0x1a4: {  	v57 =	vld [tilespmem:s22+$0x8820]  }
0x1a5: {  	v58 =	vld [tilespmem:s22+$0x8830]  }
0x1a6: {  	[tilespmem:$0x1FEB0] =	vst v62;
	v62 =	vld [tilespmem:s22+$0x8C50]  }
0x1a7: {  	v59 =	vld [tilespmem:s22+$0x8840]  }
0x1a8: {  	v60 =	vld [tilespmem:s22+$0x8850]  }
0x1a9: {  	v61 =	vld [tilespmem:s22+$0x8860]  }
0x1aa: {  	s30 =	simm.s32 $0x0;
	v63 =	vld [tilespmem:s22+$0x8C00]  }
0x1ab: {  	[tilespmem:$0x1FEC0] =	vst v62;
	v62 =	vld [tilespmem:s22+$0x8C60];
	[tilespmem:s13], [sflag:$0x2] =	stream.linear.gather [hbm4b:s8+s30], $0x8000, $0x38  }
0x1ac: {  	_ =	swait.ge [sflag:s14], $0x8000  }
0x1ad: {  	v25 =	vadd.f32 v59, v25;
	v59 =	vld [tilespmem:$0x1FE70]  }
0x1ae: {  	v26 =	vadd.f32 v60, v26;
	v60 =	vld [tilespmem:$0x1FE80]  }
0x1af: {  	v29 =	vadd.f32 v61, v29;
	v61 =	vld [tilespmem:$0x1FE90]  }
0x1b0: {  	v31 =	vadd.f32 v63, v31;
	v63 =	vld [tilespmem:$0x1FEA0]  }
0x1b1: {  	s31 =	sand.u32 $0x7000, s30;
	s21 =	sand.u32 $0x380, s30;
	v18 =	vadd.f32 v52, v18;
	[sflag:s14] =	ssyncset.done $0x0;
	v52 =	vld [tilespmem:$0x1FEB0]  }
0x1b2: {  	s21 =	sor.u32 s21, s31;
	v20 =	vadd.f32 v54, v20;
	v54 =	vld [tilespmem:$0x1FEC0];
	[sflag:s14] =	ssyncadd.s32 $0xFFFF8000  }
0x1b3: {  	v27 =	vadd.f32 v32, v27;
	v32 =	vld [tilespmem:s21+$0xC70]  }
0x1b4: {  	v28 =	vadd.f32 v33, v28;
	v33 =	vld [tilespmem:s21+$0x0]  }
0x1b5: {  	v0 =	vadd.f32 v34, v0;
	v34 =	vld [tilespmem:s21+$0x10]  }
0x1b6: {  	v1 =	vadd.f32 v35, v1;
	v35 =	vld [tilespmem:s21+$0x20]  }
0x1b7: {  	v2 =	vadd.f32 v36, v2;
	v3 =	vadd.f32 v37, v3;
	v36 =	vld [tilespmem:s21+$0x30]  }
0x1b8: {  	v4 =	vadd.f32 v38, v4;
	v5 =	vadd.f32 v39, v5;
	v37 =	vld [tilespmem:s21+$0x40]  }
0x1b9: {  	v6 =	vadd.f32 v40, v6;
	v7 =	vadd.f32 v41, v7;
	v38 =	vld [tilespmem:s21+$0x50]  }
0x1ba: {  	v8 =	vadd.f32 v42, v8;
	v9 =	vadd.f32 v43, v9;
	v39 =	vld [tilespmem:s21+$0x60]  }
0x1bb: {  	v10 =	vadd.f32 v44, v10;
	v11 =	vadd.f32 v45, v11;
	v40 =	vld [tilespmem:s21+$0x70]  }
0x1bc: {  	v12 =	vadd.f32 v46, v12;
	v13 =	vadd.f32 v47, v13;
	v41 =	vld [tilespmem:s21+$0x400]  }
0x1bd: {  	v14 =	vadd.f32 v48, v14;
	v15 =	vadd.f32 v49, v15;
	v42 =	vld [tilespmem:s21+$0x410]  }
0x1be: {  	v16 =	vadd.f32 v50, v16;
	v17 =	vadd.f32 v51, v17;
	v43 =	vld [tilespmem:s21+$0x420]  }
0x1bf: {  	v19 =	vadd.f32 v53, v19;
	v21 =	vadd.f32 v55, v21;
	v44 =	vld [tilespmem:s21+$0x430]  }
0x1c0: {  	v22 =	vadd.f32 v56, v22;
	v23 =	vadd.f32 v57, v23;
	v45 =	vld [tilespmem:s21+$0x440]  }
0x1c1: {  	v24 =	vadd.f32 v58, v24;
	v46 =	vld [tilespmem:s21+$0x450];
	v3 =	vadd.f32 v62, v3  }
0x1c2: {  	v47 =	vld [tilespmem:s21+$0x460];
	v30 =	vadd.f32 v59, v30;
	v27 =	vadd.f32 v60, v27  }
0x1c3: {  	v53 =	vld [tilespmem:s21+$0x470];
	v28 =	vadd.f32 v61, v28;
	v0 =	vadd.f32 v63, v0  }
0x1c4: {  	v55 =	vld [tilespmem:s21+$0x800];
	v1 =	vadd.f32 v52, v1;
	v2 =	vadd.f32 v54, v2  }
0x1c5: {  	v56 =	vld [tilespmem:s21+$0x810];
	v4 =	vadd.f32 v32, v4;
	v5 =	vadd.f32 v33, v5  }
0x1c6: {  	v57 =	vld [tilespmem:s21+$0x820];
	v6 =	vadd.f32 v34, v6;
	v7 =	vadd.f32 v35, v7  }
0x1c7: {  	v58 =	vld [tilespmem:s21+$0x830];
	v8 =	vadd.f32 v36, v8;
	v9 =	vadd.f32 v37, v9  }
0x1c8: {  	v62 =	vld [tilespmem:s21+$0x870];
	v10 =	vadd.f32 v38, v10;
	v11 =	vadd.f32 v39, v11  }
0x1c9: {  	v59 =	vld [tilespmem:s21+$0x840];
	v12 =	vadd.f32 v40, v12;
	v13 =	vadd.f32 v41, v13  }
0x1ca: {  	v60 =	vld [tilespmem:s21+$0x850];
	v14 =	vadd.f32 v42, v14;
	v15 =	vadd.f32 v43, v15  }
0x1cb: {  	v61 =	vld [tilespmem:s21+$0x860];
	v16 =	vadd.f32 v44, v16;
	v17 =	vadd.f32 v45, v17  }
0x1cc: {  	v63 =	vld [tilespmem:s21+$0xC00];
	v18 =	vadd.f32 v46, v18;
	v19 =	vadd.f32 v47, v19  }
0x1cd: {  	v20 =	vadd.f32 v53, v20;
	v21 =	vadd.f32 v55, v21;
	v32 =	vld [tilespmem:s21+$0xC10]  }
0x1ce: {  	v22 =	vadd.f32 v56, v22;
	v23 =	vadd.f32 v57, v23;
	v33 =	vld [tilespmem:s21+$0xC20]  }
0x1cf: {  	v24 =	vadd.f32 v58, v24;
	v34 =	vld [tilespmem:s21+$0xC30];
	v30 =	vadd.f32 v62, v30  }
0x1d0: {  	s23 =	simm.s32 $0x200;
	s22 =	simm.s32 $0x80;
	v35 =	vld [tilespmem:s21+$0xC40];
	v25 =	vadd.f32 v59, v25;
	v26 =	vadd.f32 v60, v26  }
0x1d1: {  	s24 =	sand.u32 $0x7000, s23;
	s23 =	simm.s32 $0x400;
	s25 =	sand.u32 $0x380, s22;
	v36 =	vld [tilespmem:s21+$0xC50];
	v29 =	vadd.f32 v61, v29;
	v31 =	vadd.f32 v63, v31  }
.LBB2_10:
0x1d2: {  	p0 =	sne.s32 s23, $0x7E00;
	v27 =	vadd.f32 v32, v27;
	v32 =	vld [tilespmem:s21+$0xC60];
	s21 =	sor.u32 s25, s24  }
0x1d3: {  	v37 =	vld [tilespmem:s21+$0xC70];
	v28 =	vadd.f32 v33, v28  }
0x1d4: {  	v33 =	vld [tilespmem:s21+$0x0];
	v0 =	vadd.f32 v34, v0  }
0x1d5: {  	v34 =	vld [tilespmem:s21+$0x10];
	v1 =	vadd.f32 v35, v1  }
0x1d6: {  	v35 =	vld [tilespmem:s21+$0x20];
	v2 =	vadd.f32 v36, v2  }
0x1d7: {  	v36 =	vld [tilespmem:s21+$0x30];
	v3 =	vadd.f32 v32, v3  }
0x1d8: {  	v32 =	vld [tilespmem:s21+$0x40];
	v4 =	vadd.f32 v37, v4  }
0x1d9: {  	v5 =	vadd.f32 v33, v5;
	v33 =	vld [tilespmem:s21+$0x50]  }
0x1da: {  	v6 =	vadd.f32 v34, v6;
	v34 =	vld [tilespmem:s21+$0x60]  }
0x1db: {  	v7 =	vadd.f32 v35, v7;
	v35 =	vld [tilespmem:s21+$0x70]  }
0x1dc: {  	v8 =	vadd.f32 v36, v8;
	v36 =	vld [tilespmem:s21+$0x400]  }
0x1dd: {  	v9 =	vadd.f32 v32, v9;
	v32 =	vld [tilespmem:s21+$0x410]  }
0x1de: {  	v10 =	vadd.f32 v33, v10;
	v33 =	vld [tilespmem:s21+$0x420]  }
0x1df: {  	v11 =	vadd.f32 v34, v11;
	v34 =	vld [tilespmem:s21+$0x430]  }
0x1e0: {  	v12 =	vadd.f32 v35, v12;
	v35 =	vld [tilespmem:s21+$0x440]  }
0x1e1: {  	v13 =	vadd.f32 v36, v13;
	v36 =	vld [tilespmem:s21+$0x450]  }
0x1e2: {  	v14 =	vadd.f32 v32, v14;
	v32 =	vld [tilespmem:s21+$0x460]  }
0x1e3: {  	v15 =	vadd.f32 v33, v15;
	v33 =	vld [tilespmem:s21+$0x470]  }
0x1e4: {  	v16 =	vadd.f32 v34, v16;
	v34 =	vld [tilespmem:s21+$0x800]  }
0x1e5: {  	v17 =	vadd.f32 v35, v17;
	v35 =	vld [tilespmem:s21+$0x810]  }
0x1e6: {  	v18 =	vadd.f32 v36, v18;
	v36 =	vld [tilespmem:s21+$0x820]  }
0x1e7: {  	v19 =	vadd.f32 v32, v19;
	v32 =	vld [tilespmem:s21+$0x830]  }
0x1e8: {  	v20 =	vadd.f32 v33, v20;
	v33 =	vld [tilespmem:s21+$0x840]  }
0x1e9: {  	v21 =	vadd.f32 v34, v21;
	v34 =	vld [tilespmem:s21+$0x850]  }
0x1ea: {  	v22 =	vadd.f32 v35, v22;
	v35 =	vld [tilespmem:s21+$0x860]  }
0x1eb: {  	v23 =	vadd.f32 v36, v23;
	v36 =	vld [tilespmem:s21+$0x870]  }
0x1ec: {  	v24 =	vadd.f32 v32, v24;
	v37 =	vld [tilespmem:s21+$0xC00]  }
.Ltmp4:
0x1ed: {  	v25 =	vadd.f32 v33, v25;
	v32 =	vld [tilespmem:s21+$0xC10];
	(pc) =	sbr.rel @p0 .LBB2_10-.Ltmp4, $4  }
0x1ee: {  	v26 =	vadd.f32 v34, v26;
	v33 =	vld [tilespmem:s21+$0xC20]  }
0x1ef: {  	v29 =	vadd.f32 v35, v29;
	v34 =	vld [tilespmem:s21+$0xC30]  }
0x1f0: {  	s22 =	sadd.s32 $0x80, s22;
	v30 =	vadd.f32 v36, v30;
	v35 =	vld [tilespmem:s21+$0xC40]  }
0x1f1: {  	s24 =	sand.u32 $0x7000, s23;
	s23 =	sadd.s32 $0x200, s23;
	s25 =	sand.u32 $0x380, s22;
	v31 =	vadd.f32 v37, v31;
	v36 =	vld [tilespmem:s21+$0xC50]  }
0x1f2: {  	s22 =	sor.u32 s25, s24;
	v37 =	vld [tilespmem:s21+$0xC60]  }
0x1f3: {  	v38 =	vld [tilespmem:s22+$0xC70]  }
0x1f4: {  	v62 =	vld [tilespmem:s22+$0x870]  }
0x1f5: {  	v39 =	vld [tilespmem:s22+$0x0]  }
0x1f6: {  	v40 =	vld [tilespmem:s22+$0x10]  }
0x1f7: {  	v41 =	vld [tilespmem:s22+$0x20]  }
0x1f8: {  	v42 =	vld [tilespmem:s22+$0x30]  }
0x1f9: {  	[tilespmem:$0x1FE10] =	vst v62;
	v62 =	vld [tilespmem:s22+$0xC10]  }
0x1fa: {  	v43 =	vld [tilespmem:s22+$0x40]  }
0x1fb: {  	v44 =	vld [tilespmem:s22+$0x50]  }
0x1fc: {  	v45 =	vld [tilespmem:s22+$0x60]  }
0x1fd: {  	v46 =	vld [tilespmem:s22+$0x70]  }
0x1fe: {  	[tilespmem:$0x1FE20] =	vst v62;
	v62 =	vld [tilespmem:s22+$0xC20]  }
0x1ff: {  	v47 =	vld [tilespmem:s22+$0x400]  }
0x200: {  	v48 =	vld [tilespmem:s22+$0x410]  }
0x201: {  	v49 =	vld [tilespmem:s22+$0x420]  }
0x202: {  	v50 =	vld [tilespmem:s22+$0x430]  }
0x203: {  	[tilespmem:$0x1FE30] =	vst v62;
	v62 =	vld [tilespmem:s22+$0xC30]  }
0x204: {  	v51 =	vld [tilespmem:s22+$0x440]  }
0x205: {  	v52 =	vld [tilespmem:s22+$0x450]  }
0x206: {  	v53 =	vld [tilespmem:s22+$0x460]  }
0x207: {  	v54 =	vld [tilespmem:s22+$0x470]  }
0x208: {  	[tilespmem:$0x1FE40] =	vst v62;
	v62 =	vld [tilespmem:s22+$0xC40]  }
0x209: {  	v55 =	vld [tilespmem:s22+$0x800]  }
0x20a: {  	v56 =	vld [tilespmem:s22+$0x810]  }
0x20b: {  	v57 =	vld [tilespmem:s22+$0x820]  }
0x20c: {  	v58 =	vld [tilespmem:s22+$0x830]  }
0x20d: {  	[tilespmem:$0x1FE50] =	vst v62;
	v62 =	vld [tilespmem:s22+$0xC50]  }
0x20e: {  	v59 =	vld [tilespmem:s22+$0x840]  }
0x20f: {  	v60 =	vld [tilespmem:s22+$0x850]  }
0x210: {  	v61 =	vld [tilespmem:s22+$0x860]  }
0x211: {  	s30 =	simm.s32 $0x0;
	v63 =	vld [tilespmem:s22+$0xC00]  }
0x212: {  	[tilespmem:$0x1FE60] =	vst v62;
	v62 =	vld [tilespmem:s22+$0xC60];
	[tilespmem:s30], [sflag:$0x1] =	stream.linear.gather [hbm4b:s9+s30], $0x8000, $0x38  }
0x213: {  	_ =	swait.ge [sflag:s15], $0x8000  }
0x214: {  	v25 =	vadd.f32 v59, v25;
	v59 =	vld [tilespmem:$0x1FE10]  }
0x215: {  	v26 =	vadd.f32 v60, v26;
	v60 =	vld [tilespmem:$0x1FE20]  }
0x216: {  	v29 =	vadd.f32 v61, v29;
	v61 =	vld [tilespmem:$0x1FE30]  }
0x217: {  	v31 =	vadd.f32 v63, v31;
	v63 =	vld [tilespmem:$0x1FE40]  }
0x218: {  	s31 =	sand.u32 $0x7000, s30;
	s21 =	sand.u32 $0x380, s30;
	v18 =	vadd.f32 v52, v18;
	[sflag:s15] =	ssyncset.done $0x0;
	v52 =	vld [tilespmem:$0x1FE50]  }
0x219: {  	s21 =	sor.u32 s21, s31;
	v20 =	vadd.f32 v54, v20;
	v54 =	vld [tilespmem:$0x1FE60];
	[sflag:s15] =	ssyncadd.s32 $0xFFFF8000  }
0x21a: {  	v27 =	vadd.f32 v32, v27;
	v32 =	vld [tilespmem:s21+$0x8C70]  }
0x21b: {  	v28 =	vadd.f32 v33, v28;
	v33 =	vld [tilespmem:s21+$0x8000]  }
0x21c: {  	v0 =	vadd.f32 v34, v0;
	v34 =	vld [tilespmem:s21+$0x8010]  }
0x21d: {  	v1 =	vadd.f32 v35, v1;
	v35 =	vld [tilespmem:s21+$0x8020]  }
0x21e: {  	v2 =	vadd.f32 v36, v2;
	v3 =	vadd.f32 v37, v3;
	v36 =	vld [tilespmem:s21+$0x8030]  }
0x21f: {  	v4 =	vadd.f32 v38, v4;
	v5 =	vadd.f32 v39, v5;
	v37 =	vld [tilespmem:s21+$0x8040]  }
0x220: {  	v6 =	vadd.f32 v40, v6;
	v7 =	vadd.f32 v41, v7;
	v38 =	vld [tilespmem:s21+$0x8050]  }
0x221: {  	v8 =	vadd.f32 v42, v8;
	v9 =	vadd.f32 v43, v9;
	v39 =	vld [tilespmem:s21+$0x8060]  }
0x222: {  	v10 =	vadd.f32 v44, v10;
	v11 =	vadd.f32 v45, v11;
	v40 =	vld [tilespmem:s21+$0x8070]  }
0x223: {  	v12 =	vadd.f32 v46, v12;
	v13 =	vadd.f32 v47, v13;
	v41 =	vld [tilespmem:s21+$0x8400]  }
0x224: {  	v14 =	vadd.f32 v48, v14;
	v15 =	vadd.f32 v49, v15;
	v42 =	vld [tilespmem:s21+$0x8410]  }
0x225: {  	v16 =	vadd.f32 v50, v16;
	v17 =	vadd.f32 v51, v17;
	v43 =	vld [tilespmem:s21+$0x8420]  }
0x226: {  	v19 =	vadd.f32 v53, v19;
	v21 =	vadd.f32 v55, v21;
	v44 =	vld [tilespmem:s21+$0x8430]  }
0x227: {  	v22 =	vadd.f32 v56, v22;
	v23 =	vadd.f32 v57, v23;
	v45 =	vld [tilespmem:s21+$0x8440]  }
0x228: {  	v24 =	vadd.f32 v58, v24;
	v46 =	vld [tilespmem:s21+$0x8450];
	v3 =	vadd.f32 v62, v3  }
0x229: {  	v47 =	vld [tilespmem:s21+$0x8460];
	v30 =	vadd.f32 v59, v30;
	v27 =	vadd.f32 v60, v27  }
0x22a: {  	v53 =	vld [tilespmem:s21+$0x8470];
	v28 =	vadd.f32 v61, v28;
	v0 =	vadd.f32 v63, v0  }
0x22b: {  	v55 =	vld [tilespmem:s21+$0x8800];
	v1 =	vadd.f32 v52, v1;
	v2 =	vadd.f32 v54, v2  }
0x22c: {  	v56 =	vld [tilespmem:s21+$0x8810];
	v4 =	vadd.f32 v32, v4;
	v5 =	vadd.f32 v33, v5  }
0x22d: {  	v57 =	vld [tilespmem:s21+$0x8820];
	v6 =	vadd.f32 v34, v6;
	v7 =	vadd.f32 v35, v7  }
0x22e: {  	v58 =	vld [tilespmem:s21+$0x8830];
	v8 =	vadd.f32 v36, v8;
	v9 =	vadd.f32 v37, v9  }
0x22f: {  	v62 =	vld [tilespmem:s21+$0x8870];
	v10 =	vadd.f32 v38, v10;
	v11 =	vadd.f32 v39, v11  }
0x230: {  	v59 =	vld [tilespmem:s21+$0x8840];
	v12 =	vadd.f32 v40, v12;
	v13 =	vadd.f32 v41, v13  }
0x231: {  	v60 =	vld [tilespmem:s21+$0x8850];
	v14 =	vadd.f32 v42, v14;
	v15 =	vadd.f32 v43, v15  }
0x232: {  	v61 =	vld [tilespmem:s21+$0x8860];
	v16 =	vadd.f32 v44, v16;
	v17 =	vadd.f32 v45, v17  }
0x233: {  	v63 =	vld [tilespmem:s21+$0x8C00];
	v18 =	vadd.f32 v46, v18;
	v19 =	vadd.f32 v47, v19  }
0x234: {  	v20 =	vadd.f32 v53, v20;
	v21 =	vadd.f32 v55, v21;
	v32 =	vld [tilespmem:s21+$0x8C10]  }
0x235: {  	v22 =	vadd.f32 v56, v22;
	v23 =	vadd.f32 v57, v23;
	v33 =	vld [tilespmem:s21+$0x8C20]  }
0x236: {  	v24 =	vadd.f32 v58, v24;
	v34 =	vld [tilespmem:s21+$0x8C30];
	v30 =	vadd.f32 v62, v30  }
0x237: {  	s23 =	simm.s32 $0x200;
	s22 =	simm.s32 $0x80;
	v35 =	vld [tilespmem:s21+$0x8C40];
	v25 =	vadd.f32 v59, v25;
	v26 =	vadd.f32 v60, v26  }
0x238: {  	s24 =	sand.u32 $0x7000, s23;
	s23 =	simm.s32 $0x400;
	s25 =	sand.u32 $0x380, s22;
	v36 =	vld [tilespmem:s21+$0x8C50];
	v29 =	vadd.f32 v61, v29;
	v31 =	vadd.f32 v63, v31  }
.LBB2_12:
0x239: {  	p0 =	sne.s32 s23, $0x7E00;
	v27 =	vadd.f32 v32, v27;
	v32 =	vld [tilespmem:s21+$0x8C60];
	s21 =	sor.u32 s25, s24  }
0x23a: {  	v37 =	vld [tilespmem:s21+$0x8C70];
	v28 =	vadd.f32 v33, v28  }
0x23b: {  	v33 =	vld [tilespmem:s21+$0x8000];
	v0 =	vadd.f32 v34, v0  }
0x23c: {  	v34 =	vld [tilespmem:s21+$0x8010];
	v1 =	vadd.f32 v35, v1  }
0x23d: {  	v35 =	vld [tilespmem:s21+$0x8020];
	v2 =	vadd.f32 v36, v2  }
0x23e: {  	v36 =	vld [tilespmem:s21+$0x8030];
	v3 =	vadd.f32 v32, v3  }
0x23f: {  	v32 =	vld [tilespmem:s21+$0x8040];
	v4 =	vadd.f32 v37, v4  }
0x240: {  	v5 =	vadd.f32 v33, v5;
	v33 =	vld [tilespmem:s21+$0x8050]  }
0x241: {  	v6 =	vadd.f32 v34, v6;
	v34 =	vld [tilespmem:s21+$0x8060]  }
0x242: {  	v7 =	vadd.f32 v35, v7;
	v35 =	vld [tilespmem:s21+$0x8070]  }
0x243: {  	v8 =	vadd.f32 v36, v8;
	v36 =	vld [tilespmem:s21+$0x8400]  }
0x244: {  	v9 =	vadd.f32 v32, v9;
	v32 =	vld [tilespmem:s21+$0x8410]  }
0x245: {  	v10 =	vadd.f32 v33, v10;
	v33 =	vld [tilespmem:s21+$0x8420]  }
0x246: {  	v11 =	vadd.f32 v34, v11;
	v34 =	vld [tilespmem:s21+$0x8430]  }
0x247: {  	v12 =	vadd.f32 v35, v12;
	v35 =	vld [tilespmem:s21+$0x8440]  }
0x248: {  	v13 =	vadd.f32 v36, v13;
	v36 =	vld [tilespmem:s21+$0x8450]  }
0x249: {  	v14 =	vadd.f32 v32, v14;
	v32 =	vld [tilespmem:s21+$0x8460]  }
0x24a: {  	v15 =	vadd.f32 v33, v15;
	v33 =	vld [tilespmem:s21+$0x8470]  }
0x24b: {  	v16 =	vadd.f32 v34, v16;
	v34 =	vld [tilespmem:s21+$0x8800]  }
0x24c: {  	v17 =	vadd.f32 v35, v17;
	v35 =	vld [tilespmem:s21+$0x8810]  }
0x24d: {  	v18 =	vadd.f32 v36, v18;
	v36 =	vld [tilespmem:s21+$0x8820]  }
0x24e: {  	v19 =	vadd.f32 v32, v19;
	v32 =	vld [tilespmem:s21+$0x8830]  }
0x24f: {  	v20 =	vadd.f32 v33, v20;
	v33 =	vld [tilespmem:s21+$0x8840]  }
0x250: {  	v21 =	vadd.f32 v34, v21;
	v34 =	vld [tilespmem:s21+$0x8850]  }
0x251: {  	v22 =	vadd.f32 v35, v22;
	v35 =	vld [tilespmem:s21+$0x8860]  }
0x252: {  	v23 =	vadd.f32 v36, v23;
	v36 =	vld [tilespmem:s21+$0x8870]  }
0x253: {  	v24 =	vadd.f32 v32, v24;
	v37 =	vld [tilespmem:s21+$0x8C00]  }
.Ltmp5:
0x254: {  	v25 =	vadd.f32 v33, v25;
	v32 =	vld [tilespmem:s21+$0x8C10];
	(pc) =	sbr.rel @p0 .LBB2_12-.Ltmp5, $4  }
0x255: {  	v26 =	vadd.f32 v34, v26;
	v33 =	vld [tilespmem:s21+$0x8C20]  }
0x256: {  	v29 =	vadd.f32 v35, v29;
	v34 =	vld [tilespmem:s21+$0x8C30]  }
0x257: {  	s22 =	sadd.s32 $0x80, s22;
	v30 =	vadd.f32 v36, v30;
	v35 =	vld [tilespmem:s21+$0x8C40]  }
0x258: {  	s24 =	sand.u32 $0x7000, s23;
	s23 =	sadd.s32 $0x200, s23;
	s25 =	sand.u32 $0x380, s22;
	v31 =	vadd.f32 v37, v31;
	v36 =	vld [tilespmem:s21+$0x8C50]  }
0x259: {  	s22 =	sor.u32 s25, s24;
	v37 =	vld [tilespmem:s21+$0x8C60]  }
0x25a: {  	v38 =	vld [tilespmem:s22+$0x8C70]  }
0x25b: {  	v62 =	vld [tilespmem:s22+$0x8870]  }
0x25c: {  	v39 =	vld [tilespmem:s22+$0x8000]  }
0x25d: {  	v40 =	vld [tilespmem:s22+$0x8010]  }
0x25e: {  	v41 =	vld [tilespmem:s22+$0x8020]  }
0x25f: {  	v42 =	vld [tilespmem:s22+$0x8030]  }
0x260: {  	[tilespmem:$0x1FDB0] =	vst v62;
	v62 =	vld [tilespmem:s22+$0x8C10]  }
0x261: {  	v43 =	vld [tilespmem:s22+$0x8040]  }
0x262: {  	v44 =	vld [tilespmem:s22+$0x8050]  }
0x263: {  	v45 =	vld [tilespmem:s22+$0x8060]  }
0x264: {  	v46 =	vld [tilespmem:s22+$0x8070]  }
0x265: {  	[tilespmem:$0x1FDC0] =	vst v62;
	v62 =	vld [tilespmem:s22+$0x8C20]  }
0x266: {  	v47 =	vld [tilespmem:s22+$0x8400]  }
0x267: {  	v48 =	vld [tilespmem:s22+$0x8410]  }
0x268: {  	v49 =	vld [tilespmem:s22+$0x8420]  }
0x269: {  	v50 =	vld [tilespmem:s22+$0x8430]  }
0x26a: {  	[tilespmem:$0x1FDD0] =	vst v62;
	v62 =	vld [tilespmem:s22+$0x8C30]  }
0x26b: {  	v51 =	vld [tilespmem:s22+$0x8440]  }
0x26c: {  	v52 =	vld [tilespmem:s22+$0x8450]  }
0x26d: {  	v53 =	vld [tilespmem:s22+$0x8460]  }
0x26e: {  	v54 =	vld [tilespmem:s22+$0x8470]  }
0x26f: {  	[tilespmem:$0x1FDE0] =	vst v62;
	v62 =	vld [tilespmem:s22+$0x8C40]  }
0x270: {  	v55 =	vld [tilespmem:s22+$0x8800]  }
0x271: {  	v56 =	vld [tilespmem:s22+$0x8810]  }
0x272: {  	v57 =	vld [tilespmem:s22+$0x8820]  }
0x273: {  	v58 =	vld [tilespmem:s22+$0x8830]  }
0x274: {  	[tilespmem:$0x1FDF0] =	vst v62;
	v62 =	vld [tilespmem:s22+$0x8C50]  }
0x275: {  	v59 =	vld [tilespmem:s22+$0x8840]  }
0x276: {  	v60 =	vld [tilespmem:s22+$0x8850]  }
0x277: {  	v61 =	vld [tilespmem:s22+$0x8860]  }
0x278: {  	s30 =	simm.s32 $0x0;
	v63 =	vld [tilespmem:s22+$0x8C00]  }
0x279: {  	[tilespmem:$0x1FE00] =	vst v62;
	v62 =	vld [tilespmem:s22+$0x8C60];
	[tilespmem:s13], [sflag:$0x2] =	stream.linear.gather [hbm4b:s10+s30], $0x8000, $0x38  }
0x27a: {  	_ =	swait.ge [sflag:s14], $0x8000  }
0x27b: {  	v25 =	vadd.f32 v59, v25;
	v59 =	vld [tilespmem:$0x1FDB0]  }
0x27c: {  	v26 =	vadd.f32 v60, v26;
	v60 =	vld [tilespmem:$0x1FDC0]  }
0x27d: {  	v29 =	vadd.f32 v61, v29;
	v61 =	vld [tilespmem:$0x1FDD0]  }
0x27e: {  	v31 =	vadd.f32 v63, v31;
	v63 =	vld [tilespmem:$0x1FDE0]  }
0x27f: {  	s31 =	sand.u32 $0x7000, s30;
	s21 =	sand.u32 $0x380, s30;
	v18 =	vadd.f32 v52, v18;
	[sflag:s14] =	ssyncset.done $0x0;
	v52 =	vld [tilespmem:$0x1FDF0]  }
0x280: {  	s21 =	sor.u32 s21, s31;
	v20 =	vadd.f32 v54, v20;
	v54 =	vld [tilespmem:$0x1FE00];
	[sflag:s14] =	ssyncadd.s32 $0xFFFF8000  }
0x281: {  	v27 =	vadd.f32 v32, v27;
	v32 =	vld [tilespmem:s21+$0xC70]  }
0x282: {  	v28 =	vadd.f32 v33, v28;
	v33 =	vld [tilespmem:s21+$0x0]  }
0x283: {  	v0 =	vadd.f32 v34, v0;
	v34 =	vld [tilespmem:s21+$0x10]  }
0x284: {  	v1 =	vadd.f32 v35, v1;
	v35 =	vld [tilespmem:s21+$0x20]  }
0x285: {  	v2 =	vadd.f32 v36, v2;
	v3 =	vadd.f32 v37, v3;
	v36 =	vld [tilespmem:s21+$0x30]  }
0x286: {  	v4 =	vadd.f32 v38, v4;
	v5 =	vadd.f32 v39, v5;
	v37 =	vld [tilespmem:s21+$0x40]  }
0x287: {  	v6 =	vadd.f32 v40, v6;
	v7 =	vadd.f32 v41, v7;
	v38 =	vld [tilespmem:s21+$0x50]  }
0x288: {  	v8 =	vadd.f32 v42, v8;
	v9 =	vadd.f32 v43, v9;
	v39 =	vld [tilespmem:s21+$0x60]  }
0x289: {  	v10 =	vadd.f32 v44, v10;
	v11 =	vadd.f32 v45, v11;
	v40 =	vld [tilespmem:s21+$0x70]  }
0x28a: {  	v12 =	vadd.f32 v46, v12;
	v13 =	vadd.f32 v47, v13;
	v41 =	vld [tilespmem:s21+$0x400]  }
0x28b: {  	v14 =	vadd.f32 v48, v14;
	v15 =	vadd.f32 v49, v15;
	v42 =	vld [tilespmem:s21+$0x410]  }
0x28c: {  	v16 =	vadd.f32 v50, v16;
	v17 =	vadd.f32 v51, v17;
	v43 =	vld [tilespmem:s21+$0x420]  }
0x28d: {  	v19 =	vadd.f32 v53, v19;
	v21 =	vadd.f32 v55, v21;
	v44 =	vld [tilespmem:s21+$0x430]  }
0x28e: {  	v22 =	vadd.f32 v56, v22;
	v23 =	vadd.f32 v57, v23;
	v45 =	vld [tilespmem:s21+$0x440]  }
0x28f: {  	v24 =	vadd.f32 v58, v24;
	v46 =	vld [tilespmem:s21+$0x450];
	v3 =	vadd.f32 v62, v3  }
0x290: {  	v47 =	vld [tilespmem:s21+$0x460];
	v30 =	vadd.f32 v59, v30;
	v27 =	vadd.f32 v60, v27  }
0x291: {  	v53 =	vld [tilespmem:s21+$0x470];
	v28 =	vadd.f32 v61, v28;
	v0 =	vadd.f32 v63, v0  }
0x292: {  	v55 =	vld [tilespmem:s21+$0x800];
	v1 =	vadd.f32 v52, v1;
	v2 =	vadd.f32 v54, v2  }
0x293: {  	v56 =	vld [tilespmem:s21+$0x810];
	v4 =	vadd.f32 v32, v4;
	v5 =	vadd.f32 v33, v5  }
0x294: {  	v57 =	vld [tilespmem:s21+$0x820];
	v6 =	vadd.f32 v34, v6;
	v7 =	vadd.f32 v35, v7  }
0x295: {  	v58 =	vld [tilespmem:s21+$0x830];
	v8 =	vadd.f32 v36, v8;
	v9 =	vadd.f32 v37, v9  }
0x296: {  	v62 =	vld [tilespmem:s21+$0x870];
	v10 =	vadd.f32 v38, v10;
	v11 =	vadd.f32 v39, v11  }
0x297: {  	v59 =	vld [tilespmem:s21+$0x840];
	v12 =	vadd.f32 v40, v12;
	v13 =	vadd.f32 v41, v13  }
0x298: {  	v60 =	vld [tilespmem:s21+$0x850];
	v14 =	vadd.f32 v42, v14;
	v15 =	vadd.f32 v43, v15  }
0x299: {  	v61 =	vld [tilespmem:s21+$0x860];
	v16 =	vadd.f32 v44, v16;
	v17 =	vadd.f32 v45, v17  }
0x29a: {  	v63 =	vld [tilespmem:s21+$0xC00];
	v18 =	vadd.f32 v46, v18;
	v19 =	vadd.f32 v47, v19  }
0x29b: {  	v20 =	vadd.f32 v53, v20;
	v21 =	vadd.f32 v55, v21;
	v32 =	vld [tilespmem:s21+$0xC10]  }
0x29c: {  	v22 =	vadd.f32 v56, v22;
	v23 =	vadd.f32 v57, v23;
	v33 =	vld [tilespmem:s21+$0xC20]  }
0x29d: {  	v24 =	vadd.f32 v58, v24;
	v34 =	vld [tilespmem:s21+$0xC30];
	v30 =	vadd.f32 v62, v30  }
0x29e: {  	s23 =	simm.s32 $0x200;
	s22 =	simm.s32 $0x80;
	v35 =	vld [tilespmem:s21+$0xC40];
	v25 =	vadd.f32 v59, v25;
	v26 =	vadd.f32 v60, v26  }
0x29f: {  	s24 =	sand.u32 $0x7000, s23;
	s23 =	simm.s32 $0x400;
	s25 =	sand.u32 $0x380, s22;
	v36 =	vld [tilespmem:s21+$0xC50];
	v29 =	vadd.f32 v61, v29;
	v31 =	vadd.f32 v63, v31  }
.LBB2_14:
0x2a0: {  	p0 =	sne.s32 s23, $0x7E00;
	v27 =	vadd.f32 v32, v27;
	v32 =	vld [tilespmem:s21+$0xC60];
	s21 =	sor.u32 s25, s24  }
0x2a1: {  	v37 =	vld [tilespmem:s21+$0xC70];
	v28 =	vadd.f32 v33, v28  }
0x2a2: {  	v33 =	vld [tilespmem:s21+$0x0];
	v0 =	vadd.f32 v34, v0  }
0x2a3: {  	v34 =	vld [tilespmem:s21+$0x10];
	v1 =	vadd.f32 v35, v1  }
0x2a4: {  	v35 =	vld [tilespmem:s21+$0x20];
	v2 =	vadd.f32 v36, v2  }
0x2a5: {  	v36 =	vld [tilespmem:s21+$0x30];
	v3 =	vadd.f32 v32, v3  }
0x2a6: {  	v32 =	vld [tilespmem:s21+$0x40];
	v4 =	vadd.f32 v37, v4  }
0x2a7: {  	v5 =	vadd.f32 v33, v5;
	v33 =	vld [tilespmem:s21+$0x50]  }
0x2a8: {  	v6 =	vadd.f32 v34, v6;
	v34 =	vld [tilespmem:s21+$0x60]  }
0x2a9: {  	v7 =	vadd.f32 v35, v7;
	v35 =	vld [tilespmem:s21+$0x70]  }
0x2aa: {  	v8 =	vadd.f32 v36, v8;
	v36 =	vld [tilespmem:s21+$0x400]  }
0x2ab: {  	v9 =	vadd.f32 v32, v9;
	v32 =	vld [tilespmem:s21+$0x410]  }
0x2ac: {  	v10 =	vadd.f32 v33, v10;
	v33 =	vld [tilespmem:s21+$0x420]  }
0x2ad: {  	v11 =	vadd.f32 v34, v11;
	v34 =	vld [tilespmem:s21+$0x430]  }
0x2ae: {  	v12 =	vadd.f32 v35, v12;
	v35 =	vld [tilespmem:s21+$0x440]  }
0x2af: {  	v13 =	vadd.f32 v36, v13;
	v36 =	vld [tilespmem:s21+$0x450]  }
0x2b0: {  	v14 =	vadd.f32 v32, v14;
	v32 =	vld [tilespmem:s21+$0x460]  }
0x2b1: {  	v15 =	vadd.f32 v33, v15;
	v33 =	vld [tilespmem:s21+$0x470]  }
0x2b2: {  	v16 =	vadd.f32 v34, v16;
	v34 =	vld [tilespmem:s21+$0x800]  }
0x2b3: {  	v17 =	vadd.f32 v35, v17;
	v35 =	vld [tilespmem:s21+$0x810]  }
0x2b4: {  	v18 =	vadd.f32 v36, v18;
	v36 =	vld [tilespmem:s21+$0x820]  }
0x2b5: {  	v19 =	vadd.f32 v32, v19;
	v32 =	vld [tilespmem:s21+$0x830]  }
0x2b6: {  	v20 =	vadd.f32 v33, v20;
	v33 =	vld [tilespmem:s21+$0x840]  }
0x2b7: {  	v21 =	vadd.f32 v34, v21;
	v34 =	vld [tilespmem:s21+$0x850]  }
0x2b8: {  	v22 =	vadd.f32 v35, v22;
	v35 =	vld [tilespmem:s21+$0x860]  }
0x2b9: {  	v23 =	vadd.f32 v36, v23;
	v36 =	vld [tilespmem:s21+$0x870]  }
0x2ba: {  	v24 =	vadd.f32 v32, v24;
	v37 =	vld [tilespmem:s21+$0xC00]  }
.Ltmp6:
0x2bb: {  	v25 =	vadd.f32 v33, v25;
	v32 =	vld [tilespmem:s21+$0xC10];
	(pc) =	sbr.rel @p0 .LBB2_14-.Ltmp6, $4  }
0x2bc: {  	v26 =	vadd.f32 v34, v26;
	v33 =	vld [tilespmem:s21+$0xC20]  }
0x2bd: {  	v29 =	vadd.f32 v35, v29;
	v34 =	vld [tilespmem:s21+$0xC30]  }
0x2be: {  	s22 =	sadd.s32 $0x80, s22;
	v30 =	vadd.f32 v36, v30;
	v35 =	vld [tilespmem:s21+$0xC40]  }
0x2bf: {  	s24 =	sand.u32 $0x7000, s23;
	s23 =	sadd.s32 $0x200, s23;
	s25 =	sand.u32 $0x380, s22;
	v31 =	vadd.f32 v37, v31;
	v36 =	vld [tilespmem:s21+$0xC50]  }
0x2c0: {  	s22 =	sor.u32 s25, s24  }
0x2c1: {  	v62 =	vld [tilespmem:s22+$0x870];
	_ =	sdelay $0x4  }
0x2c2: {  	[tilespmem:$0x1FD40] =	vst v62;
	v62 =	vld [tilespmem:s22+$0xC10]  }
0x2c3: {  	v37 =	vld [tilespmem:s21+$0xC60]  }
0x2c4: {  	v38 =	vld [tilespmem:s22+$0xC70]  }
0x2c5: {  	v39 =	vld [tilespmem:s22+$0x0]  }
0x2c6: {  	v40 =	vld [tilespmem:s22+$0x10]  }
0x2c7: {  	[tilespmem:$0x1FD50] =	vst v62;
	v62 =	vld [tilespmem:s22+$0xC20]  }
0x2c8: {  	v41 =	vld [tilespmem:s22+$0x20]  }
0x2c9: {  	v42 =	vld [tilespmem:s22+$0x30]  }
0x2ca: {  	v43 =	vld [tilespmem:s22+$0x40]  }
0x2cb: {  	v44 =	vld [tilespmem:s22+$0x50]  }
0x2cc: {  	[tilespmem:$0x1FD60] =	vst v62;
	v62 =	vld [tilespmem:s22+$0xC30]  }
0x2cd: {  	v45 =	vld [tilespmem:s22+$0x60]  }
0x2ce: {  	v46 =	vld [tilespmem:s22+$0x70]  }
0x2cf: {  	v47 =	vld [tilespmem:s22+$0x400]  }
0x2d0: {  	v48 =	vld [tilespmem:s22+$0x410]  }
0x2d1: {  	[tilespmem:$0x1FD70] =	vst v62;
	v62 =	vld [tilespmem:s22+$0xC40]  }
0x2d2: {  	v49 =	vld [tilespmem:s22+$0x420]  }
0x2d3: {  	v50 =	vld [tilespmem:s22+$0x430]  }
0x2d4: {  	v51 =	vld [tilespmem:s22+$0x440]  }
0x2d5: {  	v52 =	vld [tilespmem:s22+$0x450]  }
0x2d6: {  	[tilespmem:$0x1FD80] =	vst v62;
	v62 =	vld [tilespmem:s22+$0xC50]  }
0x2d7: {  	v53 =	vld [tilespmem:s22+$0x460]  }
0x2d8: {  	v54 =	vld [tilespmem:s22+$0x470]  }
0x2d9: {  	v55 =	vld [tilespmem:s22+$0x800]  }
0x2da: {  	v56 =	vld [tilespmem:s22+$0x810]  }
0x2db: {  	[tilespmem:$0x1FD90] =	vst v62;
	v62 =	vld [tilespmem:s22+$0xC60]  }
0x2dc: {  	v57 =	vld [tilespmem:s22+$0x820]  }
0x2dd: {  	v58 =	vld [tilespmem:s22+$0x830]  }
0x2de: {  	v59 =	vld [tilespmem:s22+$0x840]  }
0x2df: {  	v60 =	vld [tilespmem:s22+$0x850]  }
0x2e0: {  	v61 =	vld [tilespmem:s22+$0x860];
	[tilespmem:$0x1FDA0] =	vst v62  }
0x2e1: {  	v63 =	vld [tilespmem:s22+$0xC00];
	_ =	swait.ge [sflag:s15], $0x8000  }
0x2e2: {  	v28 =	vadd.f32 v33, v28;
	v33 =	vadd.f32 v37, v3;
	v3 =	vld [tilespmem:$0x1FD40];
	_ =	sdelay $0x3  }
0x2e3: {  	s30 =	simm.s32 $0x0;
	v15 =	vadd.f32 v49, v15  }
0x2e4: {  	s31 =	sand.u32 $0x7000, s30;
	s21 =	sand.u32 $0x380, s30;
	v49 =	vadd.f32 v56, v22;
	[sflag:s15] =	ssyncset.done $0x0;
	v56 =	vadd.f32 v3, v30;
	v3 =	vld [tilespmem:$0x1FD50]  }
0x2e5: {  	s21 =	sor.u32 s21, s31;
	[sflag:s15] =	ssyncadd.s32 $0xFFFF8000  }
0x2e6: {  	v27 =	vadd.f32 v32, v27;
	v32 =	vld [tilespmem:s21+$0x8C70]  }
0x2e7: {  	v0 =	vadd.f32 v34, v0;
	v34 =	vld [tilespmem:s21+$0x8000]  }
0x2e8: {  	v1 =	vadd.f32 v35, v1;
	v35 =	vadd.f32 v38, v4;
	v37 =	vld [tilespmem:s21+$0x8010]  }
0x2e9: {  	v38 =	vadd.f32 v40, v6;
	v6 =	vadd.f32 v3, v27;
	v3 =	vld [tilespmem:$0x1FD60]  }
0x2ea: {  	v2 =	vadd.f32 v36, v2;
	v36 =	vadd.f32 v39, v5;
	v39 =	vld [tilespmem:s21+$0x8020]  }
0x2eb: {  	v40 =	vld [tilespmem:s21+$0x8030]  }
0x2ec: {  	v7 =	vadd.f32 v41, v7;
	v41 =	vld [tilespmem:s21+$0x8040]  }
0x2ed: {  	v8 =	vadd.f32 v42, v8;
	v42 =	vld [tilespmem:s21+$0x8050]  }
0x2ee: {  	v5 =	vadd.f32 v3, v28;
	v3 =	vld [tilespmem:$0x1FD70]  }
0x2ef: {  	v9 =	vadd.f32 v43, v9;
	v43 =	vld [tilespmem:s21+$0x8060]  }
0x2f0: {  	v10 =	vadd.f32 v44, v10;
	v44 =	vld [tilespmem:s21+$0x8070]  }
0x2f1: {  	v11 =	vadd.f32 v45, v11;
	v45 =	vadd.f32 v52, v18;
	v18 =	vld [tilespmem:s21+$0x8400]  }
0x2f2: {  	v12 =	vadd.f32 v46, v12;
	v46 =	vadd.f32 v53, v19;
	v19 =	vld [tilespmem:s21+$0x8410]  }
0x2f3: {  	v4 =	vadd.f32 v3, v0;
	v0 =	vld [tilespmem:$0x1FD80]  }
0x2f4: {  	v13 =	vadd.f32 v47, v13;
	v47 =	vadd.f32 v54, v20;
	v20 =	vld [tilespmem:s21+$0x8420]  }
0x2f5: {  	v14 =	vadd.f32 v48, v14;
	v48 =	vadd.f32 v55, v21;
	v21 =	vld [tilespmem:s21+$0x8430]  }
0x2f6: {  	v55 =	vld [tilespmem:s21+$0x8440]  }
0x2f7: {  	v17 =	vadd.f32 v51, v17;
	v51 =	vadd.f32 v58, v24;
	v58 =	vld [tilespmem:s21+$0x8450]  }
0x2f8: {  	v3 =	vadd.f32 v0, v1;
	v0 =	vld [tilespmem:$0x1FD90]  }
0x2f9: {  	v16 =	vadd.f32 v50, v16;
	v52 =	vadd.f32 v59, v25;
	v59 =	vld [tilespmem:s21+$0x8460]  }
0x2fa: {  	v50 =	vadd.f32 v57, v23;
	v53 =	vadd.f32 v60, v26;
	v60 =	vld [tilespmem:s21+$0x8470]  }
0x2fb: {  	v54 =	vadd.f32 v61, v29;
	v57 =	vadd.f32 v63, v31;
	v61 =	vld [tilespmem:s21+$0x8810]  }
0x2fc: {  	v62 =	vld [tilespmem:s21+$0x8870];
	v30 =	vadd.f32 v34, v36;
	v31 =	vadd.f32 v37, v38  }
0x2fd: {  	v29 =	vadd.f32 v40, v8;
	v2 =	vadd.f32 v0, v2;
	v0 =	vld [tilespmem:$0x1FDA0]  }
0x2fe: {  	v63 =	vld [tilespmem:s21+$0x8C00];
	v26 =	vadd.f32 v41, v9;
	v24 =	vadd.f32 v43, v11  }
0x2ff: {  	v8 =	vld [tilespmem:s21+$0x8830];
	v25 =	vadd.f32 v44, v12;
	v22 =	vadd.f32 v18, v13  }
0x300: {  	v9 =	vld [tilespmem:s21+$0x8840];
	v23 =	vadd.f32 v19, v14;
	v20 =	vadd.f32 v20, v15  }
0x301: {  	v21 =	vadd.f32 v21, v16;
	v27 =	vadd.f32 v42, v10;
	v10 =	vld [tilespmem:s21+$0x8850]  }
0x302: {  	v18 =	vadd.f32 v55, v17;
	v1 =	vadd.f32 v0, v33;
	v33 =	vld [tilespmem:s21+$0x8800]  }
0x303: {  	v19 =	vadd.f32 v58, v45;
	v28 =	vadd.f32 v39, v7;
	v7 =	vld [tilespmem:s21+$0x8820]  }
0x304: {  	v13 =	vld [tilespmem:s21+$0x8860];
	v16 =	vadd.f32 v59, v46;
	v17 =	vadd.f32 v60, v47  }
0x305: {  	v15 =	vadd.f32 v61, v49;
	v0 =	vadd.f32 v32, v35;
	v35 =	vld [tilespmem:s21+$0x8C10]  }
0x306: {  	v12 =	vadd.f32 v8, v51;
	v8 =	vadd.f32 v10, v53;
	v32 =	vld [tilespmem:s21+$0x8C20]  }
0x307: {  	v10 =	vadd.f32 v62, v56;
	v14 =	vadd.f32 v33, v48;
	v33 =	vld [tilespmem:s21+$0x8C30]  }
0x308: {  	s23 =	simm.s32 $0x200;
	s22 =	simm.s32 $0x80;
	v34 =	vld [tilespmem:s21+$0x8C40];
	v11 =	vadd.f32 v7, v50;
	v7 =	vadd.f32 v9, v52  }
0x309: {  	s24 =	sand.u32 $0x7000, s23;
	s23 =	simm.s32 $0x400;
	s25 =	sand.u32 $0x380, s22;
	v36 =	vld [tilespmem:s21+$0x8C50];
	v9 =	vadd.f32 v13, v54;
	v13 =	vadd.f32 v63, v57  }
.LBB2_16:
0x30a: {  	p0 =	sne.s32 s23, $0x7E00;
	v6 =	vadd.f32 v35, v6;
	v35 =	vld [tilespmem:s21+$0x8C60];
	s21 =	sor.u32 s25, s24  }
0x30b: {  	v37 =	vld [tilespmem:s21+$0x8C70];
	v5 =	vadd.f32 v32, v5  }
0x30c: {  	v32 =	vld [tilespmem:s21+$0x8000];
	v4 =	vadd.f32 v33, v4  }
0x30d: {  	v33 =	vld [tilespmem:s21+$0x8010];
	v3 =	vadd.f32 v34, v3  }
0x30e: {  	v34 =	vld [tilespmem:s21+$0x8020];
	v2 =	vadd.f32 v36, v2  }
0x30f: {  	v36 =	vld [tilespmem:s21+$0x8030];
	v1 =	vadd.f32 v35, v1  }
0x310: {  	v35 =	vld [tilespmem:s21+$0x8040];
	v0 =	vadd.f32 v37, v0  }
0x311: {  	v30 =	vadd.f32 v32, v30;
	v32 =	vld [tilespmem:s21+$0x8050]  }
0x312: {  	v31 =	vadd.f32 v33, v31;
	v33 =	vld [tilespmem:s21+$0x8060]  }
0x313: {  	v28 =	vadd.f32 v34, v28;
	v34 =	vld [tilespmem:s21+$0x8070]  }
0x314: {  	v29 =	vadd.f32 v36, v29;
	v36 =	vld [tilespmem:s21+$0x8400]  }
0x315: {  	v26 =	vadd.f32 v35, v26;
	v35 =	vld [tilespmem:s21+$0x8410]  }
0x316: {  	v27 =	vadd.f32 v32, v27;
	v32 =	vld [tilespmem:s21+$0x8420]  }
0x317: {  	v24 =	vadd.f32 v33, v24;
	v33 =	vld [tilespmem:s21+$0x8430]  }
0x318: {  	v25 =	vadd.f32 v34, v25;
	v34 =	vld [tilespmem:s21+$0x8440]  }
0x319: {  	v22 =	vadd.f32 v36, v22;
	v36 =	vld [tilespmem:s21+$0x8450]  }
0x31a: {  	v23 =	vadd.f32 v35, v23;
	v35 =	vld [tilespmem:s21+$0x8460]  }
0x31b: {  	v20 =	vadd.f32 v32, v20;
	v32 =	vld [tilespmem:s21+$0x8470]  }
0x31c: {  	v21 =	vadd.f32 v33, v21;
	v33 =	vld [tilespmem:s21+$0x8800]  }
0x31d: {  	v18 =	vadd.f32 v34, v18;
	v34 =	vld [tilespmem:s21+$0x8810]  }
0x31e: {  	v19 =	vadd.f32 v36, v19;
	v36 =	vld [tilespmem:s21+$0x8820]  }
0x31f: {  	v16 =	vadd.f32 v35, v16;
	v35 =	vld [tilespmem:s21+$0x8830]  }
0x320: {  	v17 =	vadd.f32 v32, v17;
	v32 =	vld [tilespmem:s21+$0x8840]  }
0x321: {  	v14 =	vadd.f32 v33, v14;
	v33 =	vld [tilespmem:s21+$0x8850]  }
0x322: {  	v15 =	vadd.f32 v34, v15;
	v34 =	vld [tilespmem:s21+$0x8860]  }
0x323: {  	v11 =	vadd.f32 v36, v11;
	v36 =	vld [tilespmem:s21+$0x8870]  }
0x324: {  	v12 =	vadd.f32 v35, v12;
	v37 =	vld [tilespmem:s21+$0x8C00]  }
.Ltmp7:
0x325: {  	v7 =	vadd.f32 v32, v7;
	v35 =	vld [tilespmem:s21+$0x8C10];
	(pc) =	sbr.rel @p0 .LBB2_16-.Ltmp7, $4  }
0x326: {  	v8 =	vadd.f32 v33, v8;
	v32 =	vld [tilespmem:s21+$0x8C20]  }
0x327: {  	v9 =	vadd.f32 v34, v9;
	v33 =	vld [tilespmem:s21+$0x8C30]  }
0x328: {  	s22 =	sadd.s32 $0x80, s22;
	v10 =	vadd.f32 v36, v10;
	v34 =	vld [tilespmem:s21+$0x8C40]  }
0x329: {  	s24 =	sand.u32 $0x7000, s23;
	s23 =	sadd.s32 $0x200, s23;
	s25 =	sand.u32 $0x380, s22;
	v13 =	vadd.f32 v37, v13;
	v36 =	vld [tilespmem:s21+$0x8C50]  }
0x32a: {  	s22 =	sor.u32 s25, s24;
	v37 =	vld [tilespmem:s21+$0x8C60]  }
0x32b: {  	v63 =	vld [tilespmem:s22+$0x8C70]  }
0x32c: {  	v39 =	vld [tilespmem:s22+$0x8000]  }
0x32d: {  	v40 =	vld [tilespmem:s22+$0x8010]  }
0x32e: {  	v41 =	vld [tilespmem:s22+$0x8020]  }
0x32f: {  	v42 =	vld [tilespmem:s22+$0x8030]  }
0x330: {  	v43 =	vld [tilespmem:s22+$0x8040]  }
0x331: {  	v44 =	vld [tilespmem:s22+$0x8050]  }
0x332: {  	v45 =	vld [tilespmem:s22+$0x8060]  }
0x333: {  	v46 =	vld [tilespmem:s22+$0x8070]  }
0x334: {  	v47 =	vld [tilespmem:s22+$0x8400]  }
0x335: {  	v48 =	vld [tilespmem:s22+$0x8410]  }
0x336: {  	v49 =	vld [tilespmem:s22+$0x8420]  }
0x337: {  	v50 =	vld [tilespmem:s22+$0x8430]  }
0x338: {  	v51 =	vld [tilespmem:s22+$0x8440]  }
0x339: {  	v52 =	vld [tilespmem:s22+$0x8450]  }
0x33a: {  	v38 =	vld [tilespmem:s22+$0x8C20]  }
0x33b: {  	v53 =	vld [tilespmem:s22+$0x8460]  }
0x33c: {  	v54 =	vld [tilespmem:s22+$0x8470]  }
0x33d: {  	v55 =	vld [tilespmem:s22+$0x8800]  }
0x33e: {  	v56 =	vld [tilespmem:s22+$0x8810]  }
0x33f: {  	[tilespmem:$0x1FCF0] =	vst v38;
	v38 =	vld [tilespmem:s22+$0x8C30]  }
0x340: {  	v57 =	vld [tilespmem:s22+$0x8820]  }
0x341: {  	v58 =	vld [tilespmem:s22+$0x8830]  }
0x342: {  	v59 =	vld [tilespmem:s22+$0x8840]  }
0x343: {  	v60 =	vld [tilespmem:s22+$0x8850]  }
0x344: {  	[tilespmem:$0x1FD00] =	vst v38;
	v38 =	vld [tilespmem:s22+$0x8C40]  }
0x345: {  	v61 =	vld [tilespmem:s22+$0x8860]  }
0x346: {  	v62 =	vld [tilespmem:s22+$0x8870]  }
0x347: {  	[tilespmem:$0x1FD10] =	vst v37;
	v37 =	vld [tilespmem:s22+$0x8C10]  }
0x348: {  	[tilespmem:$0x1FD30] =	vst v63;
	v63 =	vld [tilespmem:s22+$0x8C00];
	v30 =	vadd.f32 v39, v30  }
0x349: {  	v39 =	vld [tilespmem:s22+$0x8C50];
	v31 =	vadd.f32 v40, v31;
	[tilespmem:$0x1FD20] =	vst v38  }
0x34a: {  	v28 =	vadd.f32 v41, v28;
	v38 =	vld [tilespmem:s22+$0x8C60];
	[tilespmem:$0x0] =	vst v30  }
0x34b: {  	v29 =	vadd.f32 v42, v29;
	[tilespmem:$0x10] =	vst v31  }
0x34c: {  	v26 =	vadd.f32 v43, v26;
	[tilespmem:$0x20] =	vst v28  }
0x34d: {  	v27 =	vadd.f32 v44, v27;
	[tilespmem:$0x30] =	vst v29  }
0x34e: {  	v24 =	vadd.f32 v45, v24;
	[tilespmem:$0x40] =	vst v26  }
0x34f: {  	v25 =	vadd.f32 v46, v25;
	[tilespmem:$0x50] =	vst v27  }
0x350: {  	v22 =	vadd.f32 v47, v22;
	[tilespmem:$0x60] =	vst v24  }
0x351: {  	v23 =	vadd.f32 v48, v23;
	[tilespmem:$0x70] =	vst v25  }
0x352: {  	v20 =	vadd.f32 v49, v20;
	[tilespmem:$0x400] =	vst v22  }
0x353: {  	v21 =	vadd.f32 v50, v21;
	[tilespmem:$0x410] =	vst v23  }
0x354: {  	v18 =	vadd.f32 v51, v18;
	[tilespmem:$0x420] =	vst v20  }
0x355: {  	v19 =	vadd.f32 v52, v19;
	[tilespmem:$0x430] =	vst v21  }
0x356: {  	v16 =	vadd.f32 v53, v16;
	[tilespmem:$0x440] =	vst v18  }
0x357: {  	v17 =	vadd.f32 v54, v17;
	[tilespmem:$0x450] =	vst v19  }
0x358: {  	v14 =	vadd.f32 v55, v14;
	[tilespmem:$0x460] =	vst v16  }
0x359: {  	v15 =	vadd.f32 v56, v15;
	[tilespmem:$0x470] =	vst v17  }
0x35a: {  	v11 =	vadd.f32 v57, v11;
	[tilespmem:$0x800] =	vst v14  }
0x35b: {  	v12 =	vadd.f32 v58, v12;
	[tilespmem:$0x810] =	vst v15  }
0x35c: {  	v7 =	vadd.f32 v59, v7;
	[tilespmem:$0x820] =	vst v11  }
0x35d: {  	v8 =	vadd.f32 v60, v8;
	v59 =	vld [tilespmem:$0x1FCF0];
	[tilespmem:$0x830] =	vst v12  }
0x35e: {  	v6 =	vadd.f32 v35, v6;
	v9 =	vadd.f32 v61, v9;
	v61 =	vld [tilespmem:$0x1FD10];
	[tilespmem:$0x840] =	vst v7  }
0x35f: {  	v57 =	vadd.f32 v62, v10;
	v58 =	vadd.f32 v63, v13;
	v63 =	vld [tilespmem:$0x1FD30];
	[tilespmem:$0x850] =	vst v8  }
0x360: {  	v5 =	vadd.f32 v32, v5;
	v60 =	vld [tilespmem:$0x1FD00];
	[tilespmem:$0x860] =	vst v9  }
0x361: {  	v2 =	vadd.f32 v36, v2;
	v6 =	vadd.f32 v37, v6;
	[tilespmem:$0x870] =	vst v57  }
0x362: {  	v5 =	vadd.f32 v59, v5;
	[tilespmem:$0xC00] =	vst v58;
	v62 =	vld [tilespmem:$0x1FD20]  }
0x363: {  	v4 =	vadd.f32 v33, v4;
	v2 =	vadd.f32 v39, v2;
	[tilespmem:$0xC10] =	vst v6  }
0x364: {  	v1 =	vadd.f32 v61, v1;
	[tilespmem:$0xC20] =	vst v5;
	v0 =	vadd.f32 v63, v0  }
0x365: {  	v3 =	vadd.f32 v34, v3;
	[tilespmem:$0xC50] =	vst v2;
	v4 =	vadd.f32 v60, v4  }
0x366: {  	[tilespmem:$0xC70] =	vst v0;
	v1 =	vadd.f32 v38, v1  }
0x367: {  	[tilespmem:$0xC30] =	vst v4;
	v3 =	vadd.f32 v62, v3  }
0x368: {  	[tilespmem:$0xC60] =	vst v1  }
0x369: {  	[tilespmem:$0xC40] =	vst v3  }
0x36a: {  	[hbm4b:s11+s2] =	stream.linear.scatter [tilespmem:s2], [sflag:$0x3], $0x80, $0x38;
	[tilespmem:$0x10000] =	vst v63  }
0x36b: {  	s29 =	sadd.s32 $0x80, s11;
	s20 =	sadd.s32 $0x1, s20  }
0x36c: {  	[hbm4b:s29+s2] =	stream.linear.scatter [tilespmem:s16], [sflag:$0x3], $0x80, $0x38;
	[tilespmem:$0x10000] =	vst v63  }
0x36d: {  	s30 =	sadd.s32 $0x100, s11;
	p0 =	sne.s32 s20, s12  }
0x36e: {  	[hbm4b:s30+s2] =	stream.linear.scatter [tilespmem:s17], [sflag:$0x3], $0x80, $0x38;
	[tilespmem:$0x10000] =	vst v63  }
.Ltmp8:
0x36f: {  	s31 =	sadd.s32 $0x180, s11;
	(pc) =	sbr.rel @p0 .LBB2_1-.Ltmp8, $4  }
0x370: {  	[hbm4b:s31+s2] =	stream.linear.scatter [tilespmem:s18], [sflag:$0x3], $0x80, $0x38;
	[tilespmem:$0x10000] =	vst v63  }
0x371: {  	_ =	swait.ge [sflag:s19], $0x200  }
0x372: {  	[sflag:s19] =	ssyncset.done $0x0  }
0x373: {  	[sflag:s19] =	ssyncadd.s32 $0xFFFFFE00  }
0x374: {  	_ =	sfence.sel $0x180000  }
0x375: {  	[bflag:$0x0] =	sbarrier.arrive $0xFFFF  }
0x376: {  	p0 =	sne.s32 s0, $0x0;
	_ =	strace $0x90000047  }
0x377: {  	s0 =	sadd.s32 @!p0 $0x100000, s1;
	[bflag:$0x2] =	sbarrier.arrive $0xFFFF  }
0x378: {  	[sflag:s0] =	ssyncadd.tile.s32 @!p0 $0x1;
	_ =	shalt  }
.Lfunc_end2:
_tile_overlayer_lowered:
.L_overlay_start_2:
0x379: {  	(tag) =	ssettag $0x2  }
0x37a: {  	s0 =	rddreg [dreg:$0x0];
	s2 =	stileid.u32  }
0x37b: {  	s1 =	rddreg [dreg:$0x1];
	p0 =	sne.s32 s2, $0x0  }
0x37c: {  	s3 =	rddreg [dreg:$0x2];
	[bflag:$0x3] =	sbarrier.arrive $0xFFFF;
	s2 =	simm.s32 @!p0 $0x1C03  }
0x37d: {  	[timem:s3], [sflag:s2] =	dma.local @!p0 [hbm:s0], s1  }
0x37e: {  	s0 =	simm.s32 @!p0 $0x3  }
0x37f: {  	_ =	swait.ge @!p0 [sflag:s0], s1  }
0x380: {  	s1 =	ssub.s32 @!p0 $0x0, s1;
	[sflag:s0] =	ssyncset.done @!p0 $0x0  }
0x381: {  	[sflag:s0] =	ssyncadd.s32 @!p0 s1  }
0x382: {  	[bflag:$0x3] =	sbarrier.arrive $0xFFFF  }
0x383: {  	_ =	shalt  }

</sc_bundles>
